<compile_context>
chip_gen: v7x
topology: tpu7x:2x2x1
jax: 0.10.2.dev20260603
libtpu: 0.0.44.dev20260713+nightly
codegen_flags: <defaults>
</compile_context>

<pallas_src>
import functools

import jax
import jax.numpy as jnp
from jax import lax
from jax.experimental import pallas as pl
from jax.experimental.pallas import tpu as pltpu
from jax.experimental.pallas import tpu_sc as plsc

NUM_VOXEL_X = 128
NUM_VOXEL_Y = 128
NUM_CHANNELS = 80

NC = 2
NS = 16
L = 16
CK = 88


def _sc_pool(table, meta, *, num_cams, num_depth, hw):
    n_slices = num_cams * num_depth
    n_pts = n_slices * hw
    n_vox = NUM_VOXEL_Y * NUM_VOXEL_X
    CH = NUM_CHANNELS // NC
    spt = n_slices // NS
    rows_per_tile = n_vox // NS
    cps = hw // CK
    ck_offs = [o * L for o in range(CK // L)]
    if CK % L:
        ck_offs.append(CK - L)
    ch_offs = [o * L for o in range(CH // L)]
    if CH % L:
        ch_offs.append(CH - L)

    mesh = plsc.VectorSubcoreMesh(
        core_axis_name="c", subcore_axis_name="s", num_cores=NC, num_subcores=NS
    )

    @functools.partial(
        pl.kernel,
        out_type=jax.ShapeDtypeStruct((1, NUM_VOXEL_Y, NUM_VOXEL_X,
                                       NUM_CHANNELS), jnp.float32),
        mesh=mesh,
        compiler_params=pltpu.CompilerParams(use_tc_tiling_on_sc=False,
                                             needs_layout_passes=False),
        scratch_types=[
            pltpu.VMEM((hw, CH), jnp.float32),
            pltpu.VMEM((hw, CH), jnp.float32),
            pltpu.VMEM((hw, CH), jnp.float32),
            pltpu.VMEM((3, hw), jnp.int32),
            pltpu.VMEM((3, hw), jnp.int32),
            pltpu.VMEM((cps, CK), jnp.int32),
            pltpu.VMEM((cps, CK), jnp.int32),
            pltpu.VMEM_SHARED((n_vox, CH), jnp.float32),
            pltpu.SemaphoreType.DMA,
            pltpu.SemaphoreType.DMA,
            pltpu.SemaphoreType.DMA,
            pltpu.SemaphoreType.DMA,
        ],
    )
    def pool(table_hbm, meta_hbm, out_hbm,
             table_buf, res_a, res_b, pk_a, pk_b, idx_a, idx_b, acc,
             sem_a, sem_b, lsem_a, lsem_b):
        cid = lax.axis_index("c")
        sid = lax.axis_index("s")

        def zero_row(r, _):
            z = jnp.zeros((L,), jnp.float32)
            for co in ch_offs:
                table_buf[r, pl.ds(co, L)] = z
            return 0

        lax.fori_loop(0, hw, zero_row, 0)
        base_row = sid * rows_per_tile
        pltpu.sync_copy(table_buf, acc.at[pl.ds(base_row, hw), :])
        pltpu.sync_copy(table_buf.at[pl.ds(0, rows_per_tile - hw), :],
                        acc.at[pl.ds(base_row + hw, rows_per_tile - hw), :])
        plsc.subcore_barrier()

        lo = sid * spt
        lanes_idx = [jnp.full((L, 1), k, jnp.int32) for k in range(L)]
        gdn = lax.GatherDimensionNumbers(
            offset_dims=(), collapsed_slice_dims=(0,), start_index_map=(0,)
        )

        def bcast_lane(vec, k):
            return lax.gather(vec, lanes_idx[k], dimension_numbers=gdn,
                              slice_sizes=(1,),
                              mode=lax.GatherScatterMode.PROMISE_IN_BOUNDS)

        def mk_idx(pk, idx):
            def body(r, _):
                for co in ck_offs:
                    p = r * CK + co
                    x = pk[1, pl.ds(p, L)]
                    y = pk[2, pl.ds(p, L)]
                    x = jnp.minimum(jnp.maximum(x, 0), NUM_VOXEL_X - 1)
                    y = jnp.minimum(jnp.maximum(y, 0), NUM_VOXEL_Y - 1)
                    idx[r, pl.ds(co, L)] = y * NUM_VOXEL_X + x
                return 0

            lax.fori_loop(0, cps, body, 0)

        def scale(pk, res):
            def body(g, _):
                r0 = g * L
                dvec = plsc.bitcast(pk[0, pl.ds(r0, L)], jnp.float32)
                for k in range(L):
                    dv = bcast_lane(dvec, k)
                    for co in ch_offs:
                        res[r0 + k, pl.ds(co, L)] = (
                            table_buf[r0 + k, pl.ds(co, L)] * dv
                        )
                return 0

            lax.fori_loop(0, hw // L, body, 0)

        def fire(res, idx, sem):
            for c in range(cps):
                pltpu.async_copy(res.at[pl.ds(c * CK, CK), :],
                                 acc.at[idx.at[c]], sem, add=True)

        def drain(res, sem):
            pltpu.make_async_copy(table_hbm.at[cid, pl.ds(0, hw), :],
                                  res, sem).wait()

        def load_slice(s, pk, lsem):
            for part in range(3):
                pltpu.async_copy(
                    meta_hbm.at[pl.ds(part * n_pts + s * hw, hw)],
                    pk.at[part], lsem,
                )

        def load_wait(pk, lsem):
            for part in range(3):
                pltpu.make_async_copy(meta_hbm.at[pl.ds(0, hw)],
                                      pk.at[part], lsem).wait()

        load_slice(lo, pk_a, lsem_a)
        load_slice(lo + 1, pk_b, lsem_b)

        def do_pair(p, prev_cam):
            sa = lo + 2 * p
            cam = sa // num_depth

            @pl.when(cam != prev_cam)
            def _():
                pltpu.sync_copy(
                    table_hbm.at[cid, pl.ds(cam * hw, hw), :], table_buf
                )

            @pl.when(p > 0)
            def _():
                drain(res_a, sem_a)
            load_wait(pk_a, lsem_a)
            mk_idx(pk_a, idx_a)
            scale(pk_a, res_a)
            fire(res_a, idx_a, sem_a)

            @pl.when(p < spt // 2 - 1)
            def _():
                load_slice(sa + 2, pk_a, lsem_a)

            @pl.when(p > 0)
            def _():
                drain(res_b, sem_b)
            load_wait(pk_b, lsem_b)
            mk_idx(pk_b, idx_b)
            scale(pk_b, res_b)
            fire(res_b, idx_b, sem_b)

            @pl.when(p < spt // 2 - 1)
            def _():
                load_slice(sa + 3, pk_b, lsem_b)

            return cam

        lax.fori_loop(0, spt // 2, do_pair, jnp.int32(-1))

        drain(res_a, sem_a)
        drain(res_b, sem_b)

        plsc.subcore_barrier()
        yrows = rows_per_tile // NUM_VOXEL_X
        for k in range(yrows):
            pltpu.sync_copy(
                acc.at[pl.ds(base_row + k * NUM_VOXEL_X, NUM_VOXEL_X), :],
                out_hbm.at[0, sid * yrows + k, :, pl.ds(cid * CH, CH)],
            )

    return pool(table, meta)


def kernel(geom_xyz, depth_features, context_features,
           batch_size, num_cams, num_depth, num_height, num_width):
    _, cams, _, nh, nw = context_features.shape
    hw = nh * nw
    nd = geom_xyz.shape[0] // (cams * hw)
    table = jnp.transpose(context_features[0], (0, 2, 3, 1)).reshape(
        cams * hw, NUM_CHANNELS
    ).astype(jnp.float32)
    ch = NUM_CHANNELS // NC
    table2 = jnp.stack([table[:, c * ch:(c + 1) * ch] for c in range(NC)])
    depth_bits = lax.bitcast_convert_type(
        depth_features.astype(jnp.float32), jnp.int32
    )
    geom_i = geom_xyz.astype(jnp.int32)
    meta = jnp.concatenate([depth_bits, geom_i[:, 0], geom_i[:, 1]])

    return _sc_pool(table2, meta, num_cams=cams, num_depth=nd, hw=hw)

# --- scband reference (transcript-rebuilt; emitter-appended) ---
"""Pipeline reference for scband-naive-voxel-pooling-27504970564292 (READ-ONLY COPY).

The authoritative reference and input builder live on the scoring server;
editing this copy changes nothing except your own understanding.
"""

import jax, jax.numpy as jnp
import numpy as np

NUM_VOXEL_X = 128
NUM_VOXEL_Y = 128
NUM_CHANNELS = 80


def setup_inputs(seed: int = 0) -> dict:
    key = jax.random.key(seed)
    k1, k2, k3 = jax.random.split(key, 3)
    batch_size, num_cams, num_depth, num_height, num_width = 1, 6, 64, 16, 44
    total = batch_size * num_cams * num_depth * num_height * num_width  # 270336
    geom_xyz = jax.random.randint(k1, (total, 3), 0, 128)
    depth_features = jax.random.uniform(k2, (total,), dtype=jnp.float32)
    context_features = jax.random.normal(k3, (batch_size, num_cams, NUM_CHANNELS, num_height, num_width), dtype=jnp.float32)
    return {
        "geom_xyz": geom_xyz,
        "depth_features": depth_features,
        "context_features": context_features,
        "batch_size": batch_size,
        "num_cams": num_cams,
        "num_depth": num_depth,
        "num_height": num_height,
        "num_width": num_width,
    }


def reference(geom_xyz, depth_features, context_features, batch_size, num_cams, num_depth, num_height, num_width):
    total_static = geom_xyz.shape[0]
    batch_size_static = context_features.shape[0]
    total = batch_size * num_cams * num_depth * num_height * num_width
    sample_idx = jnp.arange(total_static) % total
    width_idx = sample_idx % num_width
    height_idx = (sample_idx // num_width) % num_height
    cam_idx = (sample_idx // (num_width * num_height * num_depth)) % num_cams
    batch_idx = sample_idx // (num_cams * num_depth * num_height * num_width)

    sx = geom_xyz[:, 0]
    sy = geom_xyz[:, 1]
    valid = (sx >= 0) & (sx < NUM_VOXEL_X) & (sy >= 0) & (sy < NUM_VOXEL_Y)

    # gather context for each sample: [total, C]
    ctx = context_features[batch_idx, cam_idx, :, height_idx, width_idx]
    res = depth_features[:, None] * ctx
    res = jnp.where(valid[:, None], res, 0.0)

    sxc = jnp.clip(sx, 0, NUM_VOXEL_X - 1)
    syc = jnp.clip(sy, 0, NUM_VOXEL_Y - 1)
    flat_idx = batch_idx * (NUM_VOXEL_Y * NUM_VOXEL_X) + syc * NUM_VOXEL_X + sxc

    out = jnp.zeros((batch_size_static * NUM_VOXEL_Y * NUM_VOXEL_X, NUM_CHANNELS), dtype=context_features.dtype)
    out = out.at[flat_idx].add(res)
    return out.reshape(batch_size_static, NUM_VOXEL_Y, NUM_VOXEL_X, NUM_CHANNELS)

if __name__ == "__main__":
    import jax
    _d = setup_inputs()
    print(jax.jit(kernel)(*tuple(_d.values())))

</pallas_src>

<mosaic_0001>
#map = affine_map<(d0, d1) -> (0, 0, 0)>
#map1 = affine_map<(d0, d1) -> (0)>
#map2 = affine_map<(d0, d1) -> (0, 0, 0, 0)>
module attributes {stable_mosaic.version = 14 : i64} {
  func.func @pool(%arg0: i32, %arg1: i32, %arg2: memref<2x4224x40xf32, #tpu.memory_space<hbm>>, %arg3: memref<811008xi32, #tpu.memory_space<hbm>>, %arg4: memref<1x128x128x80xf32, #tpu.memory_space<hbm>>, %arg5: memref<704x40xf32, #tpu.memory_space<vmem>>, %arg6: memref<704x40xf32, #tpu.memory_space<vmem>>, %arg7: memref<704x40xf32, #tpu.memory_space<vmem>>, %arg8: memref<3x704xi32, #tpu.memory_space<vmem>>, %arg9: memref<3x704xi32, #tpu.memory_space<vmem>>, %arg10: memref<8x88xi32, #tpu.memory_space<vmem>>, %arg11: memref<8x88xi32, #tpu.memory_space<vmem>>, %arg12: memref<16384x40xf32, #tpu.memory_space<vmem_shared>>, %arg13: memref<!tpu.dma_semaphore, #tpu.memory_space<semaphore_mem>>, %arg14: memref<!tpu.dma_semaphore, #tpu.memory_space<semaphore_mem>>, %arg15: memref<!tpu.dma_semaphore, #tpu.memory_space<semaphore_mem>>, %arg16: memref<!tpu.dma_semaphore, #tpu.memory_space<semaphore_mem>>) attributes {dimension_semantics = [#tpu.dimension_semantics<core_parallel>, #tpu.dimension_semantics<subcore_parallel>], iteration_bounds = array<i64: 2, 16>, scalar_prefetch = 0 : i64, scratch_operands = 12 : i64, tpu.core_type = #tpu.core_type<sc_vector_subcore>, window_params = [{transform_indices = #map}, {transform_indices = #map1}, {transform_indices = #map2}]} {
    %scan3A = arith.constant 0 : i32
    %scan3A_0 = arith.constant 0 : i32
    %scan3A_1 = arith.constant 704 : i32
    %scan3A_2 = arith.addi %scan3A_0, %scan3A_1 : i32
    %scan3A_3 = arith.constant 1 : i32
    %scan3A_4 = scf.for %scan3A_214 = %scan3A_0 to %scan3A_2 step %scan3A_3 iter_args(%scan3A_215 = %scan3A) -> (i32)  : i32 {
      %broadcast_in_dim3A_216 = arith.constant 0.000000e+00 : f32
      %broadcast_in_dim3A_217 = vector.broadcast %broadcast_in_dim3A_216 : f32 to vector<16xf32>
      %swap3A = arith.index_cast %scan3A_214 : i32 to index
      %swap3A_218 = arith.constant 0 : index
      %swap3A_219 = tpu.vector_load %arg5[%swap3A, %swap3A_218] {strides = array<i32>} : memref<704x40xf32, #tpu.memory_space<vmem>>, vector<16xf32>,
      tpu.vector_store %arg5[%swap3A, %swap3A_218], %broadcast_in_dim3A_217 {strides = array<i32>} : memref<704x40xf32, #tpu.memory_space<vmem>>, vector<16xf32>,
      %swap3A_220 = arith.index_cast %scan3A_214 : i32 to index
      %swap3A_221 = arith.constant 16 : index
      %swap3A_222 = tpu.vector_load %arg5[%swap3A_220, %swap3A_221] {strides = array<i32>} : memref<704x40xf32, #tpu.memory_space<vmem>>, vector<16xf32>,
      tpu.vector_store %arg5[%swap3A_220, %swap3A_221], %broadcast_in_dim3A_217 {strides = array<i32>} : memref<704x40xf32, #tpu.memory_space<vmem>>, vector<16xf32>,
      %swap3A_223 = arith.index_cast %scan3A_214 : i32 to index
      %swap3A_224 = arith.constant 24 : index
      %swap3A_225 = tpu.vector_load %arg5[%swap3A_223, %swap3A_224] {strides = array<i32>} : memref<704x40xf32, #tpu.memory_space<vmem>>, vector<16xf32>,
      tpu.vector_store %arg5[%swap3A_223, %swap3A_224], %broadcast_in_dim3A_217 {strides = array<i32>} : memref<704x40xf32, #tpu.memory_space<vmem>>, vector<16xf32>,
      %scan3A_226 = arith.constant 0 : i32
      scf.yield %scan3A_226 : i32
    }
    %scan3A_5 = arith.constant 704 : i32
    %mul3A = arith.constant 1024 : i32
    %mul3A_6 = arith.muli %arg1, %mul3A : i32
    "tpu.region"() ({
      %run_scoped3A_214 = tpu.sem_alloc : memref<!tpu.dma_semaphore, #tpu.memory_space<semaphore_mem>>
      %dma_start3A_215 = arith.constant 0 : i32
      %dma_start3A_216 = tpu.memref_slice %arg12[%mul3A_6, %dma_start3A_215] : memref<16384x40xf32, #tpu.memory_space<vmem_shared>> -> memref<704x40xf32, #tpu.memory_space<vmem_shared>>
      %dma_start3A_217 = arith.constant 0 : i32
      %dma_start3A_218 = tpu.memref_slice %arg12[%mul3A_6, %dma_start3A_217] : memref<16384x40xf32, #tpu.memory_space<vmem_shared>> -> memref<704x40xf32, #tpu.memory_space<vmem_shared>>
      tpu.enqueue_dma source(%arg5 : memref<704x40xf32, #tpu.memory_space<vmem>>) target(%dma_start3A_218 : memref<704x40xf32, #tpu.memory_space<vmem_shared>>) target_semaphore(%run_scoped3A_214 : memref<!tpu.dma_semaphore, #tpu.memory_space<semaphore_mem>>)
      %dma_wait3A_219 = arith.constant 0 : i32
      %dma_wait3A_220 = tpu.memref_slice %arg12[%mul3A_6, %dma_wait3A_219] : memref<16384x40xf32, #tpu.memory_space<vmem_shared>> -> memref<704x40xf32, #tpu.memory_space<vmem_shared>>
      %dma_wait3A_221 = arith.constant 0 : i32
      %dma_wait3A_222 = tpu.memref_slice %arg12[%mul3A_6, %dma_wait3A_221] : memref<16384x40xf32, #tpu.memory_space<vmem_shared>> -> memref<704x40xf32, #tpu.memory_space<vmem_shared>>
      tpu.wait_dma2 semaphore(%run_scoped3A_214 : memref<!tpu.dma_semaphore, #tpu.memory_space<semaphore_mem>>) src(%arg5 : memref<704x40xf32, #tpu.memory_space<vmem>>) dst(%dma_wait3A_222 : memref<704x40xf32, #tpu.memory_space<vmem_shared>>)
      tpu.yield
    }) : () -> ()
    %add3A = arith.constant 704 : i32
    %add3A_7 = arith.addi %mul3A_6, %add3A : i32
    "tpu.region"() ({
      %run_scoped3A_214 = tpu.sem_alloc : memref<!tpu.dma_semaphore, #tpu.memory_space<semaphore_mem>>
      %dma_start3A_215 = arith.constant 0 : i32
      %dma_start3A_216 = arith.constant 0 : i32
      %dma_start3A_217 = tpu.memref_slice %arg5[%dma_start3A_215, %dma_start3A_216] : memref<704x40xf32, #tpu.memory_space<vmem>> -> memref<320x40xf32, #tpu.memory_space<vmem>>
      %dma_start3A_218 = arith.constant 0 : i32
      %dma_start3A_219 = tpu.memref_slice %arg12[%add3A_7, %dma_start3A_218] : memref<16384x40xf32, #tpu.memory_space<vmem_shared>> -> memref<320x40xf32, #tpu.memory_space<vmem_shared>>
      %dma_start3A_220 = arith.constant 0 : i32
      %dma_start3A_221 = tpu.memref_slice %arg12[%add3A_7, %dma_start3A_220] : memref<16384x40xf32, #tpu.memory_space<vmem_shared>> -> memref<320x40xf32, #tpu.memory_space<vmem_shared>>
      %dma_start3A_222 = arith.constant 0 : i32
      %dma_start3A_223 = arith.constant 0 : i32
      %dma_start3A_224 = tpu.memref_slice %arg5[%dma_start3A_222, %dma_start3A_223] : memref<704x40xf32, #tpu.memory_space<vmem>> -> memref<320x40xf32, #tpu.memory_space<vmem>>
      tpu.enqueue_dma source(%dma_start3A_224 : memref<320x40xf32, #tpu.memory_space<vmem>>) target(%dma_start3A_221 : memref<320x40xf32, #tpu.memory_space<vmem_shared>>) target_semaphore(%run_scoped3A_214 : memref<!tpu.dma_semaphore, #tpu.memory_space<semaphore_mem>>)
      %dma_wait3A_225 = arith.constant 0 : i32
      %dma_wait3A_226 = arith.constant 0 : i32
      %dma_wait3A_227 = tpu.memref_slice %arg5[%dma_wait3A_225, %dma_wait3A_226] : memref<704x40xf32, #tpu.memory_space<vmem>> -> memref<320x40xf32, #tpu.memory_space<vmem>>
      %dma_wait3A_228 = arith.constant 0 : i32
      %dma_wait3A_229 = tpu.memref_slice %arg12[%add3A_7, %dma_wait3A_228] : memref<16384x40xf32, #tpu.memory_space<vmem_shared>> -> memref<320x40xf32, #tpu.memory_space<vmem_shared>>
      %dma_wait3A_230 = arith.constant 0 : i32
      %dma_wait3A_231 = tpu.memref_slice %arg12[%add3A_7, %dma_wait3A_230] : memref<16384x40xf32, #tpu.memory_space<vmem_shared>> -> memref<320x40xf32, #tpu.memory_space<vmem_shared>>
      %dma_wait3A_232 = arith.constant 0 : i32
      %dma_wait3A_233 = arith.constant 0 : i32
      %dma_wait3A_234 = tpu.memref_slice %arg5[%dma_wait3A_232, %dma_wait3A_233] : memref<704x40xf32, #tpu.memory_space<vmem>> -> memref<320x40xf32, #tpu.memory_space<vmem>>
      tpu.wait_dma2 semaphore(%run_scoped3A_214 : memref<!tpu.dma_semaphore, #tpu.memory_space<semaphore_mem>>) src(%dma_wait3A_234 : memref<320x40xf32, #tpu.memory_space<vmem>>) dst(%dma_wait3A_231 : memref<320x40xf32, #tpu.memory_space<vmem_shared>>)
      tpu.yield
    }) : () -> ()
    %barrier3A = arith.constant 0 : index
    tpu.barrier barrier_id(%barrier3A)
    %mul3A_8 = arith.constant 24 : i32
    %mul3A_9 = arith.muli %arg1, %mul3A_8 : i32
    %broadcast_in_dim3A = arith.constant 0 : i32
    %broadcast_in_dim3A_10 = vector.broadcast %broadcast_in_dim3A : i32 to vector<16x1xi32>
    %broadcast_in_dim3A_11 = arith.constant 1 : i32
    %broadcast_in_dim3A_12 = vector.broadcast %broadcast_in_dim3A_11 : i32 to vector<16x1xi32>
    %broadcast_in_dim3A_13 = arith.constant 2 : i32
    %broadcast_in_dim3A_14 = vector.broadcast %broadcast_in_dim3A_13 : i32 to vector<16x1xi32>
    %broadcast_in_dim3A_15 = arith.constant 3 : i32
    %broadcast_in_dim3A_16 = vector.broadcast %broadcast_in_dim3A_15 : i32 to vector<16x1xi32>
    %broadcast_in_dim3A_17 = arith.constant 4 : i32
    %broadcast_in_dim3A_18 = vector.broadcast %broadcast_in_dim3A_17 : i32 to vector<16x1xi32>
    %broadcast_in_dim3A_19 = arith.constant 5 : i32
    %broadcast_in_dim3A_20 = vector.broadcast %broadcast_in_dim3A_19 : i32 to vector<16x1xi32>
    %broadcast_in_dim3A_21 = arith.constant 6 : i32
    %broadcast_in_dim3A_22 = vector.broadcast %broadcast_in_dim3A_21 : i32 to vector<16x1xi32>
    %broadcast_in_dim3A_23 = arith.constant 7 : i32
    %broadcast_in_dim3A_24 = vector.broadcast %broadcast_in_dim3A_23 : i32 to vector<16x1xi32>
    %broadcast_in_dim3A_25 = arith.constant 8 : i32
    %broadcast_in_dim3A_26 = vector.broadcast %broadcast_in_dim3A_25 : i32 to vector<16x1xi32>
    %broadcast_in_dim3A_27 = arith.constant 9 : i32
    %broadcast_in_dim3A_28 = vector.broadcast %broadcast_in_dim3A_27 : i32 to vector<16x1xi32>
    %broadcast_in_dim3A_29 = arith.constant 10 : i32
    %broadcast_in_dim3A_30 = vector.broadcast %broadcast_in_dim3A_29 : i32 to vector<16x1xi32>
    %broadcast_in_dim3A_31 = arith.constant 11 : i32
    %broadcast_in_dim3A_32 = vector.broadcast %broadcast_in_dim3A_31 : i32 to vector<16x1xi32>
    %broadcast_in_dim3A_33 = arith.constant 12 : i32
    %broadcast_in_dim3A_34 = vector.broadcast %broadcast_in_dim3A_33 : i32 to vector<16x1xi32>
    %broadcast_in_dim3A_35 = arith.constant 13 : i32
    %broadcast_in_dim3A_36 = vector.broadcast %broadcast_in_dim3A_35 : i32 to vector<16x1xi32>
    %broadcast_in_dim3A_37 = arith.constant 14 : i32
    %broadcast_in_dim3A_38 = vector.broadcast %broadcast_in_dim3A_37 : i32 to vector<16x1xi32>
    %broadcast_in_dim3A_39 = arith.constant 15 : i32
    %broadcast_in_dim3A_40 = vector.broadcast %broadcast_in_dim3A_39 : i32 to vector<16x1xi32>
    %mul3A_41 = arith.constant 704 : i32
    %mul3A_42 = arith.muli %mul3A_9, %mul3A_41 : i32
    %add3A_43 = arith.constant 0 : i32
    %add3A_44 = arith.addi %add3A_43, %mul3A_42 : i32
    %dma_start3A = arith.constant 0 : i32
    %dma_start3A_45 = arith.constant 0 : i32
    %dma_start3A_46 = tpu.memref_slice %arg8[%dma_start3A, %dma_start3A_45] : memref<3x704xi32, #tpu.memory_space<vmem>> -> memref<1x704xi32, #tpu.memory_space<vmem>>
    %dma_start3A_47 = tpu.memref_squeeze %dma_start3A_46 : memref<1x704xi32, #tpu.memory_space<vmem>> -> memref<704xi32, #tpu.memory_space<vmem>>
    %dma_start3A_48 = tpu.memref_slice %arg3[%add3A_44] : memref<811008xi32, #tpu.memory_space<hbm>> -> memref<704xi32, #tpu.memory_space<hbm>>
    %dma_start3A_49 = arith.constant 0 : i32
    %dma_start3A_50 = tpu.memref_slice %arg8[%dma_start3A, %dma_start3A_49] : memref<3x704xi32, #tpu.memory_space<vmem>> -> memref<1x704xi32, #tpu.memory_space<vmem>>
    %dma_start3A_51 = tpu.memref_squeeze %dma_start3A_50 : memref<1x704xi32, #tpu.memory_space<vmem>> -> memref<704xi32, #tpu.memory_space<vmem>>
    %dma_start3A_52 = tpu.memref_slice %arg3[%add3A_44] : memref<811008xi32, #tpu.memory_space<hbm>> -> memref<704xi32, #tpu.memory_space<hbm>>
    tpu.enqueue_dma source(%dma_start3A_52 : memref<704xi32, #tpu.memory_space<hbm>>) target(%dma_start3A_51 : memref<704xi32, #tpu.memory_space<vmem>>) target_semaphore(%arg15 : memref<!tpu.dma_semaphore, #tpu.memory_space<semaphore_mem>>)
    %mul3A_53 = arith.constant 704 : i32
    %mul3A_54 = arith.muli %mul3A_9, %mul3A_53 : i32
    %add3A_55 = arith.constant 270336 : i32
    %add3A_56 = arith.addi %add3A_55, %mul3A_54 : i32
    %dma_start3A_57 = arith.constant 1 : i32
    %dma_start3A_58 = arith.constant 0 : i32
    %dma_start3A_59 = tpu.memref_slice %arg8[%dma_start3A_57, %dma_start3A_58] : memref<3x704xi32, #tpu.memory_space<vmem>> -> memref<1x704xi32, #tpu.memory_space<vmem>>
    %dma_start3A_60 = tpu.memref_squeeze %dma_start3A_59 : memref<1x704xi32, #tpu.memory_space<vmem>> -> memref<704xi32, #tpu.memory_space<vmem>>
    %dma_start3A_61 = tpu.memref_slice %arg3[%add3A_56] : memref<811008xi32, #tpu.memory_space<hbm>> -> memref<704xi32, #tpu.memory_space<hbm>>
    %dma_start3A_62 = arith.constant 0 : i32
    %dma_start3A_63 = tpu.memref_slice %arg8[%dma_start3A_57, %dma_start3A_62] : memref<3x704xi32, #tpu.memory_space<vmem>> -> memref<1x704xi32, #tpu.memory_space<vmem>>
    %dma_start3A_64 = tpu.memref_squeeze %dma_start3A_63 : memref<1x704xi32, #tpu.memory_space<vmem>> -> memref<704xi32, #tpu.memory_space<vmem>>
    %dma_start3A_65 = tpu.memref_slice %arg3[%add3A_56] : memref<811008xi32, #tpu.memory_space<hbm>> -> memref<704xi32, #tpu.memory_space<hbm>>
    tpu.enqueue_dma source(%dma_start3A_65 : memref<704xi32, #tpu.memory_space<hbm>>) target(%dma_start3A_64 : memref<704xi32, #tpu.memory_space<vmem>>) target_semaphore(%arg15 : memref<!tpu.dma_semaphore, #tpu.memory_space<semaphore_mem>>)
    %mul3A_66 = arith.constant 704 : i32
    %mul3A_67 = arith.muli %mul3A_9, %mul3A_66 : i32
    %add3A_68 = arith.constant 540672 : i32
    %add3A_69 = arith.addi %add3A_68, %mul3A_67 : i32
    %dma_start3A_70 = arith.constant 2 : i32
    %dma_start3A_71 = arith.constant 0 : i32
    %dma_start3A_72 = tpu.memref_slice %arg8[%dma_start3A_70, %dma_start3A_71] : memref<3x704xi32, #tpu.memory_space<vmem>> -> memref<1x704xi32, #tpu.memory_space<vmem>>
    %dma_start3A_73 = tpu.memref_squeeze %dma_start3A_72 : memref<1x704xi32, #tpu.memory_space<vmem>> -> memref<704xi32, #tpu.memory_space<vmem>>
    %dma_start3A_74 = tpu.memref_slice %arg3[%add3A_69] : memref<811008xi32, #tpu.memory_space<hbm>> -> memref<704xi32, #tpu.memory_space<hbm>>
    %dma_start3A_75 = arith.constant 0 : i32
    %dma_start3A_76 = tpu.memref_slice %arg8[%dma_start3A_70, %dma_start3A_75] : memref<3x704xi32, #tpu.memory_space<vmem>> -> memref<1x704xi32, #tpu.memory_space<vmem>>
    %dma_start3A_77 = tpu.memref_squeeze %dma_start3A_76 : memref<1x704xi32, #tpu.memory_space<vmem>> -> memref<704xi32, #tpu.memory_space<vmem>>
    %dma_start3A_78 = tpu.memref_slice %arg3[%add3A_69] : memref<811008xi32, #tpu.memory_space<hbm>> -> memref<704xi32, #tpu.memory_space<hbm>>
    tpu.enqueue_dma source(%dma_start3A_78 : memref<704xi32, #tpu.memory_space<hbm>>) target(%dma_start3A_77 : memref<704xi32, #tpu.memory_space<vmem>>) target_semaphore(%arg15 : memref<!tpu.dma_semaphore, #tpu.memory_space<semaphore_mem>>)
    %add3A_79 = arith.constant 1 : i32
    %add3A_80 = arith.addi %mul3A_9, %add3A_79 : i32
    %mul3A_81 = arith.constant 704 : i32
    %mul3A_82 = arith.muli %add3A_80, %mul3A_81 : i32
    %add3A_83 = arith.constant 0 : i32
    %add3A_84 = arith.addi %add3A_83, %mul3A_82 : i32
    %dma_start3A_85 = arith.constant 0 : i32
    %dma_start3A_86 = arith.constant 0 : i32
    %dma_start3A_87 = tpu.memref_slice %arg9[%dma_start3A_85, %dma_start3A_86] : memref<3x704xi32, #tpu.memory_space<vmem>> -> memref<1x704xi32, #tpu.memory_space<vmem>>
    %dma_start3A_88 = tpu.memref_squeeze %dma_start3A_87 : memref<1x704xi32, #tpu.memory_space<vmem>> -> memref<704xi32, #tpu.memory_space<vmem>>
    %dma_start3A_89 = tpu.memref_slice %arg3[%add3A_84] : memref<811008xi32, #tpu.memory_space<hbm>> -> memref<704xi32, #tpu.memory_space<hbm>>
    %dma_start3A_90 = arith.constant 0 : i32
    %dma_start3A_91 = tpu.memref_slice %arg9[%dma_start3A_85, %dma_start3A_90] : memref<3x704xi32, #tpu.memory_space<vmem>> -> memref<1x704xi32, #tpu.memory_space<vmem>>
    %dma_start3A_92 = tpu.memref_squeeze %dma_start3A_91 : memref<1x704xi32, #tpu.memory_space<vmem>> -> memref<704xi32, #tpu.memory_space<vmem>>
    %dma_start3A_93 = tpu.memref_slice %arg3[%add3A_84] : memref<811008xi32, #tpu.memory_space<hbm>> -> memref<704xi32, #tpu.memory_space<hbm>>
    tpu.enqueue_dma source(%dma_start3A_93 : memref<704xi32, #tpu.memory_space<hbm>>) target(%dma_start3A_92 : memref<704xi32, #tpu.memory_space<vmem>>) target_semaphore(%arg16 : memref<!tpu.dma_semaphore, #tpu.memory_space<semaphore_mem>>)
    %mul3A_94 = arith.constant 704 : i32
    %mul3A_95 = arith.muli %add3A_80, %mul3A_94 : i32
    %add3A_96 = arith.constant 270336 : i32
    %add3A_97 = arith.addi %add3A_96, %mul3A_95 : i32
    %dma_start3A_98 = arith.constant 1 : i32
    %dma_start3A_99 = arith.constant 0 : i32
    %dma_start3A_100 = tpu.memref_slice %arg9[%dma_start3A_98, %dma_start3A_99] : memref<3x704xi32, #tpu.memory_space<vmem>> -> memref<1x704xi32, #tpu.memory_space<vmem>>
    %dma_start3A_101 = tpu.memref_squeeze %dma_start3A_100 : memref<1x704xi32, #tpu.memory_space<vmem>> -> memref<704xi32, #tpu.memory_space<vmem>>
    %dma_start3A_102 = tpu.memref_slice %arg3[%add3A_97] : memref<811008xi32, #tpu.memory_space<hbm>> -> memref<704xi32, #tpu.memory_space<hbm>>
    %dma_start3A_103 = arith.constant 0 : i32
    %dma_start3A_104 = tpu.memref_slice %arg9[%dma_start3A_98, %dma_start3A_103] : memref<3x704xi32, #tpu.memory_space<vmem>> -> memref<1x704xi32, #tpu.memory_space<vmem>>
    %dma_start3A_105 = tpu.memref_squeeze %dma_start3A_104 : memref<1x704xi32, #tpu.memory_space<vmem>> -> memref<704xi32, #tpu.memory_space<vmem>>
    %dma_start3A_106 = tpu.memref_slice %arg3[%add3A_97] : memref<811008xi32, #tpu.memory_space<hbm>> -> memref<704xi32, #tpu.memory_space<hbm>>
    tpu.enqueue_dma source(%dma_start3A_106 : memref<704xi32, #tpu.memory_space<hbm>>) target(%dma_start3A_105 : memref<704xi32, #tpu.memory_space<vmem>>) target_semaphore(%arg16 : memref<!tpu.dma_semaphore, #tpu.memory_space<semaphore_mem>>)
    %mul3A_107 = arith.constant 704 : i32
    %mul3A_108 = arith.muli %add3A_80, %mul3A_107 : i32
    %add3A_109 = arith.constant 540672 : i32
    %add3A_110 = arith.addi %add3A_109, %mul3A_108 : i32
    %dma_start3A_111 = arith.constant 2 : i32
    %dma_start3A_112 = arith.constant 0 : i32
    %dma_start3A_113 = tpu.memref_slice %arg9[%dma_start3A_111, %dma_start3A_112] : memref<3x704xi32, #tpu.memory_space<vmem>> -> memref<1x704xi32, #tpu.memory_space<vmem>>
    %dma_start3A_114 = tpu.memref_squeeze %dma_start3A_113 : memref<1x704xi32, #tpu.memory_space<vmem>> -> memref<704xi32, #tpu.memory_space<vmem>>
    %dma_start3A_115 = tpu.memref_slice %arg3[%add3A_110] : memref<811008xi32, #tpu.memory_space<hbm>> -> memref<704xi32, #tpu.memory_space<hbm>>
    %dma_start3A_116 = arith.constant 0 : i32
    %dma_start3A_117 = tpu.memref_slice %arg9[%dma_start3A_111, %dma_start3A_116] : memref<3x704xi32, #tpu.memory_space<vmem>> -> memref<1x704xi32, #tpu.memory_space<vmem>>
    %dma_start3A_118 = tpu.memref_squeeze %dma_start3A_117 : memref<1x704xi32, #tpu.memory_space<vmem>> -> memref<704xi32, #tpu.memory_space<vmem>>
    %dma_start3A_119 = tpu.memref_slice %arg3[%add3A_110] : memref<811008xi32, #tpu.memory_space<hbm>> -> memref<704xi32, #tpu.memory_space<hbm>>
    tpu.enqueue_dma source(%dma_start3A_119 : memref<704xi32, #tpu.memory_space<hbm>>) target(%dma_start3A_118 : memref<704xi32, #tpu.memory_space<vmem>>) target_semaphore(%arg16 : memref<!tpu.dma_semaphore, #tpu.memory_space<semaphore_mem>>)
    %scan3A_120 = arith.constant -1 : i32
    %scan3A_121 = arith.constant 0 : i32
    %scan3A_122 = arith.constant 12 : i32
    %scan3A_123 = arith.addi %scan3A_121, %scan3A_122 : i32
    %scan3A_124 = arith.constant 1 : i32
    %scan3A_125 = scf.for %scan3A_214 = %scan3A_121 to %scan3A_123 step %scan3A_124 iter_args(%scan3A_215 = %scan3A_120) -> (i32)  : i32 {
      %mul3A_216 = arith.constant 2 : i32
      %mul3A_217 = arith.muli %mul3A_216, %scan3A_214 : i32
      %add3A_218 = arith.addi %mul3A_9, %mul3A_217 : i32
      %jit3A = arith.constant 64 : i32
      %div3A = arith.divsi %add3A_218, %jit3A : i32
      %sign3A = arith.constant 0 : i32
      %sign3A_219 = arith.cmpi sgt, %add3A_218, %sign3A : i32
      %sign3A_220 = arith.extui %sign3A_219 : i1 to i32
      %sign3A_221 = arith.constant 0 : i32
      %sign3A_222 = arith.cmpi slt, %add3A_218, %sign3A_221 : i32
      %sign3A_223 = arith.extui %sign3A_222 : i1 to i32
      %sign3A_224 = arith.subi %sign3A_220, %sign3A_223 : i32
      %sign3A_225 = arith.constant 0 : i32
      %sign3A_226 = arith.cmpi sgt, %jit3A, %sign3A_225 : i32
      %sign3A_227 = arith.extui %sign3A_226 : i1 to i32
      %sign3A_228 = arith.constant 0 : i32
      %sign3A_229 = arith.cmpi slt, %jit3A, %sign3A_228 : i32
      %sign3A_230 = arith.extui %sign3A_229 : i1 to i32
      %sign3A_231 = arith.subi %sign3A_227, %sign3A_230 : i32
      %ne3A = arith.cmpi ne, %sign3A_224, %sign3A_231 : i32
      %rem3A = arith.remsi %add3A_218, %jit3A : i32
      %ne3A_232 = arith.constant 0 : i32
      %ne3A_233 = arith.cmpi ne, %rem3A, %ne3A_232 : i32
      %and3A = arith.andi %ne3A, %ne3A_233 : i1
      %sub3A = arith.constant 1 : i32
      %sub3A_234 = arith.subi %div3A, %sub3A : i32
      %select_n3A = arith.select %and3A, %sub3A_234, %div3A : i32
      %ne3A_235 = arith.cmpi ne, %select_n3A, %scan3A_215 : i32
      %convert_element_type3A = arith.extui %ne3A_235 : i1 to i32
      %cond3A = arith.constant 0 : i32
      %cond3A_236 = arith.cmpi ne, %convert_element_type3A, %cond3A : i32
      scf.if %cond3A_236 {
        %mul3A_509 = arith.constant 704 : i32
        %mul3A_510 = arith.muli %select_n3A, %mul3A_509 : i32
        "tpu.region"() ({
          %run_scoped3A_511 = tpu.sem_alloc : memref<!tpu.dma_semaphore, #tpu.memory_space<semaphore_mem>>
          %dma_start3A_512 = arith.constant 0 : i32
          %dma_start3A_513 = tpu.memref_slice %arg2[%arg0, %mul3A_510, %dma_start3A_512] : memref<2x4224x40xf32, #tpu.memory_space<hbm>> -> memref<1x704x40xf32, #tpu.memory_space<hbm>>
          %dma_start3A_514 = tpu.memref_squeeze %dma_start3A_513 : memref<1x704x40xf32, #tpu.memory_space<hbm>> -> memref<704x40xf32, #tpu.memory_space<hbm>>
          %dma_start3A_515 = arith.constant 0 : i32
          %dma_start3A_516 = tpu.memref_slice %arg2[%arg0, %mul3A_510, %dma_start3A_515] : memref<2x4224x40xf32, #tpu.memory_space<hbm>> -> memref<1x704x40xf32, #tpu.memory_space<hbm>>
          %dma_start3A_517 = tpu.memref_squeeze %dma_start3A_516 : memref<1x704x40xf32, #tpu.memory_space<hbm>> -> memref<704x40xf32, #tpu.memory_space<hbm>>
          tpu.enqueue_dma source(%dma_start3A_517 : memref<704x40xf32, #tpu.memory_space<hbm>>) target(%arg5 : memref<704x40xf32, #tpu.memory_space<vmem>>) target_semaphore(%run_scoped3A_511 : memref<!tpu.dma_semaphore, #tpu.memory_space<semaphore_mem>>)
          %dma_wait3A_518 = arith.constant 0 : i32
          %dma_wait3A_519 = tpu.memref_slice %arg2[%arg0, %mul3A_510, %dma_wait3A_518] : memref<2x4224x40xf32, #tpu.memory_space<hbm>> -> memref<1x704x40xf32, #tpu.memory_space<hbm>>
          %dma_wait3A_520 = tpu.memref_squeeze %dma_wait3A_519 : memref<1x704x40xf32, #tpu.memory_space<hbm>> -> memref<704x40xf32, #tpu.memory_space<hbm>>
          %dma_wait3A_521 = arith.constant 0 : i32
          %dma_wait3A_522 = tpu.memref_slice %arg2[%arg0, %mul3A_510, %dma_wait3A_521] : memref<2x4224x40xf32, #tpu.memory_space<hbm>> -> memref<1x704x40xf32, #tpu.memory_space<hbm>>
          %dma_wait3A_523 = tpu.memref_squeeze %dma_wait3A_522 : memref<1x704x40xf32, #tpu.memory_space<hbm>> -> memref<704x40xf32, #tpu.memory_space<hbm>>
          tpu.wait_dma2 semaphore(%run_scoped3A_511 : memref<!tpu.dma_semaphore, #tpu.memory_space<semaphore_mem>>) src(%dma_wait3A_523 : memref<704x40xf32, #tpu.memory_space<hbm>>) dst(%arg5 : memref<704x40xf32, #tpu.memory_space<vmem>>)
          tpu.yield
        }) : () -> ()
      } else {
      }
      %gt3A = arith.constant 0 : i32
      %gt3A_237 = arith.cmpi sgt, %scan3A_214, %gt3A : i32
      %convert_element_type3A_238 = arith.extui %gt3A_237 : i1 to i32
      %cond3A_239 = arith.constant 0 : i32
      %cond3A_240 = arith.cmpi ne, %convert_element_type3A_238, %cond3A_239 : i32
      scf.if %cond3A_240 {
        %dma_wait3A_509 = arith.constant 0 : i32
        %dma_wait3A_510 = arith.constant 0 : i32
        %dma_wait3A_511 = tpu.memref_slice %arg2[%arg0, %dma_wait3A_509, %dma_wait3A_510] : memref<2x4224x40xf32, #tpu.memory_space<hbm>> -> memref<1x704x40xf32, #tpu.memory_space<hbm>>
        %dma_wait3A_512 = tpu.memref_squeeze %dma_wait3A_511 : memref<1x704x40xf32, #tpu.memory_space<hbm>> -> memref<704x40xf32, #tpu.memory_space<hbm>>
        %dma_wait3A_513 = arith.constant 0 : i32
        %dma_wait3A_514 = arith.constant 0 : i32
        %dma_wait3A_515 = tpu.memref_slice %arg2[%arg0, %dma_wait3A_513, %dma_wait3A_514] : memref<2x4224x40xf32, #tpu.memory_space<hbm>> -> memref<1x704x40xf32, #tpu.memory_space<hbm>>
        %dma_wait3A_516 = tpu.memref_squeeze %dma_wait3A_515 : memref<1x704x40xf32, #tpu.memory_space<hbm>> -> memref<704x40xf32, #tpu.memory_space<hbm>>
        tpu.wait_dma2 semaphore(%arg13 : memref<!tpu.dma_semaphore, #tpu.memory_space<semaphore_mem>>) src(%dma_wait3A_516 : memref<704x40xf32, #tpu.memory_space<hbm>>) dst(%arg6 : memref<704x40xf32, #tpu.memory_space<vmem>>)
      } else {
      }
      %dma_wait3A_241 = arith.constant 0 : i32
      %dma_wait3A_242 = arith.constant 0 : i32
      %dma_wait3A_243 = tpu.memref_slice %arg8[%dma_wait3A_241, %dma_wait3A_242] : memref<3x704xi32, #tpu.memory_space<vmem>> -> memref<1x704xi32, #tpu.memory_space<vmem>>
      %dma_wait3A_244 = tpu.memref_squeeze %dma_wait3A_243 : memref<1x704xi32, #tpu.memory_space<vmem>> -> memref<704xi32, #tpu.memory_space<vmem>>
      %dma_wait3A_245 = arith.constant 0 : i32
      %dma_wait3A_246 = tpu.memref_slice %arg3[%dma_wait3A_245] : memref<811008xi32, #tpu.memory_space<hbm>> -> memref<704xi32, #tpu.memory_space<hbm>>
      %dma_wait3A_247 = arith.constant 0 : i32
      %dma_wait3A_248 = tpu.memref_slice %arg8[%dma_wait3A_241, %dma_wait3A_247] : memref<3x704xi32, #tpu.memory_space<vmem>> -> memref<1x704xi32, #tpu.memory_space<vmem>>
      %dma_wait3A_249 = tpu.memref_squeeze %dma_wait3A_248 : memref<1x704xi32, #tpu.memory_space<vmem>> -> memref<704xi32, #tpu.memory_space<vmem>>
      %dma_wait3A_250 = arith.constant 0 : i32
      %dma_wait3A_251 = tpu.memref_slice %arg3[%dma_wait3A_250] : memref<811008xi32, #tpu.memory_space<hbm>> -> memref<704xi32, #tpu.memory_space<hbm>>
      tpu.wait_dma2 semaphore(%arg15 : memref<!tpu.dma_semaphore, #tpu.memory_space<semaphore_mem>>) src(%dma_wait3A_251 : memref<704xi32, #tpu.memory_space<hbm>>) dst(%dma_wait3A_249 : memref<704xi32, #tpu.memory_space<vmem>>)
      %dma_wait3A_252 = arith.constant 1 : i32
      %dma_wait3A_253 = arith.constant 0 : i32
      %dma_wait3A_254 = tpu.memref_slice %arg8[%dma_wait3A_252, %dma_wait3A_253] : memref<3x704xi32, #tpu.memory_space<vmem>> -> memref<1x704xi32, #tpu.memory_space<vmem>>
      %dma_wait3A_255 = tpu.memref_squeeze %dma_wait3A_254 : memref<1x704xi32, #tpu.memory_space<vmem>> -> memref<704xi32, #tpu.memory_space<vmem>>
      %dma_wait3A_256 = arith.constant 0 : i32
      %dma_wait3A_257 = tpu.memref_slice %arg3[%dma_wait3A_256] : memref<811008xi32, #tpu.memory_space<hbm>> -> memref<704xi32, #tpu.memory_space<hbm>>
      %dma_wait3A_258 = arith.constant 0 : i32
      %dma_wait3A_259 = tpu.memref_slice %arg8[%dma_wait3A_252, %dma_wait3A_258] : memref<3x704xi32, #tpu.memory_space<vmem>> -> memref<1x704xi32, #tpu.memory_space<vmem>>
      %dma_wait3A_260 = tpu.memref_squeeze %dma_wait3A_259 : memref<1x704xi32, #tpu.memory_space<vmem>> -> memref<704xi32, #tpu.memory_space<vmem>>
      %dma_wait3A_261 = arith.constant 0 : i32
      %dma_wait3A_262 = tpu.memref_slice %arg3[%dma_wait3A_261] : memref<811008xi32, #tpu.memory_space<hbm>> -> memref<704xi32, #tpu.memory_space<hbm>>
      tpu.wait_dma2 semaphore(%arg15 : memref<!tpu.dma_semaphore, #tpu.memory_space<semaphore_mem>>) src(%dma_wait3A_262 : memref<704xi32, #tpu.memory_space<hbm>>) dst(%dma_wait3A_260 : memref<704xi32, #tpu.memory_space<vmem>>)
      %dma_wait3A_263 = arith.constant 2 : i32
      %dma_wait3A_264 = arith.constant 0 : i32
      %dma_wait3A_265 = tpu.memref_slice %arg8[%dma_wait3A_263, %dma_wait3A_264] : memref<3x704xi32, #tpu.memory_space<vmem>> -> memref<1x704xi32, #tpu.memory_space<vmem>>
      %dma_wait3A_266 = tpu.memref_squeeze %dma_wait3A_265 : memref<1x704xi32, #tpu.memory_space<vmem>> -> memref<704xi32, #tpu.memory_space<vmem>>
      %dma_wait3A_267 = arith.constant 0 : i32
      %dma_wait3A_268 = tpu.memref_slice %arg3[%dma_wait3A_267] : memref<811008xi32, #tpu.memory_space<hbm>> -> memref<704xi32, #tpu.memory_space<hbm>>
      %dma_wait3A_269 = arith.constant 0 : i32
      %dma_wait3A_270 = tpu.memref_slice %arg8[%dma_wait3A_263, %dma_wait3A_269] : memref<3x704xi32, #tpu.memory_space<vmem>> -> memref<1x704xi32, #tpu.memory_space<vmem>>
      %dma_wait3A_271 = tpu.memref_squeeze %dma_wait3A_270 : memref<1x704xi32, #tpu.memory_space<vmem>> -> memref<704xi32, #tpu.memory_space<vmem>>
      %dma_wait3A_272 = arith.constant 0 : i32
      %dma_wait3A_273 = tpu.memref_slice %arg3[%dma_wait3A_272] : memref<811008xi32, #tpu.memory_space<hbm>> -> memref<704xi32, #tpu.memory_space<hbm>>
      tpu.wait_dma2 semaphore(%arg15 : memref<!tpu.dma_semaphore, #tpu.memory_space<semaphore_mem>>) src(%dma_wait3A_273 : memref<704xi32, #tpu.memory_space<hbm>>) dst(%dma_wait3A_271 : memref<704xi32, #tpu.memory_space<vmem>>)
      %scan3A_274 = arith.constant 0 : i32
      %scan3A_275 = arith.constant 0 : i32
      %scan3A_276 = arith.constant 8 : i32
      %scan3A_277 = arith.addi %scan3A_275, %scan3A_276 : i32
      %scan3A_278 = arith.constant 1 : i32
      %scan3A_279 = scf.for %scan3A_509 = %scan3A_275 to %scan3A_277 step %scan3A_278 iter_args(%scan3A_510 = %scan3A_274) -> (i32)  : i32 {
        %mul3A_511 = arith.constant 88 : i32
        %mul3A_512 = arith.muli %scan3A_509, %mul3A_511 : i32
        %add3A_513 = arith.constant 0 : i32
        %add3A_514 = arith.addi %mul3A_512, %add3A_513 : i32
        %get3A = arith.constant 1 : i32
        %get3A_515 = arith.index_cast %get3A : i32 to index
        %get3A_516 = arith.index_cast %add3A_514 : i32 to index
        %get3A_517 = tpu.vector_load %arg8[%get3A_515, %get3A_516] {strides = array<i32>} : memref<3x704xi32, #tpu.memory_space<vmem>>, vector<16xi32>,
        %get3A_518 = arith.constant 2 : i32
        %get3A_519 = arith.index_cast %get3A_518 : i32 to index
        %get3A_520 = arith.index_cast %add3A_514 : i32 to index
        %get3A_521 = tpu.vector_load %arg8[%get3A_519, %get3A_520] {strides = array<i32>} : memref<3x704xi32, #tpu.memory_space<vmem>>, vector<16xi32>,
        %max3A = arith.constant 0 : i32
        %max3A_522 = vector.broadcast %max3A : i32 to vector<16xi32>
        %max3A_523 = arith.maxsi %get3A_517, %max3A_522 : vector<16xi32>
        %min3A = arith.constant 127 : i32
        %min3A_524 = vector.broadcast %min3A : i32 to vector<16xi32>
        %min3A_525 = arith.minsi %max3A_523, %min3A_524 : vector<16xi32>
        %max3A_526 = arith.constant 0 : i32
        %max3A_527 = vector.broadcast %max3A_526 : i32 to vector<16xi32>
        %max3A_528 = arith.maxsi %get3A_521, %max3A_527 : vector<16xi32>
        %min3A_529 = arith.constant 127 : i32
        %min3A_530 = vector.broadcast %min3A_529 : i32 to vector<16xi32>
        %min3A_531 = arith.minsi %max3A_528, %min3A_530 : vector<16xi32>
        %mul3A_532 = arith.constant 128 : i32
        %mul3A_533 = vector.broadcast %mul3A_532 : i32 to vector<16xi32>
        %mul3A_534 = arith.muli %min3A_531, %mul3A_533 : vector<16xi32>
        %add3A_535 = arith.addi %mul3A_534, %min3A_525 : vector<16xi32>
        %swap3A = arith.index_cast %scan3A_509 : i32 to index
        %swap3A_536 = arith.constant 0 : index
        %swap3A_537 = tpu.vector_load %arg10[%swap3A, %swap3A_536] {strides = array<i32>} : memref<8x88xi32, #tpu.memory_space<vmem>>, vector<16xi32>,
        tpu.vector_store %arg10[%swap3A, %swap3A_536], %add3A_535 {strides = array<i32>} : memref<8x88xi32, #tpu.memory_space<vmem>>, vector<16xi32>,
        %mul3A_538 = arith.constant 88 : i32
        %mul3A_539 = arith.muli %scan3A_509, %mul3A_538 : i32
        %add3A_540 = arith.constant 16 : i32
        %add3A_541 = arith.addi %mul3A_539, %add3A_540 : i32
        %get3A_542 = arith.constant 1 : i32
        %get3A_543 = arith.index_cast %get3A_542 : i32 to index
        %get3A_544 = arith.index_cast %add3A_541 : i32 to index
        %get3A_545 = tpu.vector_load %arg8[%get3A_543, %get3A_544] {strides = array<i32>} : memref<3x704xi32, #tpu.memory_space<vmem>>, vector<16xi32>,
        %get3A_546 = arith.constant 2 : i32
        %get3A_547 = arith.index_cast %get3A_546 : i32 to index
        %get3A_548 = arith.index_cast %add3A_541 : i32 to index
        %get3A_549 = tpu.vector_load %arg8[%get3A_547, %get3A_548] {strides = array<i32>} : memref<3x704xi32, #tpu.memory_space<vmem>>, vector<16xi32>,
        %max3A_550 = arith.constant 0 : i32
        %max3A_551 = vector.broadcast %max3A_550 : i32 to vector<16xi32>
        %max3A_552 = arith.maxsi %get3A_545, %max3A_551 : vector<16xi32>
        %min3A_553 = arith.constant 127 : i32
        %min3A_554 = vector.broadcast %min3A_553 : i32 to vector<16xi32>
        %min3A_555 = arith.minsi %max3A_552, %min3A_554 : vector<16xi32>
        %max3A_556 = arith.constant 0 : i32
        %max3A_557 = vector.broadcast %max3A_556 : i32 to vector<16xi32>
        %max3A_558 = arith.maxsi %get3A_549, %max3A_557 : vector<16xi32>
        %min3A_559 = arith.constant 127 : i32
        %min3A_560 = vector.broadcast %min3A_559 : i32 to vector<16xi32>
        %min3A_561 = arith.minsi %max3A_558, %min3A_560 : vector<16xi32>
        %mul3A_562 = arith.constant 128 : i32
        %mul3A_563 = vector.broadcast %mul3A_562 : i32 to vector<16xi32>
        %mul3A_564 = arith.muli %min3A_561, %mul3A_563 : vector<16xi32>
        %add3A_565 = arith.addi %mul3A_564, %min3A_555 : vector<16xi32>
        %swap3A_566 = arith.index_cast %scan3A_509 : i32 to index
        %swap3A_567 = arith.constant 16 : index
        %swap3A_568 = tpu.vector_load %arg10[%swap3A_566, %swap3A_567] {strides = array<i32>} : memref<8x88xi32, #tpu.memory_space<vmem>>, vector<16xi32>,
        tpu.vector_store %arg10[%swap3A_566, %swap3A_567], %add3A_565 {strides = array<i32>} : memref<8x88xi32, #tpu.memory_space<vmem>>, vector<16xi32>,
        %mul3A_569 = arith.constant 88 : i32
        %mul3A_570 = arith.muli %scan3A_509, %mul3A_569 : i32
        %add3A_571 = arith.constant 32 : i32
        %add3A_572 = arith.addi %mul3A_570, %add3A_571 : i32
        %get3A_573 = arith.constant 1 : i32
        %get3A_574 = arith.index_cast %get3A_573 : i32 to index
        %get3A_575 = arith.index_cast %add3A_572 : i32 to index
        %get3A_576 = tpu.vector_load %arg8[%get3A_574, %get3A_575] {strides = array<i32>} : memref<3x704xi32, #tpu.memory_space<vmem>>, vector<16xi32>,
        %get3A_577 = arith.constant 2 : i32
        %get3A_578 = arith.index_cast %get3A_577 : i32 to index
        %get3A_579 = arith.index_cast %add3A_572 : i32 to index
        %get3A_580 = tpu.vector_load %arg8[%get3A_578, %get3A_579] {strides = array<i32>} : memref<3x704xi32, #tpu.memory_space<vmem>>, vector<16xi32>,
        %max3A_581 = arith.constant 0 : i32
        %max3A_582 = vector.broadcast %max3A_581 : i32 to vector<16xi32>
        %max3A_583 = arith.maxsi %get3A_576, %max3A_582 : vector<16xi32>
        %min3A_584 = arith.constant 127 : i32
        %min3A_585 = vector.broadcast %min3A_584 : i32 to vector<16xi32>
        %min3A_586 = arith.minsi %max3A_583, %min3A_585 : vector<16xi32>
        %max3A_587 = arith.constant 0 : i32
        %max3A_588 = vector.broadcast %max3A_587 : i32 to vector<16xi32>
        %max3A_589 = arith.maxsi %get3A_580, %max3A_588 : vector<16xi32>
        %min3A_590 = arith.constant 127 : i32
        %min3A_591 = vector.broadcast %min3A_590 : i32 to vector<16xi32>
        %min3A_592 = arith.minsi %max3A_589, %min3A_591 : vector<16xi32>
        %mul3A_593 = arith.constant 128 : i32
        %mul3A_594 = vector.broadcast %mul3A_593 : i32 to vector<16xi32>
        %mul3A_595 = arith.muli %min3A_592, %mul3A_594 : vector<16xi32>
        %add3A_596 = arith.addi %mul3A_595, %min3A_586 : vector<16xi32>
        %swap3A_597 = arith.index_cast %scan3A_509 : i32 to index
        %swap3A_598 = arith.constant 32 : index
        %swap3A_599 = tpu.vector_load %arg10[%swap3A_597, %swap3A_598] {strides = array<i32>} : memref<8x88xi32, #tpu.memory_space<vmem>>, vector<16xi32>,
        tpu.vector_store %arg10[%swap3A_597, %swap3A_598], %add3A_596 {strides = array<i32>} : memref<8x88xi32, #tpu.memory_space<vmem>>, vector<16xi32>,
        %mul3A_600 = arith.constant 88 : i32
        %mul3A_601 = arith.muli %scan3A_509, %mul3A_600 : i32
        %add3A_602 = arith.constant 48 : i32
        %add3A_603 = arith.addi %mul3A_601, %add3A_602 : i32
        %get3A_604 = arith.constant 1 : i32
        %get3A_605 = arith.index_cast %get3A_604 : i32 to index
        %get3A_606 = arith.index_cast %add3A_603 : i32 to index
        %get3A_607 = tpu.vector_load %arg8[%get3A_605, %get3A_606] {strides = array<i32>} : memref<3x704xi32, #tpu.memory_space<vmem>>, vector<16xi32>,
        %get3A_608 = arith.constant 2 : i32
        %get3A_609 = arith.index_cast %get3A_608 : i32 to index
        %get3A_610 = arith.index_cast %add3A_603 : i32 to index
        %get3A_611 = tpu.vector_load %arg8[%get3A_609, %get3A_610] {strides = array<i32>} : memref<3x704xi32, #tpu.memory_space<vmem>>, vector<16xi32>,
        %max3A_612 = arith.constant 0 : i32
        %max3A_613 = vector.broadcast %max3A_612 : i32 to vector<16xi32>
        %max3A_614 = arith.maxsi %get3A_607, %max3A_613 : vector<16xi32>
        %min3A_615 = arith.constant 127 : i32
        %min3A_616 = vector.broadcast %min3A_615 : i32 to vector<16xi32>
        %min3A_617 = arith.minsi %max3A_614, %min3A_616 : vector<16xi32>
        %max3A_618 = arith.constant 0 : i32
        %max3A_619 = vector.broadcast %max3A_618 : i32 to vector<16xi32>
        %max3A_620 = arith.maxsi %get3A_611, %max3A_619 : vector<16xi32>
        %min3A_621 = arith.constant 127 : i32
        %min3A_622 = vector.broadcast %min3A_621 : i32 to vector<16xi32>
        %min3A_623 = arith.minsi %max3A_620, %min3A_622 : vector<16xi32>
        %mul3A_624 = arith.constant 128 : i32
        %mul3A_625 = vector.broadcast %mul3A_624 : i32 to vector<16xi32>
        %mul3A_626 = arith.muli %min3A_623, %mul3A_625 : vector<16xi32>
        %add3A_627 = arith.addi %mul3A_626, %min3A_617 : vector<16xi32>
        %swap3A_628 = arith.index_cast %scan3A_509 : i32 to index
        %swap3A_629 = arith.constant 48 : index
        %swap3A_630 = tpu.vector_load %arg10[%swap3A_628, %swap3A_629] {strides = array<i32>} : memref<8x88xi32, #tpu.memory_space<vmem>>, vector<16xi32>,
        tpu.vector_store %arg10[%swap3A_628, %swap3A_629], %add3A_627 {strides = array<i32>} : memref<8x88xi32, #tpu.memory_space<vmem>>, vector<16xi32>,
        %mul3A_631 = arith.constant 88 : i32
        %mul3A_632 = arith.muli %scan3A_509, %mul3A_631 : i32
        %add3A_633 = arith.constant 64 : i32
        %add3A_634 = arith.addi %mul3A_632, %add3A_633 : i32
        %get3A_635 = arith.constant 1 : i32
        %get3A_636 = arith.index_cast %get3A_635 : i32 to index
        %get3A_637 = arith.index_cast %add3A_634 : i32 to index
        %get3A_638 = tpu.vector_load %arg8[%get3A_636, %get3A_637] {strides = array<i32>} : memref<3x704xi32, #tpu.memory_space<vmem>>, vector<16xi32>,
        %get3A_639 = arith.constant 2 : i32
        %get3A_640 = arith.index_cast %get3A_639 : i32 to index
        %get3A_641 = arith.index_cast %add3A_634 : i32 to index
        %get3A_642 = tpu.vector_load %arg8[%get3A_640, %get3A_641] {strides = array<i32>} : memref<3x704xi32, #tpu.memory_space<vmem>>, vector<16xi32>,
        %max3A_643 = arith.constant 0 : i32
        %max3A_644 = vector.broadcast %max3A_643 : i32 to vector<16xi32>
        %max3A_645 = arith.maxsi %get3A_638, %max3A_644 : vector<16xi32>
        %min3A_646 = arith.constant 127 : i32
        %min3A_647 = vector.broadcast %min3A_646 : i32 to vector<16xi32>
        %min3A_648 = arith.minsi %max3A_645, %min3A_647 : vector<16xi32>
        %max3A_649 = arith.constant 0 : i32
        %max3A_650 = vector.broadcast %max3A_649 : i32 to vector<16xi32>
        %max3A_651 = arith.maxsi %get3A_642, %max3A_650 : vector<16xi32>
        %min3A_652 = arith.constant 127 : i32
        %min3A_653 = vector.broadcast %min3A_652 : i32 to vector<16xi32>
        %min3A_654 = arith.minsi %max3A_651, %min3A_653 : vector<16xi32>
        %mul3A_655 = arith.constant 128 : i32
        %mul3A_656 = vector.broadcast %mul3A_655 : i32 to vector<16xi32>
        %mul3A_657 = arith.muli %min3A_654, %mul3A_656 : vector<16xi32>
        %add3A_658 = arith.addi %mul3A_657, %min3A_648 : vector<16xi32>
        %swap3A_659 = arith.index_cast %scan3A_509 : i32 to index
        %swap3A_660 = arith.constant 64 : index
        %swap3A_661 = tpu.vector_load %arg10[%swap3A_659, %swap3A_660] {strides = array<i32>} : memref<8x88xi32, #tpu.memory_space<vmem>>, vector<16xi32>,
        tpu.vector_store %arg10[%swap3A_659, %swap3A_660], %add3A_658 {strides = array<i32>} : memref<8x88xi32, #tpu.memory_space<vmem>>, vector<16xi32>,
        %mul3A_662 = arith.constant 88 : i32
        %mul3A_663 = arith.muli %scan3A_509, %mul3A_662 : i32
        %add3A_664 = arith.constant 72 : i32
        %add3A_665 = arith.addi %mul3A_663, %add3A_664 : i32
        %get3A_666 = arith.constant 1 : i32
        %get3A_667 = arith.index_cast %get3A_666 : i32 to index
        %get3A_668 = arith.index_cast %add3A_665 : i32 to index
        %get3A_669 = tpu.vector_load %arg8[%get3A_667, %get3A_668] {strides = array<i32>} : memref<3x704xi32, #tpu.memory_space<vmem>>, vector<16xi32>,
        %get3A_670 = arith.constant 2 : i32
        %get3A_671 = arith.index_cast %get3A_670 : i32 to index
        %get3A_672 = arith.index_cast %add3A_665 : i32 to index
        %get3A_673 = tpu.vector_load %arg8[%get3A_671, %get3A_672] {strides = array<i32>} : memref<3x704xi32, #tpu.memory_space<vmem>>, vector<16xi32>,
        %max3A_674 = arith.constant 0 : i32
        %max3A_675 = vector.broadcast %max3A_674 : i32 to vector<16xi32>
        %max3A_676 = arith.maxsi %get3A_669, %max3A_675 : vector<16xi32>
        %min3A_677 = arith.constant 127 : i32
        %min3A_678 = vector.broadcast %min3A_677 : i32 to vector<16xi32>
        %min3A_679 = arith.minsi %max3A_676, %min3A_678 : vector<16xi32>
        %max3A_680 = arith.constant 0 : i32
        %max3A_681 = vector.broadcast %max3A_680 : i32 to vector<16xi32>
        %max3A_682 = arith.maxsi %get3A_673, %max3A_681 : vector<16xi32>
        %min3A_683 = arith.constant 127 : i32
        %min3A_684 = vector.broadcast %min3A_683 : i32 to vector<16xi32>
        %min3A_685 = arith.minsi %max3A_682, %min3A_684 : vector<16xi32>
        %mul3A_686 = arith.constant 128 : i32
        %mul3A_687 = vector.broadcast %mul3A_686 : i32 to vector<16xi32>
        %mul3A_688 = arith.muli %min3A_685, %mul3A_687 : vector<16xi32>
        %add3A_689 = arith.addi %mul3A_688, %min3A_679 : vector<16xi32>
        %swap3A_690 = arith.index_cast %scan3A_509 : i32 to index
        %swap3A_691 = arith.constant 72 : index
        %swap3A_692 = tpu.vector_load %arg10[%swap3A_690, %swap3A_691] {strides = array<i32>} : memref<8x88xi32, #tpu.memory_space<vmem>>, vector<16xi32>,
        tpu.vector_store %arg10[%swap3A_690, %swap3A_691], %add3A_689 {strides = array<i32>} : memref<8x88xi32, #tpu.memory_space<vmem>>, vector<16xi32>,
        %scan3A_693 = arith.constant 0 : i32
        scf.yield %scan3A_693 : i32
      }
      %scan3A_280 = arith.constant 8 : i32
      %scan3A_281 = arith.constant 0 : i32
      %scan3A_282 = arith.constant 0 : i32
      %scan3A_283 = arith.constant 44 : i32
      %scan3A_284 = arith.addi %scan3A_282, %scan3A_283 : i32
      %scan3A_285 = arith.constant 1 : i32
      %scan3A_286 = scf.for %scan3A_509 = %scan3A_282 to %scan3A_284 step %scan3A_285 iter_args(%scan3A_510 = %scan3A_281) -> (i32)  : i32 {
        %mul3A_511 = arith.constant 16 : i32
        %mul3A_512 = arith.muli %scan3A_509, %mul3A_511 : i32
        %get3A = arith.constant 0 : i32
        %get3A_513 = arith.index_cast %get3A : i32 to index
        %get3A_514 = arith.index_cast %mul3A_512 : i32 to index
        %get3A_515 = tpu.vector_load %arg8[%get3A_513, %get3A_514] {strides = array<i32>} : memref<3x704xi32, #tpu.memory_space<vmem>>, vector<16xi32>,
        %bitcast3A = vector.bitcast %get3A_515 : vector<16xi32> to vector<16xf32>
        %gather3A = vector.shape_cast %broadcast_in_dim3A_10 : vector<16x1xi32> to vector<16xi32>
        %gather3A_516 = tpu.dynamic_gather %bitcast3A[%gather3A] in [0] : vector<16xf32>, vector<16xi32> -> vector<16xf32>
        %add3A_517 = arith.constant 0 : i32
        %add3A_518 = arith.addi %mul3A_512, %add3A_517 : i32
        %get3A_519 = arith.index_cast %add3A_518 : i32 to index
        %get3A_520 = arith.constant 0 : index
        %get3A_521 = tpu.vector_load %arg5[%get3A_519, %get3A_520] {strides = array<i32>} : memref<704x40xf32, #tpu.memory_space<vmem>>, vector<16xf32>,
        %mul3A_522 = arith.mulf %get3A_521, %gather3A_516 : vector<16xf32>
        %add3A_523 = arith.constant 0 : i32
        %add3A_524 = arith.addi %mul3A_512, %add3A_523 : i32
        %swap3A = arith.index_cast %add3A_524 : i32 to index
        %swap3A_525 = arith.constant 0 : index
        %swap3A_526 = tpu.vector_load %arg6[%swap3A, %swap3A_525] {strides = array<i32>} : memref<704x40xf32, #tpu.memory_space<vmem>>, vector<16xf32>,
        tpu.vector_store %arg6[%swap3A, %swap3A_525], %mul3A_522 {strides = array<i32>} : memref<704x40xf32, #tpu.memory_space<vmem>>, vector<16xf32>,
        %add3A_527 = arith.constant 0 : i32
        %add3A_528 = arith.addi %mul3A_512, %add3A_527 : i32
        %get3A_529 = arith.index_cast %add3A_528 : i32 to index
        %get3A_530 = arith.constant 16 : index
        %get3A_531 = tpu.vector_load %arg5[%get3A_529, %get3A_530] {strides = array<i32>} : memref<704x40xf32, #tpu.memory_space<vmem>>, vector<16xf32>,
        %mul3A_532 = arith.mulf %get3A_531, %gather3A_516 : vector<16xf32>
        %add3A_533 = arith.constant 0 : i32
        %add3A_534 = arith.addi %mul3A_512, %add3A_533 : i32
        %swap3A_535 = arith.index_cast %add3A_534 : i32 to index
        %swap3A_536 = arith.constant 16 : index
        %swap3A_537 = tpu.vector_load %arg6[%swap3A_535, %swap3A_536] {strides = array<i32>} : memref<704x40xf32, #tpu.memory_space<vmem>>, vector<16xf32>,
        tpu.vector_store %arg6[%swap3A_535, %swap3A_536], %mul3A_532 {strides = array<i32>} : memref<704x40xf32, #tpu.memory_space<vmem>>, vector<16xf32>,
        %add3A_538 = arith.constant 0 : i32
        %add3A_539 = arith.addi %mul3A_512, %add3A_538 : i32
        %get3A_540 = arith.index_cast %add3A_539 : i32 to index
        %get3A_541 = arith.constant 24 : index
        %get3A_542 = tpu.vector_load %arg5[%get3A_540, %get3A_541] {strides = array<i32>} : memref<704x40xf32, #tpu.memory_space<vmem>>, vector<16xf32>,
        %mul3A_543 = arith.mulf %get3A_542, %gather3A_516 : vector<16xf32>
        %add3A_544 = arith.constant 0 : i32
        %add3A_545 = arith.addi %mul3A_512, %add3A_544 : i32
        %swap3A_546 = arith.index_cast %add3A_545 : i32 to index
        %swap3A_547 = arith.constant 24 : index
        %swap3A_548 = tpu.vector_load %arg6[%swap3A_546, %swap3A_547] {strides = array<i32>} : memref<704x40xf32, #tpu.memory_space<vmem>>, vector<16xf32>,
        tpu.vector_store %arg6[%swap3A_546, %swap3A_547], %mul3A_543 {strides = array<i32>} : memref<704x40xf32, #tpu.memory_space<vmem>>, vector<16xf32>,
        %gather3A_549 = vector.shape_cast %broadcast_in_dim3A_12 : vector<16x1xi32> to vector<16xi32>
        %gather3A_550 = tpu.dynamic_gather %bitcast3A[%gather3A_549] in [0] : vector<16xf32>, vector<16xi32> -> vector<16xf32>
        %add3A_551 = arith.constant 1 : i32
        %add3A_552 = arith.addi %mul3A_512, %add3A_551 : i32
        %get3A_553 = arith.index_cast %add3A_552 : i32 to index
        %get3A_554 = arith.constant 0 : index
        %get3A_555 = tpu.vector_load %arg5[%get3A_553, %get3A_554] {strides = array<i32>} : memref<704x40xf32, #tpu.memory_space<vmem>>, vector<16xf32>,
        %mul3A_556 = arith.mulf %get3A_555, %gather3A_550 : vector<16xf32>
        %add3A_557 = arith.constant 1 : i32
        %add3A_558 = arith.addi %mul3A_512, %add3A_557 : i32
        %swap3A_559 = arith.index_cast %add3A_558 : i32 to index
        %swap3A_560 = arith.constant 0 : index
        %swap3A_561 = tpu.vector_load %arg6[%swap3A_559, %swap3A_560] {strides = array<i32>} : memref<704x40xf32, #tpu.memory_space<vmem>>, vector<16xf32>,
        tpu.vector_store %arg6[%swap3A_559, %swap3A_560], %mul3A_556 {strides = array<i32>} : memref<704x40xf32, #tpu.memory_space<vmem>>, vector<16xf32>,
        %add3A_562 = arith.constant 1 : i32
        %add3A_563 = arith.addi %mul3A_512, %add3A_562 : i32
        %get3A_564 = arith.index_cast %add3A_563 : i32 to index
        %get3A_565 = arith.constant 16 : index
        %get3A_566 = tpu.vector_load %arg5[%get3A_564, %get3A_565] {strides = array<i32>} : memref<704x40xf32, #tpu.memory_space<vmem>>, vector<16xf32>,
        %mul3A_567 = arith.mulf %get3A_566, %gather3A_550 : vector<16xf32>
        %add3A_568 = arith.constant 1 : i32
        %add3A_569 = arith.addi %mul3A_512, %add3A_568 : i32
        %swap3A_570 = arith.index_cast %add3A_569 : i32 to index
        %swap3A_571 = arith.constant 16 : index
        %swap3A_572 = tpu.vector_load %arg6[%swap3A_570, %swap3A_571] {strides = array<i32>} : memref<704x40xf32, #tpu.memory_space<vmem>>, vector<16xf32>,
        tpu.vector_store %arg6[%swap3A_570, %swap3A_571], %mul3A_567 {strides = array<i32>} : memref<704x40xf32, #tpu.memory_space<vmem>>, vector<16xf32>,
        %add3A_573 = arith.constant 1 : i32
        %add3A_574 = arith.addi %mul3A_512, %add3A_573 : i32
        %get3A_575 = arith.index_cast %add3A_574 : i32 to index
        %get3A_576 = arith.constant 24 : index
        %get3A_577 = tpu.vector_load %arg5[%get3A_575, %get3A_576] {strides = array<i32>} : memref<704x40xf32, #tpu.memory_space<vmem>>, vector<16xf32>,
        %mul3A_578 = arith.mulf %get3A_577, %gather3A_550 : vector<16xf32>
        %add3A_579 = arith.constant 1 : i32
        %add3A_580 = arith.addi %mul3A_512, %add3A_579 : i32
        %swap3A_581 = arith.index_cast %add3A_580 : i32 to index
        %swap3A_582 = arith.constant 24 : index
        %swap3A_583 = tpu.vector_load %arg6[%swap3A_581, %swap3A_582] {strides = array<i32>} : memref<704x40xf32, #tpu.memory_space<vmem>>, vector<16xf32>,
        tpu.vector_store %arg6[%swap3A_581, %swap3A_582], %mul3A_578 {strides = array<i32>} : memref<704x40xf32, #tpu.memory_space<vmem>>, vector<16xf32>,
        %gather3A_584 = vector.shape_cast %broadcast_in_dim3A_14 : vector<16x1xi32> to vector<16xi32>
        %gather3A_585 = tpu.dynamic_gather %bitcast3A[%gather3A_584] in [0] : vector<16xf32>, vector<16xi32> -> vector<16xf32>
        %add3A_586 = arith.constant 2 : i32
        %add3A_587 = arith.addi %mul3A_512, %add3A_586 : i32
        %get3A_588 = arith.index_cast %add3A_587 : i32 to index
        %get3A_589 = arith.constant 0 : index
        %get3A_590 = tpu.vector_load %arg5[%get3A_588, %get3A_589] {strides = array<i32>} : memref<704x40xf32, #tpu.memory_space<vmem>>, vector<16xf32>,
        %mul3A_591 = arith.mulf %get3A_590, %gather3A_585 : vector<16xf32>
        %add3A_592 = arith.constant 2 : i32
        %add3A_593 = arith.addi %mul3A_512, %add3A_592 : i32
        %swap3A_594 = arith.index_cast %add3A_593 : i32 to index
        %swap3A_595 = arith.constant 0 : index
        %swap3A_596 = tpu.vector_load %arg6[%swap3A_594, %swap3A_595] {strides = array<i32>} : memref<704x40xf32, #tpu.memory_space<vmem>>, vector<16xf32>,
        tpu.vector_store %arg6[%swap3A_594, %swap3A_595], %mul3A_591 {strides = array<i32>} : memref<704x40xf32, #tpu.memory_space<vmem>>, vector<16xf32>,
        %add3A_597 = arith.constant 2 : i32
        %add3A_598 = arith.addi %mul3A_512, %add3A_597 : i32
        %get3A_599 = arith.index_cast %add3A_598 : i32 to index
        %get3A_600 = arith.constant 16 : index
        %get3A_601 = tpu.vector_load %arg5[%get3A_599, %get3A_600] {strides = array<i32>} : memref<704x40xf32, #tpu.memory_space<vmem>>, vector<16xf32>,
        %mul3A_602 = arith.mulf %get3A_601, %gather3A_585 : vector<16xf32>
        %add3A_603 = arith.constant 2 : i32
        %add3A_604 = arith.addi %mul3A_512, %add3A_603 : i32
        %swap3A_605 = arith.index_cast %add3A_604 : i32 to index
        %swap3A_606 = arith.constant 16 : index
        %swap3A_607 = tpu.vector_load %arg6[%swap3A_605, %swap3A_606] {strides = array<i32>} : memref<704x40xf32, #tpu.memory_space<vmem>>, vector<16xf32>,
        tpu.vector_store %arg6[%swap3A_605, %swap3A_606], %mul3A_602 {strides = array<i32>} : memref<704x40xf32, #tpu.memory_space<vmem>>, vector<16xf32>,
        %add3A_608 = arith.constant 2 : i32
        %add3A_609 = arith.addi %mul3A_512, %add3A_608 : i32
        %get3A_610 = arith.index_cast %add3A_609 : i32 to index
        %get3A_611 = arith.constant 24 : index
        %get3A_612 = tpu.vector_load %arg5[%get3A_610, %get3A_611] {strides = array<i32>} : memref<704x40xf32, #tpu.memory_space<vmem>>, vector<16xf32>,
        %mul3A_613 = arith.mulf %get3A_612, %gather3A_585 : vector<16xf32>
        %add3A_614 = arith.constant 2 : i32
        %add3A_615 = arith.addi %mul3A_512, %add3A_614 : i32
        %swap3A_616 = arith.index_cast %add3A_615 : i32 to index
        %swap3A_617 = arith.constant 24 : index
        %swap3A_618 = tpu.vector_load %arg6[%swap3A_616, %swap3A_617] {strides = array<i32>} : memref<704x40xf32, #tpu.memory_space<vmem>>, vector<16xf32>,
        tpu.vector_store %arg6[%swap3A_616, %swap3A_617], %mul3A_613 {strides = array<i32>} : memref<704x40xf32, #tpu.memory_space<vmem>>, vector<16xf32>,
        %gather3A_619 = vector.shape_cast %broadcast_in_dim3A_16 : vector<16x1xi32> to vector<16xi32>
        %gather3A_620 = tpu.dynamic_gather %bitcast3A[%gather3A_619] in [0] : vector<16xf32>, vector<16xi32> -> vector<16xf32>
        %add3A_621 = arith.constant 3 : i32
        %add3A_622 = arith.addi %mul3A_512, %add3A_621 : i32
        %get3A_623 = arith.index_cast %add3A_622 : i32 to index
        %get3A_624 = arith.constant 0 : index
        %get3A_625 = tpu.vector_load %arg5[%get3A_623, %get3A_624] {strides = array<i32>} : memref<704x40xf32, #tpu.memory_space<vmem>>, vector<16xf32>,
        %mul3A_626 = arith.mulf %get3A_625, %gather3A_620 : vector<16xf32>
        %add3A_627 = arith.constant 3 : i32
        %add3A_628 = arith.addi %mul3A_512, %add3A_627 : i32
        %swap3A_629 = arith.index_cast %add3A_628 : i32 to index
        %swap3A_630 = arith.constant 0 : index
        %swap3A_631 = tpu.vector_load %arg6[%swap3A_629, %swap3A_630] {strides = array<i32>} : memref<704x40xf32, #tpu.memory_space<vmem>>, vector<16xf32>,
        tpu.vector_store %arg6[%swap3A_629, %swap3A_630], %mul3A_626 {strides = array<i32>} : memref<704x40xf32, #tpu.memory_space<vmem>>, vector<16xf32>,
        %add3A_632 = arith.constant 3 : i32
        %add3A_633 = arith.addi %mul3A_512, %add3A_632 : i32
        %get3A_634 = arith.index_cast %add3A_633 : i32 to index
        %get3A_635 = arith.constant 16 : index
        %get3A_636 = tpu.vector_load %arg5[%get3A_634, %get3A_635] {strides = array<i32>} : memref<704x40xf32, #tpu.memory_space<vmem>>, vector<16xf32>,
        %mul3A_637 = arith.mulf %get3A_636, %gather3A_620 : vector<16xf32>
        %add3A_638 = arith.constant 3 : i32
        %add3A_639 = arith.addi %mul3A_512, %add3A_638 : i32
        %swap3A_640 = arith.index_cast %add3A_639 : i32 to index
        %swap3A_641 = arith.constant 16 : index
        %swap3A_642 = tpu.vector_load %arg6[%swap3A_640, %swap3A_641] {strides = array<i32>} : memref<704x40xf32, #tpu.memory_space<vmem>>, vector<16xf32>,
        tpu.vector_store %arg6[%swap3A_640, %swap3A_641], %mul3A_637 {strides = array<i32>} : memref<704x40xf32, #tpu.memory_space<vmem>>, vector<16xf32>,
        %add3A_643 = arith.constant 3 : i32
        %add3A_644 = arith.addi %mul3A_512, %add3A_643 : i32
        %get3A_645 = arith.index_cast %add3A_644 : i32 to index
        %get3A_646 = arith.constant 24 : index
        %get3A_647 = tpu.vector_load %arg5[%get3A_645, %get3A_646] {strides = array<i32>} : memref<704x40xf32, #tpu.memory_space<vmem>>, vector<16xf32>,
        %mul3A_648 = arith.mulf %get3A_647, %gather3A_620 : vector<16xf32>
        %add3A_649 = arith.constant 3 : i32
        %add3A_650 = arith.addi %mul3A_512, %add3A_649 : i32
        %swap3A_651 = arith.index_cast %add3A_650 : i32 to index
        %swap3A_652 = arith.constant 24 : index
        %swap3A_653 = tpu.vector_load %arg6[%swap3A_651, %swap3A_652] {strides = array<i32>} : memref<704x40xf32, #tpu.memory_space<vmem>>, vector<16xf32>,
        tpu.vector_store %arg6[%swap3A_651, %swap3A_652], %mul3A_648 {strides = array<i32>} : memref<704x40xf32, #tpu.memory_space<vmem>>, vector<16xf32>,
        %gather3A_654 = vector.shape_cast %broadcast_in_dim3A_18 : vector<16x1xi32> to vector<16xi32>
        %gather3A_655 = tpu.dynamic_gather %bitcast3A[%gather3A_654] in [0] : vector<16xf32>, vector<16xi32> -> vector<16xf32>
        %add3A_656 = arith.constant 4 : i32
        %add3A_657 = arith.addi %mul3A_512, %add3A_656 : i32
        %get3A_658 = arith.index_cast %add3A_657 : i32 to index
        %get3A_659 = arith.constant 0 : index
        %get3A_660 = tpu.vector_load %arg5[%get3A_658, %get3A_659] {strides = array<i32>} : memref<704x40xf32, #tpu.memory_space<vmem>>, vector<16xf32>,
        %mul3A_661 = arith.mulf %get3A_660, %gather3A_655 : vector<16xf32>
        %add3A_662 = arith.constant 4 : i32
        %add3A_663 = arith.addi %mul3A_512, %add3A_662 : i32
        %swap3A_664 = arith.index_cast %add3A_663 : i32 to index
        %swap3A_665 = arith.constant 0 : index
        %swap3A_666 = tpu.vector_load %arg6[%swap3A_664, %swap3A_665] {strides = array<i32>} : memref<704x40xf32, #tpu.memory_space<vmem>>, vector<16xf32>,
        tpu.vector_store %arg6[%swap3A_664, %swap3A_665], %mul3A_661 {strides = array<i32>} : memref<704x40xf32, #tpu.memory_space<vmem>>, vector<16xf32>,
        %add3A_667 = arith.constant 4 : i32
        %add3A_668 = arith.addi %mul3A_512, %add3A_667 : i32
        %get3A_669 = arith.index_cast %add3A_668 : i32 to index
        %get3A_670 = arith.constant 16 : index
        %get3A_671 = tpu.vector_load %arg5[%get3A_669, %get3A_670] {strides = array<i32>} : memref<704x40xf32, #tpu.memory_space<vmem>>, vector<16xf32>,
        %mul3A_672 = arith.mulf %get3A_671, %gather3A_655 : vector<16xf32>
        %add3A_673 = arith.constant 4 : i32
        %add3A_674 = arith.addi %mul3A_512, %add3A_673 : i32
        %swap3A_675 = arith.index_cast %add3A_674 : i32 to index
        %swap3A_676 = arith.constant 16 : index
        %swap3A_677 = tpu.vector_load %arg6[%swap3A_675, %swap3A_676] {strides = array<i32>} : memref<704x40xf32, #tpu.memory_space<vmem>>, vector<16xf32>,
        tpu.vector_store %arg6[%swap3A_675, %swap3A_676], %mul3A_672 {strides = array<i32>} : memref<704x40xf32, #tpu.memory_space<vmem>>, vector<16xf32>,
        %add3A_678 = arith.constant 4 : i32
        %add3A_679 = arith.addi %mul3A_512, %add3A_678 : i32
        %get3A_680 = arith.index_cast %add3A_679 : i32 to index
        %get3A_681 = arith.constant 24 : index
        %get3A_682 = tpu.vector_load %arg5[%get3A_680, %get3A_681] {strides = array<i32>} : memref<704x40xf32, #tpu.memory_space<vmem>>, vector<16xf32>,
        %mul3A_683 = arith.mulf %get3A_682, %gather3A_655 : vector<16xf32>
        %add3A_684 = arith.constant 4 : i32
        %add3A_685 = arith.addi %mul3A_512, %add3A_684 : i32
        %swap3A_686 = arith.index_cast %add3A_685 : i32 to index
        %swap3A_687 = arith.constant 24 : index
        %swap3A_688 = tpu.vector_load %arg6[%swap3A_686, %swap3A_687] {strides = array<i32>} : memref<704x40xf32, #tpu.memory_space<vmem>>, vector<16xf32>,
        tpu.vector_store %arg6[%swap3A_686, %swap3A_687], %mul3A_683 {strides = array<i32>} : memref<704x40xf32, #tpu.memory_space<vmem>>, vector<16xf32>,
        %gather3A_689 = vector.shape_cast %broadcast_in_dim3A_20 : vector<16x1xi32> to vector<16xi32>
        %gather3A_690 = tpu.dynamic_gather %bitcast3A[%gather3A_689] in [0] : vector<16xf32>, vector<16xi32> -> vector<16xf32>
        %add3A_691 = arith.constant 5 : i32
        %add3A_692 = arith.addi %mul3A_512, %add3A_691 : i32
        %get3A_693 = arith.index_cast %add3A_692 : i32 to index
        %get3A_694 = arith.constant 0 : index
        %get3A_695 = tpu.vector_load %arg5[%get3A_693, %get3A_694] {strides = array<i32>} : memref<704x40xf32, #tpu.memory_space<vmem>>, vector<16xf32>,
        %mul3A_696 = arith.mulf %get3A_695, %gather3A_690 : vector<16xf32>
        %add3A_697 = arith.constant 5 : i32
        %add3A_698 = arith.addi %mul3A_512, %add3A_697 : i32
        %swap3A_699 = arith.index_cast %add3A_698 : i32 to index
        %swap3A_700 = arith.constant 0 : index
        %swap3A_701 = tpu.vector_load %arg6[%swap3A_699, %swap3A_700] {strides = array<i32>} : memref<704x40xf32, #tpu.memory_space<vmem>>, vector<16xf32>,
        tpu.vector_store %arg6[%swap3A_699, %swap3A_700], %mul3A_696 {strides = array<i32>} : memref<704x40xf32, #tpu.memory_space<vmem>>, vector<16xf32>,
        %add3A_702 = arith.constant 5 : i32
        %add3A_703 = arith.addi %mul3A_512, %add3A_702 : i32
        %get3A_704 = arith.index_cast %add3A_703 : i32 to index
        %get3A_705 = arith.constant 16 : index
        %get3A_706 = tpu.vector_load %arg5[%get3A_704, %get3A_705] {strides = array<i32>} : memref<704x40xf32, #tpu.memory_space<vmem>>, vector<16xf32>,
        %mul3A_707 = arith.mulf %get3A_706, %gather3A_690 : vector<16xf32>
        %add3A_708 = arith.constant 5 : i32
        %add3A_709 = arith.addi %mul3A_512, %add3A_708 : i32
        %swap3A_710 = arith.index_cast %add3A_709 : i32 to index
        %swap3A_711 = arith.constant 16 : index
        %swap3A_712 = tpu.vector_load %arg6[%swap3A_710, %swap3A_711] {strides = array<i32>} : memref<704x40xf32, #tpu.memory_space<vmem>>, vector<16xf32>,
        tpu.vector_store %arg6[%swap3A_710, %swap3A_711], %mul3A_707 {strides = array<i32>} : memref<704x40xf32, #tpu.memory_space<vmem>>, vector<16xf32>,
        %add3A_713 = arith.constant 5 : i32
        %add3A_714 = arith.addi %mul3A_512, %add3A_713 : i32
        %get3A_715 = arith.index_cast %add3A_714 : i32 to index
        %get3A_716 = arith.constant 24 : index
        %get3A_717 = tpu.vector_load %arg5[%get3A_715, %get3A_716] {strides = array<i32>} : memref<704x40xf32, #tpu.memory_space<vmem>>, vector<16xf32>,
        %mul3A_718 = arith.mulf %get3A_717, %gather3A_690 : vector<16xf32>
        %add3A_719 = arith.constant 5 : i32
        %add3A_720 = arith.addi %mul3A_512, %add3A_719 : i32
        %swap3A_721 = arith.index_cast %add3A_720 : i32 to index
        %swap3A_722 = arith.constant 24 : index
        %swap3A_723 = tpu.vector_load %arg6[%swap3A_721, %swap3A_722] {strides = array<i32>} : memref<704x40xf32, #tpu.memory_space<vmem>>, vector<16xf32>,
        tpu.vector_store %arg6[%swap3A_721, %swap3A_722], %mul3A_718 {strides = array<i32>} : memref<704x40xf32, #tpu.memory_space<vmem>>, vector<16xf32>,
        %gather3A_724 = vector.shape_cast %broadcast_in_dim3A_22 : vector<16x1xi32> to vector<16xi32>
        %gather3A_725 = tpu.dynamic_gather %bitcast3A[%gather3A_724] in [0] : vector<16xf32>, vector<16xi32> -> vector<16xf32>
        %add3A_726 = arith.constant 6 : i32
        %add3A_727 = arith.addi %mul3A_512, %add3A_726 : i32
        %get3A_728 = arith.index_cast %add3A_727 : i32 to index
        %get3A_729 = arith.constant 0 : index
        %get3A_730 = tpu.vector_load %arg5[%get3A_728, %get3A_729] {strides = array<i32>} : memref<704x40xf32, #tpu.memory_space<vmem>>, vector<16xf32>,
        %mul3A_731 = arith.mulf %get3A_730, %gather3A_725 : vector<16xf32>
        %add3A_732 = arith.constant 6 : i32
        %add3A_733 = arith.addi %mul3A_512, %add3A_732 : i32
        %swap3A_734 = arith.index_cast %add3A_733 : i32 to index
        %swap3A_735 = arith.constant 0 : index
        %swap3A_736 = tpu.vector_load %arg6[%swap3A_734, %swap3A_735] {strides = array<i32>} : memref<704x40xf32, #tpu.memory_space<vmem>>, vector<16xf32>,
        tpu.vector_store %arg6[%swap3A_734, %swap3A_735], %mul3A_731 {strides = array<i32>} : memref<704x40xf32, #tpu.memory_space<vmem>>, vector<16xf32>,
        %add3A_737 = arith.constant 6 : i32
        %add3A_738 = arith.addi %mul3A_512, %add3A_737 : i32
        %get3A_739 = arith.index_cast %add3A_738 : i32 to index
        %get3A_740 = arith.constant 16 : index
        %get3A_741 = tpu.vector_load %arg5[%get3A_739, %get3A_740] {strides = array<i32>} : memref<704x40xf32, #tpu.memory_space<vmem>>, vector<16xf32>,
        %mul3A_742 = arith.mulf %get3A_741, %gather3A_725 : vector<16xf32>
        %add3A_743 = arith.constant 6 : i32
        %add3A_744 = arith.addi %mul3A_512, %add3A_743 : i32
        %swap3A_745 = arith.index_cast %add3A_744 : i32 to index
        %swap3A_746 = arith.constant 16 : index
        %swap3A_747 = tpu.vector_load %arg6[%swap3A_745, %swap3A_746] {strides = array<i32>} : memref<704x40xf32, #tpu.memory_space<vmem>>, vector<16xf32>,
        tpu.vector_store %arg6[%swap3A_745, %swap3A_746], %mul3A_742 {strides = array<i32>} : memref<704x40xf32, #tpu.memory_space<vmem>>, vector<16xf32>,
        %add3A_748 = arith.constant 6 : i32
        %add3A_749 = arith.addi %mul3A_512, %add3A_748 : i32
        %get3A_750 = arith.index_cast %add3A_749 : i32 to index
        %get3A_751 = arith.constant 24 : index
        %get3A_752 = tpu.vector_load %arg5[%get3A_750, %get3A_751] {strides = array<i32>} : memref<704x40xf32, #tpu.memory_space<vmem>>, vector<16xf32>,
        %mul3A_753 = arith.mulf %get3A_752, %gather3A_725 : vector<16xf32>
        %add3A_754 = arith.constant 6 : i32
        %add3A_755 = arith.addi %mul3A_512, %add3A_754 : i32
        %swap3A_756 = arith.index_cast %add3A_755 : i32 to index
        %swap3A_757 = arith.constant 24 : index
        %swap3A_758 = tpu.vector_load %arg6[%swap3A_756, %swap3A_757] {strides = array<i32>} : memref<704x40xf32, #tpu.memory_space<vmem>>, vector<16xf32>,
        tpu.vector_store %arg6[%swap3A_756, %swap3A_757], %mul3A_753 {strides = array<i32>} : memref<704x40xf32, #tpu.memory_space<vmem>>, vector<16xf32>,
        %gather3A_759 = vector.shape_cast %broadcast_in_dim3A_24 : vector<16x1xi32> to vector<16xi32>
        %gather3A_760 = tpu.dynamic_gather %bitcast3A[%gather3A_759] in [0] : vector<16xf32>, vector<16xi32> -> vector<16xf32>
        %add3A_761 = arith.constant 7 : i32
        %add3A_762 = arith.addi %mul3A_512, %add3A_761 : i32
        %get3A_763 = arith.index_cast %add3A_762 : i32 to index
        %get3A_764 = arith.constant 0 : index
        %get3A_765 = tpu.vector_load %arg5[%get3A_763, %get3A_764] {strides = array<i32>} : memref<704x40xf32, #tpu.memory_space<vmem>>, vector<16xf32>,
        %mul3A_766 = arith.mulf %get3A_765, %gather3A_760 : vector<16xf32>
        %add3A_767 = arith.constant 7 : i32
        %add3A_768 = arith.addi %mul3A_512, %add3A_767 : i32
        %swap3A_769 = arith.index_cast %add3A_768 : i32 to index
        %swap3A_770 = arith.constant 0 : index
        %swap3A_771 = tpu.vector_load %arg6[%swap3A_769, %swap3A_770] {strides = array<i32>} : memref<704x40xf32, #tpu.memory_space<vmem>>, vector<16xf32>,
        tpu.vector_store %arg6[%swap3A_769, %swap3A_770], %mul3A_766 {strides = array<i32>} : memref<704x40xf32, #tpu.memory_space<vmem>>, vector<16xf32>,
        %add3A_772 = arith.constant 7 : i32
        %add3A_773 = arith.addi %mul3A_512, %add3A_772 : i32
        %get3A_774 = arith.index_cast %add3A_773 : i32 to index
        %get3A_775 = arith.constant 16 : index
        %get3A_776 = tpu.vector_load %arg5[%get3A_774, %get3A_775] {strides = array<i32>} : memref<704x40xf32, #tpu.memory_space<vmem>>, vector<16xf32>,
        %mul3A_777 = arith.mulf %get3A_776, %gather3A_760 : vector<16xf32>
        %add3A_778 = arith.constant 7 : i32
        %add3A_779 = arith.addi %mul3A_512, %add3A_778 : i32
        %swap3A_780 = arith.index_cast %add3A_779 : i32 to index
        %swap3A_781 = arith.constant 16 : index
        %swap3A_782 = tpu.vector_load %arg6[%swap3A_780, %swap3A_781] {strides = array<i32>} : memref<704x40xf32, #tpu.memory_space<vmem>>, vector<16xf32>,
        tpu.vector_store %arg6[%swap3A_780, %swap3A_781], %mul3A_777 {strides = array<i32>} : memref<704x40xf32, #tpu.memory_space<vmem>>, vector<16xf32>,
        %add3A_783 = arith.constant 7 : i32
        %add3A_784 = arith.addi %mul3A_512, %add3A_783 : i32
        %get3A_785 = arith.index_cast %add3A_784 : i32 to index
        %get3A_786 = arith.constant 24 : index
        %get3A_787 = tpu.vector_load %arg5[%get3A_785, %get3A_786] {strides = array<i32>} : memref<704x40xf32, #tpu.memory_space<vmem>>, vector<16xf32>,
        %mul3A_788 = arith.mulf %get3A_787, %gather3A_760 : vector<16xf32>
        %add3A_789 = arith.constant 7 : i32
        %add3A_790 = arith.addi %mul3A_512, %add3A_789 : i32
        %swap3A_791 = arith.index_cast %add3A_790 : i32 to index
        %swap3A_792 = arith.constant 24 : index
        %swap3A_793 = tpu.vector_load %arg6[%swap3A_791, %swap3A_792] {strides = array<i32>} : memref<704x40xf32, #tpu.memory_space<vmem>>, vector<16xf32>,
        tpu.vector_store %arg6[%swap3A_791, %swap3A_792], %mul3A_788 {strides = array<i32>} : memref<704x40xf32, #tpu.memory_space<vmem>>, vector<16xf32>,
        %gather3A_794 = vector.shape_cast %broadcast_in_dim3A_26 : vector<16x1xi32> to vector<16xi32>
        %gather3A_795 = tpu.dynamic_gather %bitcast3A[%gather3A_794] in [0] : vector<16xf32>, vector<16xi32> -> vector<16xf32>
        %add3A_796 = arith.constant 8 : i32
        %add3A_797 = arith.addi %mul3A_512, %add3A_796 : i32
        %get3A_798 = arith.index_cast %add3A_797 : i32 to index
        %get3A_799 = arith.constant 0 : index
        %get3A_800 = tpu.vector_load %arg5[%get3A_798, %get3A_799] {strides = array<i32>} : memref<704x40xf32, #tpu.memory_space<vmem>>, vector<16xf32>,
        %mul3A_801 = arith.mulf %get3A_800, %gather3A_795 : vector<16xf32>
        %add3A_802 = arith.constant 8 : i32
        %add3A_803 = arith.addi %mul3A_512, %add3A_802 : i32
        %swap3A_804 = arith.index_cast %add3A_803 : i32 to index
        %swap3A_805 = arith.constant 0 : index
        %swap3A_806 = tpu.vector_load %arg6[%swap3A_804, %swap3A_805] {strides = array<i32>} : memref<704x40xf32, #tpu.memory_space<vmem>>, vector<16xf32>,
        tpu.vector_store %arg6[%swap3A_804, %swap3A_805], %mul3A_801 {strides = array<i32>} : memref<704x40xf32, #tpu.memory_space<vmem>>, vector<16xf32>,
        %add3A_807 = arith.constant 8 : i32
        %add3A_808 = arith.addi %mul3A_512, %add3A_807 : i32
        %get3A_809 = arith.index_cast %add3A_808 : i32 to index
        %get3A_810 = arith.constant 16 : index
        %get3A_811 = tpu.vector_load %arg5[%get3A_809, %get3A_810] {strides = array<i32>} : memref<704x40xf32, #tpu.memory_space<vmem>>, vector<16xf32>,
        %mul3A_812 = arith.mulf %get3A_811, %gather3A_795 : vector<16xf32>
        %add3A_813 = arith.constant 8 : i32
        %add3A_814 = arith.addi %mul3A_512, %add3A_813 : i32
        %swap3A_815 = arith.index_cast %add3A_814 : i32 to index
        %swap3A_816 = arith.constant 16 : index
        %swap3A_817 = tpu.vector_load %arg6[%swap3A_815, %swap3A_816] {strides = array<i32>} : memref<704x40xf32, #tpu.memory_space<vmem>>, vector<16xf32>,
        tpu.vector_store %arg6[%swap3A_815, %swap3A_816], %mul3A_812 {strides = array<i32>} : memref<704x40xf32, #tpu.memory_space<vmem>>, vector<16xf32>,
        %add3A_818 = arith.constant 8 : i32
        %add3A_819 = arith.addi %mul3A_512, %add3A_818 : i32
        %get3A_820 = arith.index_cast %add3A_819 : i32 to index
        %get3A_821 = arith.constant 24 : index
        %get3A_822 = tpu.vector_load %arg5[%get3A_820, %get3A_821] {strides = array<i32>} : memref<704x40xf32, #tpu.memory_space<vmem>>, vector<16xf32>,
        %mul3A_823 = arith.mulf %get3A_822, %gather3A_795 : vector<16xf32>
        %add3A_824 = arith.constant 8 : i32
        %add3A_825 = arith.addi %mul3A_512, %add3A_824 : i32
        %swap3A_826 = arith.index_cast %add3A_825 : i32 to index
        %swap3A_827 = arith.constant 24 : index
        %swap3A_828 = tpu.vector_load %arg6[%swap3A_826, %swap3A_827] {strides = array<i32>} : memref<704x40xf32, #tpu.memory_space<vmem>>, vector<16xf32>,
        tpu.vector_store %arg6[%swap3A_826, %swap3A_827], %mul3A_823 {strides = array<i32>} : memref<704x40xf32, #tpu.memory_space<vmem>>, vector<16xf32>,
        %gather3A_829 = vector.shape_cast %broadcast_in_dim3A_28 : vector<16x1xi32> to vector<16xi32>
        %gather3A_830 = tpu.dynamic_gather %bitcast3A[%gather3A_829] in [0] : vector<16xf32>, vector<16xi32> -> vector<16xf32>
        %add3A_831 = arith.constant 9 : i32
        %add3A_832 = arith.addi %mul3A_512, %add3A_831 : i32
        %get3A_833 = arith.index_cast %add3A_832 : i32 to index
        %get3A_834 = arith.constant 0 : index
        %get3A_835 = tpu.vector_load %arg5[%get3A_833, %get3A_834] {strides = array<i32>} : memref<704x40xf32, #tpu.memory_space<vmem>>, vector<16xf32>,
        %mul3A_836 = arith.mulf %get3A_835, %gather3A_830 : vector<16xf32>
        %add3A_837 = arith.constant 9 : i32
        %add3A_838 = arith.addi %mul3A_512, %add3A_837 : i32
        %swap3A_839 = arith.index_cast %add3A_838 : i32 to index
        %swap3A_840 = arith.constant 0 : index
        %swap3A_841 = tpu.vector_load %arg6[%swap3A_839, %swap3A_840] {strides = array<i32>} : memref<704x40xf32, #tpu.memory_space<vmem>>, vector<16xf32>,
        tpu.vector_store %arg6[%swap3A_839, %swap3A_840], %mul3A_836 {strides = array<i32>} : memref<704x40xf32, #tpu.memory_space<vmem>>, vector<16xf32>,
        %add3A_842 = arith.constant 9 : i32
        %add3A_843 = arith.addi %mul3A_512, %add3A_842 : i32
        %get3A_844 = arith.index_cast %add3A_843 : i32 to index
        %get3A_845 = arith.constant 16 : index
        %get3A_846 = tpu.vector_load %arg5[%get3A_844, %get3A_845] {strides = array<i32>} : memref<704x40xf32, #tpu.memory_space<vmem>>, vector<16xf32>,
        %mul3A_847 = arith.mulf %get3A_846, %gather3A_830 : vector<16xf32>
        %add3A_848 = arith.constant 9 : i32
        %add3A_849 = arith.addi %mul3A_512, %add3A_848 : i32
        %swap3A_850 = arith.index_cast %add3A_849 : i32 to index
        %swap3A_851 = arith.constant 16 : index
        %swap3A_852 = tpu.vector_load %arg6[%swap3A_850, %swap3A_851] {strides = array<i32>} : memref<704x40xf32, #tpu.memory_space<vmem>>, vector<16xf32>,
        tpu.vector_store %arg6[%swap3A_850, %swap3A_851], %mul3A_847 {strides = array<i32>} : memref<704x40xf32, #tpu.memory_space<vmem>>, vector<16xf32>,
        %add3A_853 = arith.constant 9 : i32
        %add3A_854 = arith.addi %mul3A_512, %add3A_853 : i32
        %get3A_855 = arith.index_cast %add3A_854 : i32 to index
        %get3A_856 = arith.constant 24 : index
        %get3A_857 = tpu.vector_load %arg5[%get3A_855, %get3A_856] {strides = array<i32>} : memref<704x40xf32, #tpu.memory_space<vmem>>, vector<16xf32>,
        %mul3A_858 = arith.mulf %get3A_857, %gather3A_830 : vector<16xf32>
        %add3A_859 = arith.constant 9 : i32
        %add3A_860 = arith.addi %mul3A_512, %add3A_859 : i32
        %swap3A_861 = arith.index_cast %add3A_860 : i32 to index
        %swap3A_862 = arith.constant 24 : index
        %swap3A_863 = tpu.vector_load %arg6[%swap3A_861, %swap3A_862] {strides = array<i32>} : memref<704x40xf32, #tpu.memory_space<vmem>>, vector<16xf32>,
        tpu.vector_store %arg6[%swap3A_861, %swap3A_862], %mul3A_858 {strides = array<i32>} : memref<704x40xf32, #tpu.memory_space<vmem>>, vector<16xf32>,
        %gather3A_864 = vector.shape_cast %broadcast_in_dim3A_30 : vector<16x1xi32> to vector<16xi32>
        %gather3A_865 = tpu.dynamic_gather %bitcast3A[%gather3A_864] in [0] : vector<16xf32>, vector<16xi32> -> vector<16xf32>
        %add3A_866 = arith.constant 10 : i32
        %add3A_867 = arith.addi %mul3A_512, %add3A_866 : i32
        %get3A_868 = arith.index_cast %add3A_867 : i32 to index
        %get3A_869 = arith.constant 0 : index
        %get3A_870 = tpu.vector_load %arg5[%get3A_868, %get3A_869] {strides = array<i32>} : memref<704x40xf32, #tpu.memory_space<vmem>>, vector<16xf32>,
        %mul3A_871 = arith.mulf %get3A_870, %gather3A_865 : vector<16xf32>
        %add3A_872 = arith.constant 10 : i32
        %add3A_873 = arith.addi %mul3A_512, %add3A_872 : i32
        %swap3A_874 = arith.index_cast %add3A_873 : i32 to index
        %swap3A_875 = arith.constant 0 : index
        %swap3A_876 = tpu.vector_load %arg6[%swap3A_874, %swap3A_875] {strides = array<i32>} : memref<704x40xf32, #tpu.memory_space<vmem>>, vector<16xf32>,
        tpu.vector_store %arg6[%swap3A_874, %swap3A_875], %mul3A_871 {strides = array<i32>} : memref<704x40xf32, #tpu.memory_space<vmem>>, vector<16xf32>,
        %add3A_877 = arith.constant 10 : i32
        %add3A_878 = arith.addi %mul3A_512, %add3A_877 : i32
        %get3A_879 = arith.index_cast %add3A_878 : i32 to index
        %get3A_880 = arith.constant 16 : index
        %get3A_881 = tpu.vector_load %arg5[%get3A_879, %get3A_880] {strides = array<i32>} : memref<704x40xf32, #tpu.memory_space<vmem>>, vector<16xf32>,
        %mul3A_882 = arith.mulf %get3A_881, %gather3A_865 : vector<16xf32>
        %add3A_883 = arith.constant 10 : i32
        %add3A_884 = arith.addi %mul3A_512, %add3A_883 : i32
        %swap3A_885 = arith.index_cast %add3A_884 : i32 to index
        %swap3A_886 = arith.constant 16 : index
        %swap3A_887 = tpu.vector_load %arg6[%swap3A_885, %swap3A_886] {strides = array<i32>} : memref<704x40xf32, #tpu.memory_space<vmem>>, vector<16xf32>,
        tpu.vector_store %arg6[%swap3A_885, %swap3A_886], %mul3A_882 {strides = array<i32>} : memref<704x40xf32, #tpu.memory_space<vmem>>, vector<16xf32>,
        %add3A_888 = arith.constant 10 : i32
        %add3A_889 = arith.addi %mul3A_512, %add3A_888 : i32
        %get3A_890 = arith.index_cast %add3A_889 : i32 to index
        %get3A_891 = arith.constant 24 : index
        %get3A_892 = tpu.vector_load %arg5[%get3A_890, %get3A_891] {strides = array<i32>} : memref<704x40xf32, #tpu.memory_space<vmem>>, vector<16xf32>,
        %mul3A_893 = arith.mulf %get3A_892, %gather3A_865 : vector<16xf32>
        %add3A_894 = arith.constant 10 : i32
        %add3A_895 = arith.addi %mul3A_512, %add3A_894 : i32
        %swap3A_896 = arith.index_cast %add3A_895 : i32 to index
        %swap3A_897 = arith.constant 24 : index
        %swap3A_898 = tpu.vector_load %arg6[%swap3A_896, %swap3A_897] {strides = array<i32>} : memref<704x40xf32, #tpu.memory_space<vmem>>, vector<16xf32>,
        tpu.vector_store %arg6[%swap3A_896, %swap3A_897], %mul3A_893 {strides = array<i32>} : memref<704x40xf32, #tpu.memory_space<vmem>>, vector<16xf32>,
        %gather3A_899 = vector.shape_cast %broadcast_in_dim3A_32 : vector<16x1xi32> to vector<16xi32>
        %gather3A_900 = tpu.dynamic_gather %bitcast3A[%gather3A_899] in [0] : vector<16xf32>, vector<16xi32> -> vector<16xf32>
        %add3A_901 = arith.constant 11 : i32
        %add3A_902 = arith.addi %mul3A_512, %add3A_901 : i32
        %get3A_903 = arith.index_cast %add3A_902 : i32 to index
        %get3A_904 = arith.constant 0 : index
        %get3A_905 = tpu.vector_load %arg5[%get3A_903, %get3A_904] {strides = array<i32>} : memref<704x40xf32, #tpu.memory_space<vmem>>, vector<16xf32>,
        %mul3A_906 = arith.mulf %get3A_905, %gather3A_900 : vector<16xf32>
        %add3A_907 = arith.constant 11 : i32
        %add3A_908 = arith.addi %mul3A_512, %add3A_907 : i32
        %swap3A_909 = arith.index_cast %add3A_908 : i32 to index
        %swap3A_910 = arith.constant 0 : index
        %swap3A_911 = tpu.vector_load %arg6[%swap3A_909, %swap3A_910] {strides = array<i32>} : memref<704x40xf32, #tpu.memory_space<vmem>>, vector<16xf32>,
        tpu.vector_store %arg6[%swap3A_909, %swap3A_910], %mul3A_906 {strides = array<i32>} : memref<704x40xf32, #tpu.memory_space<vmem>>, vector<16xf32>,
        %add3A_912 = arith.constant 11 : i32
        %add3A_913 = arith.addi %mul3A_512, %add3A_912 : i32
        %get3A_914 = arith.index_cast %add3A_913 : i32 to index
        %get3A_915 = arith.constant 16 : index
        %get3A_916 = tpu.vector_load %arg5[%get3A_914, %get3A_915] {strides = array<i32>} : memref<704x40xf32, #tpu.memory_space<vmem>>, vector<16xf32>,
        %mul3A_917 = arith.mulf %get3A_916, %gather3A_900 : vector<16xf32>
        %add3A_918 = arith.constant 11 : i32
        %add3A_919 = arith.addi %mul3A_512, %add3A_918 : i32
        %swap3A_920 = arith.index_cast %add3A_919 : i32 to index
        %swap3A_921 = arith.constant 16 : index
        %swap3A_922 = tpu.vector_load %arg6[%swap3A_920, %swap3A_921] {strides = array<i32>} : memref<704x40xf32, #tpu.memory_space<vmem>>, vector<16xf32>,
        tpu.vector_store %arg6[%swap3A_920, %swap3A_921], %mul3A_917 {strides = array<i32>} : memref<704x40xf32, #tpu.memory_space<vmem>>, vector<16xf32>,
        %add3A_923 = arith.constant 11 : i32
        %add3A_924 = arith.addi %mul3A_512, %add3A_923 : i32
        %get3A_925 = arith.index_cast %add3A_924 : i32 to index
        %get3A_926 = arith.constant 24 : index
        %get3A_927 = tpu.vector_load %arg5[%get3A_925, %get3A_926] {strides = array<i32>} : memref<704x40xf32, #tpu.memory_space<vmem>>, vector<16xf32>,
        %mul3A_928 = arith.mulf %get3A_927, %gather3A_900 : vector<16xf32>
        %add3A_929 = arith.constant 11 : i32
        %add3A_930 = arith.addi %mul3A_512, %add3A_929 : i32
        %swap3A_931 = arith.index_cast %add3A_930 : i32 to index
        %swap3A_932 = arith.constant 24 : index
        %swap3A_933 = tpu.vector_load %arg6[%swap3A_931, %swap3A_932] {strides = array<i32>} : memref<704x40xf32, #tpu.memory_space<vmem>>, vector<16xf32>,
        tpu.vector_store %arg6[%swap3A_931, %swap3A_932], %mul3A_928 {strides = array<i32>} : memref<704x40xf32, #tpu.memory_space<vmem>>, vector<16xf32>,
        %gather3A_934 = vector.shape_cast %broadcast_in_dim3A_34 : vector<16x1xi32> to vector<16xi32>
        %gather3A_935 = tpu.dynamic_gather %bitcast3A[%gather3A_934] in [0] : vector<16xf32>, vector<16xi32> -> vector<16xf32>
        %add3A_936 = arith.constant 12 : i32
        %add3A_937 = arith.addi %mul3A_512, %add3A_936 : i32
        %get3A_938 = arith.index_cast %add3A_937 : i32 to index
        %get3A_939 = arith.constant 0 : index
        %get3A_940 = tpu.vector_load %arg5[%get3A_938, %get3A_939] {strides = array<i32>} : memref<704x40xf32, #tpu.memory_space<vmem>>, vector<16xf32>,
        %mul3A_941 = arith.mulf %get3A_940, %gather3A_935 : vector<16xf32>
        %add3A_942 = arith.constant 12 : i32
        %add3A_943 = arith.addi %mul3A_512, %add3A_942 : i32
        %swap3A_944 = arith.index_cast %add3A_943 : i32 to index
        %swap3A_945 = arith.constant 0 : index
        %swap3A_946 = tpu.vector_load %arg6[%swap3A_944, %swap3A_945] {strides = array<i32>} : memref<704x40xf32, #tpu.memory_space<vmem>>, vector<16xf32>,
        tpu.vector_store %arg6[%swap3A_944, %swap3A_945], %mul3A_941 {strides = array<i32>} : memref<704x40xf32, #tpu.memory_space<vmem>>, vector<16xf32>,
        %add3A_947 = arith.constant 12 : i32
        %add3A_948 = arith.addi %mul3A_512, %add3A_947 : i32
        %get3A_949 = arith.index_cast %add3A_948 : i32 to index
        %get3A_950 = arith.constant 16 : index
        %get3A_951 = tpu.vector_load %arg5[%get3A_949, %get3A_950] {strides = array<i32>} : memref<704x40xf32, #tpu.memory_space<vmem>>, vector<16xf32>,
        %mul3A_952 = arith.mulf %get3A_951, %gather3A_935 : vector<16xf32>
        %add3A_953 = arith.constant 12 : i32
        %add3A_954 = arith.addi %mul3A_512, %add3A_953 : i32
        %swap3A_955 = arith.index_cast %add3A_954 : i32 to index
        %swap3A_956 = arith.constant 16 : index
        %swap3A_957 = tpu.vector_load %arg6[%swap3A_955, %swap3A_956] {strides = array<i32>} : memref<704x40xf32, #tpu.memory_space<vmem>>, vector<16xf32>,
        tpu.vector_store %arg6[%swap3A_955, %swap3A_956], %mul3A_952 {strides = array<i32>} : memref<704x40xf32, #tpu.memory_space<vmem>>, vector<16xf32>,
        %add3A_958 = arith.constant 12 : i32
        %add3A_959 = arith.addi %mul3A_512, %add3A_958 : i32
        %get3A_960 = arith.index_cast %add3A_959 : i32 to index
        %get3A_961 = arith.constant 24 : index
        %get3A_962 = tpu.vector_load %arg5[%get3A_960, %get3A_961] {strides = array<i32>} : memref<704x40xf32, #tpu.memory_space<vmem>>, vector<16xf32>,
        %mul3A_963 = arith.mulf %get3A_962, %gather3A_935 : vector<16xf32>
        %add3A_964 = arith.constant 12 : i32
        %add3A_965 = arith.addi %mul3A_512, %add3A_964 : i32
        %swap3A_966 = arith.index_cast %add3A_965 : i32 to index
        %swap3A_967 = arith.constant 24 : index
        %swap3A_968 = tpu.vector_load %arg6[%swap3A_966, %swap3A_967] {strides = array<i32>} : memref<704x40xf32, #tpu.memory_space<vmem>>, vector<16xf32>,
        tpu.vector_store %arg6[%swap3A_966, %swap3A_967], %mul3A_963 {strides = array<i32>} : memref<704x40xf32, #tpu.memory_space<vmem>>, vector<16xf32>,
        %gather3A_969 = vector.shape_cast %broadcast_in_dim3A_36 : vector<16x1xi32> to vector<16xi32>
        %gather3A_970 = tpu.dynamic_gather %bitcast3A[%gather3A_969] in [0] : vector<16xf32>, vector<16xi32> -> vector<16xf32>
        %add3A_971 = arith.constant 13 : i32
        %add3A_972 = arith.addi %mul3A_512, %add3A_971 : i32
        %get3A_973 = arith.index_cast %add3A_972 : i32 to index
        %get3A_974 = arith.constant 0 : index
        %get3A_975 = tpu.vector_load %arg5[%get3A_973, %get3A_974] {strides = array<i32>} : memref<704x40xf32, #tpu.memory_space<vmem>>, vector<16xf32>,
        %mul3A_976 = arith.mulf %get3A_975, %gather3A_970 : vector<16xf32>
        %add3A_977 = arith.constant 13 : i32
        %add3A_978 = arith.addi %mul3A_512, %add3A_977 : i32
        %swap3A_979 = arith.index_cast %add3A_978 : i32 to index
        %swap3A_980 = arith.constant 0 : index
        %swap3A_981 = tpu.vector_load %arg6[%swap3A_979, %swap3A_980] {strides = array<i32>} : memref<704x40xf32, #tpu.memory_space<vmem>>, vector<16xf32>,
        tpu.vector_store %arg6[%swap3A_979, %swap3A_980], %mul3A_976 {strides = array<i32>} : memref<704x40xf32, #tpu.memory_space<vmem>>, vector<16xf32>,
        %add3A_982 = arith.constant 13 : i32
        %add3A_983 = arith.addi %mul3A_512, %add3A_982 : i32
        %get3A_984 = arith.index_cast %add3A_983 : i32 to index
        %get3A_985 = arith.constant 16 : index
        %get3A_986 = tpu.vector_load %arg5[%get3A_984, %get3A_985] {strides = array<i32>} : memref<704x40xf32, #tpu.memory_space<vmem>>, vector<16xf32>,
        %mul3A_987 = arith.mulf %get3A_986, %gather3A_970 : vector<16xf32>
        %add3A_988 = arith.constant 13 : i32
        %add3A_989 = arith.addi %mul3A_512, %add3A_988 : i32
        %swap3A_990 = arith.index_cast %add3A_989 : i32 to index
        %swap3A_991 = arith.constant 16 : index
        %swap3A_992 = tpu.vector_load %arg6[%swap3A_990, %swap3A_991] {strides = array<i32>} : memref<704x40xf32, #tpu.memory_space<vmem>>, vector<16xf32>,
        tpu.vector_store %arg6[%swap3A_990, %swap3A_991], %mul3A_987 {strides = array<i32>} : memref<704x40xf32, #tpu.memory_space<vmem>>, vector<16xf32>,
        %add3A_993 = arith.constant 13 : i32
        %add3A_994 = arith.addi %mul3A_512, %add3A_993 : i32
        %get3A_995 = arith.index_cast %add3A_994 : i32 to index
        %get3A_996 = arith.constant 24 : index
        %get3A_997 = tpu.vector_load %arg5[%get3A_995, %get3A_996] {strides = array<i32>} : memref<704x40xf32, #tpu.memory_space<vmem>>, vector<16xf32>,
        %mul3A_998 = arith.mulf %get3A_997, %gather3A_970 : vector<16xf32>
        %add3A_999 = arith.constant 13 : i32
        %add3A_1000 = arith.addi %mul3A_512, %add3A_999 : i32
        %swap3A_1001 = arith.index_cast %add3A_1000 : i32 to index
        %swap3A_1002 = arith.constant 24 : index
        %swap3A_1003 = tpu.vector_load %arg6[%swap3A_1001, %swap3A_1002] {strides = array<i32>} : memref<704x40xf32, #tpu.memory_space<vmem>>, vector<16xf32>,
        tpu.vector_store %arg6[%swap3A_1001, %swap3A_1002], %mul3A_998 {strides = array<i32>} : memref<704x40xf32, #tpu.memory_space<vmem>>, vector<16xf32>,
        %gather3A_1004 = vector.shape_cast %broadcast_in_dim3A_38 : vector<16x1xi32> to vector<16xi32>
        %gather3A_1005 = tpu.dynamic_gather %bitcast3A[%gather3A_1004] in [0] : vector<16xf32>, vector<16xi32> -> vector<16xf32>
        %add3A_1006 = arith.constant 14 : i32
        %add3A_1007 = arith.addi %mul3A_512, %add3A_1006 : i32
        %get3A_1008 = arith.index_cast %add3A_1007 : i32 to index
        %get3A_1009 = arith.constant 0 : index
        %get3A_1010 = tpu.vector_load %arg5[%get3A_1008, %get3A_1009] {strides = array<i32>} : memref<704x40xf32, #tpu.memory_space<vmem>>, vector<16xf32>,
        %mul3A_1011 = arith.mulf %get3A_1010, %gather3A_1005 : vector<16xf32>
        %add3A_1012 = arith.constant 14 : i32
        %add3A_1013 = arith.addi %mul3A_512, %add3A_1012 : i32
        %swap3A_1014 = arith.index_cast %add3A_1013 : i32 to index
        %swap3A_1015 = arith.constant 0 : index
        %swap3A_1016 = tpu.vector_load %arg6[%swap3A_1014, %swap3A_1015] {strides = array<i32>} : memref<704x40xf32, #tpu.memory_space<vmem>>, vector<16xf32>,
        tpu.vector_store %arg6[%swap3A_1014, %swap3A_1015], %mul3A_1011 {strides = array<i32>} : memref<704x40xf32, #tpu.memory_space<vmem>>, vector<16xf32>,
        %add3A_1017 = arith.constant 14 : i32
        %add3A_1018 = arith.addi %mul3A_512, %add3A_1017 : i32
        %get3A_1019 = arith.index_cast %add3A_1018 : i32 to index
        %get3A_1020 = arith.constant 16 : index
        %get3A_1021 = tpu.vector_load %arg5[%get3A_1019, %get3A_1020] {strides = array<i32>} : memref<704x40xf32, #tpu.memory_space<vmem>>, vector<16xf32>,
        %mul3A_1022 = arith.mulf %get3A_1021, %gather3A_1005 : vector<16xf32>
        %add3A_1023 = arith.constant 14 : i32
        %add3A_1024 = arith.addi %mul3A_512, %add3A_1023 : i32
        %swap3A_1025 = arith.index_cast %add3A_1024 : i32 to index
        %swap3A_1026 = arith.constant 16 : index
        %swap3A_1027 = tpu.vector_load %arg6[%swap3A_1025, %swap3A_1026] {strides = array<i32>} : memref<704x40xf32, #tpu.memory_space<vmem>>, vector<16xf32>,
        tpu.vector_store %arg6[%swap3A_1025, %swap3A_1026], %mul3A_1022 {strides = array<i32>} : memref<704x40xf32, #tpu.memory_space<vmem>>, vector<16xf32>,
        %add3A_1028 = arith.constant 14 : i32
        %add3A_1029 = arith.addi %mul3A_512, %add3A_1028 : i32
        %get3A_1030 = arith.index_cast %add3A_1029 : i32 to index
        %get3A_1031 = arith.constant 24 : index
        %get3A_1032 = tpu.vector_load %arg5[%get3A_1030, %get3A_1031] {strides = array<i32>} : memref<704x40xf32, #tpu.memory_space<vmem>>, vector<16xf32>,
        %mul3A_1033 = arith.mulf %get3A_1032, %gather3A_1005 : vector<16xf32>
        %add3A_1034 = arith.constant 14 : i32
        %add3A_1035 = arith.addi %mul3A_512, %add3A_1034 : i32
        %swap3A_1036 = arith.index_cast %add3A_1035 : i32 to index
        %swap3A_1037 = arith.constant 24 : index
        %swap3A_1038 = tpu.vector_load %arg6[%swap3A_1036, %swap3A_1037] {strides = array<i32>} : memref<704x40xf32, #tpu.memory_space<vmem>>, vector<16xf32>,
        tpu.vector_store %arg6[%swap3A_1036, %swap3A_1037], %mul3A_1033 {strides = array<i32>} : memref<704x40xf32, #tpu.memory_space<vmem>>, vector<16xf32>,
        %gather3A_1039 = vector.shape_cast %broadcast_in_dim3A_40 : vector<16x1xi32> to vector<16xi32>
        %gather3A_1040 = tpu.dynamic_gather %bitcast3A[%gather3A_1039] in [0] : vector<16xf32>, vector<16xi32> -> vector<16xf32>
        %add3A_1041 = arith.constant 15 : i32
        %add3A_1042 = arith.addi %mul3A_512, %add3A_1041 : i32
        %get3A_1043 = arith.index_cast %add3A_1042 : i32 to index
        %get3A_1044 = arith.constant 0 : index
        %get3A_1045 = tpu.vector_load %arg5[%get3A_1043, %get3A_1044] {strides = array<i32>} : memref<704x40xf32, #tpu.memory_space<vmem>>, vector<16xf32>,
        %mul3A_1046 = arith.mulf %get3A_1045, %gather3A_1040 : vector<16xf32>
        %add3A_1047 = arith.constant 15 : i32
        %add3A_1048 = arith.addi %mul3A_512, %add3A_1047 : i32
        %swap3A_1049 = arith.index_cast %add3A_1048 : i32 to index
        %swap3A_1050 = arith.constant 0 : index
        %swap3A_1051 = tpu.vector_load %arg6[%swap3A_1049, %swap3A_1050] {strides = array<i32>} : memref<704x40xf32, #tpu.memory_space<vmem>>, vector<16xf32>,
        tpu.vector_store %arg6[%swap3A_1049, %swap3A_1050], %mul3A_1046 {strides = array<i32>} : memref<704x40xf32, #tpu.memory_space<vmem>>, vector<16xf32>,
        %add3A_1052 = arith.constant 15 : i32
        %add3A_1053 = arith.addi %mul3A_512, %add3A_1052 : i32
        %get3A_1054 = arith.index_cast %add3A_1053 : i32 to index
        %get3A_1055 = arith.constant 16 : index
        %get3A_1056 = tpu.vector_load %arg5[%get3A_1054, %get3A_1055] {strides = array<i32>} : memref<704x40xf32, #tpu.memory_space<vmem>>, vector<16xf32>,
        %mul3A_1057 = arith.mulf %get3A_1056, %gather3A_1040 : vector<16xf32>
        %add3A_1058 = arith.constant 15 : i32
        %add3A_1059 = arith.addi %mul3A_512, %add3A_1058 : i32
        %swap3A_1060 = arith.index_cast %add3A_1059 : i32 to index
        %swap3A_1061 = arith.constant 16 : index
        %swap3A_1062 = tpu.vector_load %arg6[%swap3A_1060, %swap3A_1061] {strides = array<i32>} : memref<704x40xf32, #tpu.memory_space<vmem>>, vector<16xf32>,
        tpu.vector_store %arg6[%swap3A_1060, %swap3A_1061], %mul3A_1057 {strides = array<i32>} : memref<704x40xf32, #tpu.memory_space<vmem>>, vector<16xf32>,
        %add3A_1063 = arith.constant 15 : i32
        %add3A_1064 = arith.addi %mul3A_512, %add3A_1063 : i32
        %get3A_1065 = arith.index_cast %add3A_1064 : i32 to index
        %get3A_1066 = arith.constant 24 : index
        %get3A_1067 = tpu.vector_load %arg5[%get3A_1065, %get3A_1066] {strides = array<i32>} : memref<704x40xf32, #tpu.memory_space<vmem>>, vector<16xf32>,
        %mul3A_1068 = arith.mulf %get3A_1067, %gather3A_1040 : vector<16xf32>
        %add3A_1069 = arith.constant 15 : i32
        %add3A_1070 = arith.addi %mul3A_512, %add3A_1069 : i32
        %swap3A_1071 = arith.index_cast %add3A_1070 : i32 to index
        %swap3A_1072 = arith.constant 24 : index
        %swap3A_1073 = tpu.vector_load %arg6[%swap3A_1071, %swap3A_1072] {strides = array<i32>} : memref<704x40xf32, #tpu.memory_space<vmem>>, vector<16xf32>,
        tpu.vector_store %arg6[%swap3A_1071, %swap3A_1072], %mul3A_1068 {strides = array<i32>} : memref<704x40xf32, #tpu.memory_space<vmem>>, vector<16xf32>,
        %scan3A_1074 = arith.constant 0 : i32
        scf.yield %scan3A_1074 : i32
      }
      %scan3A_287 = arith.constant 44 : i32
      %dma_start3A_288 = arith.constant 0 : i32
      %dma_start3A_289 = arith.constant 0 : i32
      %dma_start3A_290 = arith.constant 0 : i32
      %dma_start3A_291 = tpu.memref_slice %arg6[%dma_start3A_289, %dma_start3A_290] : memref<704x40xf32, #tpu.memory_space<vmem>> -> memref<88x40xf32, #tpu.memory_space<vmem>>
      %dma_start3A_292 = arith.constant 0 : i32
      %dma_start3A_293 = tpu.memref_slice %arg10[%dma_start3A_288, %dma_start3A_292] : memref<8x88xi32, #tpu.memory_space<vmem>> -> memref<1x88xi32, #tpu.memory_space<vmem>>
      %dma_start3A_294 = tpu.memref_squeeze %dma_start3A_293 : memref<1x88xi32, #tpu.memory_space<vmem>> -> memref<88xi32, #tpu.memory_space<vmem>>
      %dma_start3A_295 = arith.constant 0 : i32
      %dma_start3A_296 = arith.constant 0 : i32
      %dma_start3A_297 = tpu.memref_slice %arg12[%dma_start3A_295, %dma_start3A_296] : memref<16384x40xf32, #tpu.memory_space<vmem_shared>> -> memref<16384x40xf32, #tpu.memory_space<vmem_shared>>
      tpu.enqueue_indirect_dma source(%dma_start3A_291 : memref<88x40xf32, #tpu.memory_space<vmem>>) target(%dma_start3A_297 : memref<16384x40xf32, #tpu.memory_space<vmem_shared>>) offsets(%dma_start3A_294 : memref<88xi32, #tpu.memory_space<vmem>>) semaphore(%arg13 : memref<!tpu.dma_semaphore, #tpu.memory_space<semaphore_mem>>) {add = true}
      %dma_start3A_298 = arith.constant 1 : i32
      %dma_start3A_299 = arith.constant 88 : i32
      %dma_start3A_300 = arith.constant 0 : i32
      %dma_start3A_301 = tpu.memref_slice %arg6[%dma_start3A_299, %dma_start3A_300] : memref<704x40xf32, #tpu.memory_space<vmem>> -> memref<88x40xf32, #tpu.memory_space<vmem>>
      %dma_start3A_302 = arith.constant 0 : i32
      %dma_start3A_303 = tpu.memref_slice %arg10[%dma_start3A_298, %dma_start3A_302] : memref<8x88xi32, #tpu.memory_space<vmem>> -> memref<1x88xi32, #tpu.memory_space<vmem>>
      %dma_start3A_304 = tpu.memref_squeeze %dma_start3A_303 : memref<1x88xi32, #tpu.memory_space<vmem>> -> memref<88xi32, #tpu.memory_space<vmem>>
      %dma_start3A_305 = arith.constant 0 : i32
      %dma_start3A_306 = arith.constant 0 : i32
      %dma_start3A_307 = tpu.memref_slice %arg12[%dma_start3A_305, %dma_start3A_306] : memref<16384x40xf32, #tpu.memory_space<vmem_shared>> -> memref<16384x40xf32, #tpu.memory_space<vmem_shared>>
      tpu.enqueue_indirect_dma source(%dma_start3A_301 : memref<88x40xf32, #tpu.memory_space<vmem>>) target(%dma_start3A_307 : memref<16384x40xf32, #tpu.memory_space<vmem_shared>>) offsets(%dma_start3A_304 : memref<88xi32, #tpu.memory_space<vmem>>) semaphore(%arg13 : memref<!tpu.dma_semaphore, #tpu.memory_space<semaphore_mem>>) {add = true}
      %dma_start3A_308 = arith.constant 2 : i32
      %dma_start3A_309 = arith.constant 176 : i32
      %dma_start3A_310 = arith.constant 0 : i32
      %dma_start3A_311 = tpu.memref_slice %arg6[%dma_start3A_309, %dma_start3A_310] : memref<704x40xf32, #tpu.memory_space<vmem>> -> memref<88x40xf32, #tpu.memory_space<vmem>>
      %dma_start3A_312 = arith.constant 0 : i32
      %dma_start3A_313 = tpu.memref_slice %arg10[%dma_start3A_308, %dma_start3A_312] : memref<8x88xi32, #tpu.memory_space<vmem>> -> memref<1x88xi32, #tpu.memory_space<vmem>>
      %dma_start3A_314 = tpu.memref_squeeze %dma_start3A_313 : memref<1x88xi32, #tpu.memory_space<vmem>> -> memref<88xi32, #tpu.memory_space<vmem>>
      %dma_start3A_315 = arith.constant 0 : i32
      %dma_start3A_316 = arith.constant 0 : i32
      %dma_start3A_317 = tpu.memref_slice %arg12[%dma_start3A_315, %dma_start3A_316] : memref<16384x40xf32, #tpu.memory_space<vmem_shared>> -> memref<16384x40xf32, #tpu.memory_space<vmem_shared>>
      tpu.enqueue_indirect_dma source(%dma_start3A_311 : memref<88x40xf32, #tpu.memory_space<vmem>>) target(%dma_start3A_317 : memref<16384x40xf32, #tpu.memory_space<vmem_shared>>) offsets(%dma_start3A_314 : memref<88xi32, #tpu.memory_space<vmem>>) semaphore(%arg13 : memref<!tpu.dma_semaphore, #tpu.memory_space<semaphore_mem>>) {add = true}
      %dma_start3A_318 = arith.constant 3 : i32
      %dma_start3A_319 = arith.constant 264 : i32
      %dma_start3A_320 = arith.constant 0 : i32
      %dma_start3A_321 = tpu.memref_slice %arg6[%dma_start3A_319, %dma_start3A_320] : memref<704x40xf32, #tpu.memory_space<vmem>> -> memref<88x40xf32, #tpu.memory_space<vmem>>
      %dma_start3A_322 = arith.constant 0 : i32
      %dma_start3A_323 = tpu.memref_slice %arg10[%dma_start3A_318, %dma_start3A_322] : memref<8x88xi32, #tpu.memory_space<vmem>> -> memref<1x88xi32, #tpu.memory_space<vmem>>
      %dma_start3A_324 = tpu.memref_squeeze %dma_start3A_323 : memref<1x88xi32, #tpu.memory_space<vmem>> -> memref<88xi32, #tpu.memory_space<vmem>>
      %dma_start3A_325 = arith.constant 0 : i32
      %dma_start3A_326 = arith.constant 0 : i32
      %dma_start3A_327 = tpu.memref_slice %arg12[%dma_start3A_325, %dma_start3A_326] : memref<16384x40xf32, #tpu.memory_space<vmem_shared>> -> memref<16384x40xf32, #tpu.memory_space<vmem_shared>>
      tpu.enqueue_indirect_dma source(%dma_start3A_321 : memref<88x40xf32, #tpu.memory_space<vmem>>) target(%dma_start3A_327 : memref<16384x40xf32, #tpu.memory_space<vmem_shared>>) offsets(%dma_start3A_324 : memref<88xi32, #tpu.memory_space<vmem>>) semaphore(%arg13 : memref<!tpu.dma_semaphore, #tpu.memory_space<semaphore_mem>>) {add = true}
      %dma_start3A_328 = arith.constant 4 : i32
      %dma_start3A_329 = arith.constant 352 : i32
      %dma_start3A_330 = arith.constant 0 : i32
      %dma_start3A_331 = tpu.memref_slice %arg6[%dma_start3A_329, %dma_start3A_330] : memref<704x40xf32, #tpu.memory_space<vmem>> -> memref<88x40xf32, #tpu.memory_space<vmem>>
      %dma_start3A_332 = arith.constant 0 : i32
      %dma_start3A_333 = tpu.memref_slice %arg10[%dma_start3A_328, %dma_start3A_332] : memref<8x88xi32, #tpu.memory_space<vmem>> -> memref<1x88xi32, #tpu.memory_space<vmem>>
      %dma_start3A_334 = tpu.memref_squeeze %dma_start3A_333 : memref<1x88xi32, #tpu.memory_space<vmem>> -> memref<88xi32, #tpu.memory_space<vmem>>
      %dma_start3A_335 = arith.constant 0 : i32
      %dma_start3A_336 = arith.constant 0 : i32
      %dma_start3A_337 = tpu.memref_slice %arg12[%dma_start3A_335, %dma_start3A_336] : memref<16384x40xf32, #tpu.memory_space<vmem_shared>> -> memref<16384x40xf32, #tpu.memory_space<vmem_shared>>
      tpu.enqueue_indirect_dma source(%dma_start3A_331 : memref<88x40xf32, #tpu.memory_space<vmem>>) target(%dma_start3A_337 : memref<16384x40xf32, #tpu.memory_space<vmem_shared>>) offsets(%dma_start3A_334 : memref<88xi32, #tpu.memory_space<vmem>>) semaphore(%arg13 : memref<!tpu.dma_semaphore, #tpu.memory_space<semaphore_mem>>) {add = true}
      %dma_start3A_338 = arith.constant 5 : i32
      %dma_start3A_339 = arith.constant 440 : i32
      %dma_start3A_340 = arith.constant 0 : i32
      %dma_start3A_341 = tpu.memref_slice %arg6[%dma_start3A_339, %dma_start3A_340] : memref<704x40xf32, #tpu.memory_space<vmem>> -> memref<88x40xf32, #tpu.memory_space<vmem>>
      %dma_start3A_342 = arith.constant 0 : i32
      %dma_start3A_343 = tpu.memref_slice %arg10[%dma_start3A_338, %dma_start3A_342] : memref<8x88xi32, #tpu.memory_space<vmem>> -> memref<1x88xi32, #tpu.memory_space<vmem>>
      %dma_start3A_344 = tpu.memref_squeeze %dma_start3A_343 : memref<1x88xi32, #tpu.memory_space<vmem>> -> memref<88xi32, #tpu.memory_space<vmem>>
      %dma_start3A_345 = arith.constant 0 : i32
      %dma_start3A_346 = arith.constant 0 : i32
      %dma_start3A_347 = tpu.memref_slice %arg12[%dma_start3A_345, %dma_start3A_346] : memref<16384x40xf32, #tpu.memory_space<vmem_shared>> -> memref<16384x40xf32, #tpu.memory_space<vmem_shared>>
      tpu.enqueue_indirect_dma source(%dma_start3A_341 : memref<88x40xf32, #tpu.memory_space<vmem>>) target(%dma_start3A_347 : memref<16384x40xf32, #tpu.memory_space<vmem_shared>>) offsets(%dma_start3A_344 : memref<88xi32, #tpu.memory_space<vmem>>) semaphore(%arg13 : memref<!tpu.dma_semaphore, #tpu.memory_space<semaphore_mem>>) {add = true}
      %dma_start3A_348 = arith.constant 6 : i32
      %dma_start3A_349 = arith.constant 528 : i32
      %dma_start3A_350 = arith.constant 0 : i32
      %dma_start3A_351 = tpu.memref_slice %arg6[%dma_start3A_349, %dma_start3A_350] : memref<704x40xf32, #tpu.memory_space<vmem>> -> memref<88x40xf32, #tpu.memory_space<vmem>>
      %dma_start3A_352 = arith.constant 0 : i32
      %dma_start3A_353 = tpu.memref_slice %arg10[%dma_start3A_348, %dma_start3A_352] : memref<8x88xi32, #tpu.memory_space<vmem>> -> memref<1x88xi32, #tpu.memory_space<vmem>>
      %dma_start3A_354 = tpu.memref_squeeze %dma_start3A_353 : memref<1x88xi32, #tpu.memory_space<vmem>> -> memref<88xi32, #tpu.memory_space<vmem>>
      %dma_start3A_355 = arith.constant 0 : i32
      %dma_start3A_356 = arith.constant 0 : i32
      %dma_start3A_357 = tpu.memref_slice %arg12[%dma_start3A_355, %dma_start3A_356] : memref<16384x40xf32, #tpu.memory_space<vmem_shared>> -> memref<16384x40xf32, #tpu.memory_space<vmem_shared>>
      tpu.enqueue_indirect_dma source(%dma_start3A_351 : memref<88x40xf32, #tpu.memory_space<vmem>>) target(%dma_start3A_357 : memref<16384x40xf32, #tpu.memory_space<vmem_shared>>) offsets(%dma_start3A_354 : memref<88xi32, #tpu.memory_space<vmem>>) semaphore(%arg13 : memref<!tpu.dma_semaphore, #tpu.memory_space<semaphore_mem>>) {add = true}
      %dma_start3A_358 = arith.constant 7 : i32
      %dma_start3A_359 = arith.constant 616 : i32
      %dma_start3A_360 = arith.constant 0 : i32
      %dma_start3A_361 = tpu.memref_slice %arg6[%dma_start3A_359, %dma_start3A_360] : memref<704x40xf32, #tpu.memory_space<vmem>> -> memref<88x40xf32, #tpu.memory_space<vmem>>
      %dma_start3A_362 = arith.constant 0 : i32
      %dma_start3A_363 = tpu.memref_slice %arg10[%dma_start3A_358, %dma_start3A_362] : memref<8x88xi32, #tpu.memory_space<vmem>> -> memref<1x88xi32, #tpu.memory_space<vmem>>
      %dma_start3A_364 = tpu.memref_squeeze %dma_start3A_363 : memref<1x88xi32, #tpu.memory_space<vmem>> -> memref<88xi32, #tpu.memory_space<vmem>>
      %dma_start3A_365 = arith.constant 0 : i32
      %dma_start3A_366 = arith.constant 0 : i32
      %dma_start3A_367 = tpu.memref_slice %arg12[%dma_start3A_365, %dma_start3A_366] : memref<16384x40xf32, #tpu.memory_space<vmem_shared>> -> memref<16384x40xf32, #tpu.memory_space<vmem_shared>>
      tpu.enqueue_indirect_dma source(%dma_start3A_361 : memref<88x40xf32, #tpu.memory_space<vmem>>) target(%dma_start3A_367 : memref<16384x40xf32, #tpu.memory_space<vmem_shared>>) offsets(%dma_start3A_364 : memref<88xi32, #tpu.memory_space<vmem>>) semaphore(%arg13 : memref<!tpu.dma_semaphore, #tpu.memory_space<semaphore_mem>>) {add = true}
      %lt3A = arith.constant 11 : i32
      %lt3A_368 = arith.cmpi slt, %scan3A_214, %lt3A : i32
      %convert_element_type3A_369 = arith.extui %lt3A_368 : i1 to i32
      %cond3A_370 = arith.constant 0 : i32
      %cond3A_371 = arith.cmpi ne, %convert_element_type3A_369, %cond3A_370 : i32
      scf.if %cond3A_371 {
        %add3A_509 = arith.constant 2 : i32
        %add3A_510 = arith.addi %add3A_218, %add3A_509 : i32
        %mul3A_511 = arith.constant 704 : i32
        %mul3A_512 = arith.muli %add3A_510, %mul3A_511 : i32
        %add3A_513 = arith.constant 0 : i32
        %add3A_514 = arith.addi %add3A_513, %mul3A_512 : i32
        %dma_start3A_515 = arith.constant 0 : i32
        %dma_start3A_516 = arith.constant 0 : i32
        %dma_start3A_517 = tpu.memref_slice %arg8[%dma_start3A_515, %dma_start3A_516] : memref<3x704xi32, #tpu.memory_space<vmem>> -> memref<1x704xi32, #tpu.memory_space<vmem>>
        %dma_start3A_518 = tpu.memref_squeeze %dma_start3A_517 : memref<1x704xi32, #tpu.memory_space<vmem>> -> memref<704xi32, #tpu.memory_space<vmem>>
        %dma_start3A_519 = tpu.memref_slice %arg3[%add3A_514] : memref<811008xi32, #tpu.memory_space<hbm>> -> memref<704xi32, #tpu.memory_space<hbm>>
        %dma_start3A_520 = arith.constant 0 : i32
        %dma_start3A_521 = tpu.memref_slice %arg8[%dma_start3A_515, %dma_start3A_520] : memref<3x704xi32, #tpu.memory_space<vmem>> -> memref<1x704xi32, #tpu.memory_space<vmem>>
        %dma_start3A_522 = tpu.memref_squeeze %dma_start3A_521 : memref<1x704xi32, #tpu.memory_space<vmem>> -> memref<704xi32, #tpu.memory_space<vmem>>
        %dma_start3A_523 = tpu.memref_slice %arg3[%add3A_514] : memref<811008xi32, #tpu.memory_space<hbm>> -> memref<704xi32, #tpu.memory_space<hbm>>
        tpu.enqueue_dma source(%dma_start3A_523 : memref<704xi32, #tpu.memory_space<hbm>>) target(%dma_start3A_522 : memref<704xi32, #tpu.memory_space<vmem>>) target_semaphore(%arg15 : memref<!tpu.dma_semaphore, #tpu.memory_space<semaphore_mem>>)
        %mul3A_524 = arith.constant 704 : i32
        %mul3A_525 = arith.muli %add3A_510, %mul3A_524 : i32
        %add3A_526 = arith.constant 270336 : i32
        %add3A_527 = arith.addi %add3A_526, %mul3A_525 : i32
        %dma_start3A_528 = arith.constant 1 : i32
        %dma_start3A_529 = arith.constant 0 : i32
        %dma_start3A_530 = tpu.memref_slice %arg8[%dma_start3A_528, %dma_start3A_529] : memref<3x704xi32, #tpu.memory_space<vmem>> -> memref<1x704xi32, #tpu.memory_space<vmem>>
        %dma_start3A_531 = tpu.memref_squeeze %dma_start3A_530 : memref<1x704xi32, #tpu.memory_space<vmem>> -> memref<704xi32, #tpu.memory_space<vmem>>
        %dma_start3A_532 = tpu.memref_slice %arg3[%add3A_527] : memref<811008xi32, #tpu.memory_space<hbm>> -> memref<704xi32, #tpu.memory_space<hbm>>
        %dma_start3A_533 = arith.constant 0 : i32
        %dma_start3A_534 = tpu.memref_slice %arg8[%dma_start3A_528, %dma_start3A_533] : memref<3x704xi32, #tpu.memory_space<vmem>> -> memref<1x704xi32, #tpu.memory_space<vmem>>
        %dma_start3A_535 = tpu.memref_squeeze %dma_start3A_534 : memref<1x704xi32, #tpu.memory_space<vmem>> -> memref<704xi32, #tpu.memory_space<vmem>>
        %dma_start3A_536 = tpu.memref_slice %arg3[%add3A_527] : memref<811008xi32, #tpu.memory_space<hbm>> -> memref<704xi32, #tpu.memory_space<hbm>>
        tpu.enqueue_dma source(%dma_start3A_536 : memref<704xi32, #tpu.memory_space<hbm>>) target(%dma_start3A_535 : memref<704xi32, #tpu.memory_space<vmem>>) target_semaphore(%arg15 : memref<!tpu.dma_semaphore, #tpu.memory_space<semaphore_mem>>)
        %mul3A_537 = arith.constant 704 : i32
        %mul3A_538 = arith.muli %add3A_510, %mul3A_537 : i32
        %add3A_539 = arith.constant 540672 : i32
        %add3A_540 = arith.addi %add3A_539, %mul3A_538 : i32
        %dma_start3A_541 = arith.constant 2 : i32
        %dma_start3A_542 = arith.constant 0 : i32
        %dma_start3A_543 = tpu.memref_slice %arg8[%dma_start3A_541, %dma_start3A_542] : memref<3x704xi32, #tpu.memory_space<vmem>> -> memref<1x704xi32, #tpu.memory_space<vmem>>
        %dma_start3A_544 = tpu.memref_squeeze %dma_start3A_543 : memref<1x704xi32, #tpu.memory_space<vmem>> -> memref<704xi32, #tpu.memory_space<vmem>>
        %dma_start3A_545 = tpu.memref_slice %arg3[%add3A_540] : memref<811008xi32, #tpu.memory_space<hbm>> -> memref<704xi32, #tpu.memory_space<hbm>>
        %dma_start3A_546 = arith.constant 0 : i32
        %dma_start3A_547 = tpu.memref_slice %arg8[%dma_start3A_541, %dma_start3A_546] : memref<3x704xi32, #tpu.memory_space<vmem>> -> memref<1x704xi32, #tpu.memory_space<vmem>>
        %dma_start3A_548 = tpu.memref_squeeze %dma_start3A_547 : memref<1x704xi32, #tpu.memory_space<vmem>> -> memref<704xi32, #tpu.memory_space<vmem>>
        %dma_start3A_549 = tpu.memref_slice %arg3[%add3A_540] : memref<811008xi32, #tpu.memory_space<hbm>> -> memref<704xi32, #tpu.memory_space<hbm>>
        tpu.enqueue_dma source(%dma_start3A_549 : memref<704xi32, #tpu.memory_space<hbm>>) target(%dma_start3A_548 : memref<704xi32, #tpu.memory_space<vmem>>) target_semaphore(%arg15 : memref<!tpu.dma_semaphore, #tpu.memory_space<semaphore_mem>>)
      } else {
      }
      %gt3A_372 = arith.constant 0 : i32
      %gt3A_373 = arith.cmpi sgt, %scan3A_214, %gt3A_372 : i32
      %convert_element_type3A_374 = arith.extui %gt3A_373 : i1 to i32
      %cond3A_375 = arith.constant 0 : i32
      %cond3A_376 = arith.cmpi ne, %convert_element_type3A_374, %cond3A_375 : i32
      scf.if %cond3A_376 {
        %dma_wait3A_509 = arith.constant 0 : i32
        %dma_wait3A_510 = arith.constant 0 : i32
        %dma_wait3A_511 = tpu.memref_slice %arg2[%arg0, %dma_wait3A_509, %dma_wait3A_510] : memref<2x4224x40xf32, #tpu.memory_space<hbm>> -> memref<1x704x40xf32, #tpu.memory_space<hbm>>
        %dma_wait3A_512 = tpu.memref_squeeze %dma_wait3A_511 : memref<1x704x40xf32, #tpu.memory_space<hbm>> -> memref<704x40xf32, #tpu.memory_space<hbm>>
        %dma_wait3A_513 = arith.constant 0 : i32
        %dma_wait3A_514 = arith.constant 0 : i32
        %dma_wait3A_515 = tpu.memref_slice %arg2[%arg0, %dma_wait3A_513, %dma_wait3A_514] : memref<2x4224x40xf32, #tpu.memory_space<hbm>> -> memref<1x704x40xf32, #tpu.memory_space<hbm>>
        %dma_wait3A_516 = tpu.memref_squeeze %dma_wait3A_515 : memref<1x704x40xf32, #tpu.memory_space<hbm>> -> memref<704x40xf32, #tpu.memory_space<hbm>>
        tpu.wait_dma2 semaphore(%arg14 : memref<!tpu.dma_semaphore, #tpu.memory_space<semaphore_mem>>) src(%dma_wait3A_516 : memref<704x40xf32, #tpu.memory_space<hbm>>) dst(%arg7 : memref<704x40xf32, #tpu.memory_space<vmem>>)
      } else {
      }
      %dma_wait3A_377 = arith.constant 0 : i32
      %dma_wait3A_378 = arith.constant 0 : i32
      %dma_wait3A_379 = tpu.memref_slice %arg9[%dma_wait3A_377, %dma_wait3A_378] : memref<3x704xi32, #tpu.memory_space<vmem>> -> memref<1x704xi32, #tpu.memory_space<vmem>>
      %dma_wait3A_380 = tpu.memref_squeeze %dma_wait3A_379 : memref<1x704xi32, #tpu.memory_space<vmem>> -> memref<704xi32, #tpu.memory_space<vmem>>
      %dma_wait3A_381 = arith.constant 0 : i32
      %dma_wait3A_382 = tpu.memref_slice %arg3[%dma_wait3A_381] : memref<811008xi32, #tpu.memory_space<hbm>> -> memref<704xi32, #tpu.memory_space<hbm>>
      %dma_wait3A_383 = arith.constant 0 : i32
      %dma_wait3A_384 = tpu.memref_slice %arg9[%dma_wait3A_377, %dma_wait3A_383] : memref<3x704xi32, #tpu.memory_space<vmem>> -> memref<1x704xi32, #tpu.memory_space<vmem>>
      %dma_wait3A_385 = tpu.memref_squeeze %dma_wait3A_384 : memref<1x704xi32, #tpu.memory_space<vmem>> -> memref<704xi32, #tpu.memory_space<vmem>>
      %dma_wait3A_386 = arith.constant 0 : i32
      %dma_wait3A_387 = tpu.memref_slice %arg3[%dma_wait3A_386] : memref<811008xi32, #tpu.memory_space<hbm>> -> memref<704xi32, #tpu.memory_space<hbm>>
      tpu.wait_dma2 semaphore(%arg16 : memref<!tpu.dma_semaphore, #tpu.memory_space<semaphore_mem>>) src(%dma_wait3A_387 : memref<704xi32, #tpu.memory_space<hbm>>) dst(%dma_wait3A_385 : memref<704xi32, #tpu.memory_space<vmem>>)
      %dma_wait3A_388 = arith.constant 1 : i32
      %dma_wait3A_389 = arith.constant 0 : i32
      %dma_wait3A_390 = tpu.memref_slice %arg9[%dma_wait3A_388, %dma_wait3A_389] : memref<3x704xi32, #tpu.memory_space<vmem>> -> memref<1x704xi32, #tpu.memory_space<vmem>>
      %dma_wait3A_391 = tpu.memref_squeeze %dma_wait3A_390 : memref<1x704xi32, #tpu.memory_space<vmem>> -> memref<704xi32, #tpu.memory_space<vmem>>
      %dma_wait3A_392 = arith.constant 0 : i32
      %dma_wait3A_393 = tpu.memref_slice %arg3[%dma_wait3A_392] : memref<811008xi32, #tpu.memory_space<hbm>> -> memref<704xi32, #tpu.memory_space<hbm>>
      %dma_wait3A_394 = arith.constant 0 : i32
      %dma_wait3A_395 = tpu.memref_slice %arg9[%dma_wait3A_388, %dma_wait3A_394] : memref<3x704xi32, #tpu.memory_space<vmem>> -> memref<1x704xi32, #tpu.memory_space<vmem>>
      %dma_wait3A_396 = tpu.memref_squeeze %dma_wait3A_395 : memref<1x704xi32, #tpu.memory_space<vmem>> -> memref<704xi32, #tpu.memory_space<vmem>>
      %dma_wait3A_397 = arith.constant 0 : i32
      %dma_wait3A_398 = tpu.memref_slice %arg3[%dma_wait3A_397] : memref<811008xi32, #tpu.memory_space<hbm>> -> memref<704xi32, #tpu.memory_space<hbm>>
      tpu.wait_dma2 semaphore(%arg16 : memref<!tpu.dma_semaphore, #tpu.memory_space<semaphore_mem>>) src(%dma_wait3A_398 : memref<704xi32, #tpu.memory_space<hbm>>) dst(%dma_wait3A_396 : memref<704xi32, #tpu.memory_space<vmem>>)
      %dma_wait3A_399 = arith.constant 2 : i32
      %dma_wait3A_400 = arith.constant 0 : i32
      %dma_wait3A_401 = tpu.memref_slice %arg9[%dma_wait3A_399, %dma_wait3A_400] : memref<3x704xi32, #tpu.memory_space<vmem>> -> memref<1x704xi32, #tpu.memory_space<vmem>>
      %dma_wait3A_402 = tpu.memref_squeeze %dma_wait3A_401 : memref<1x704xi32, #tpu.memory_space<vmem>> -> memref<704xi32, #tpu.memory_space<vmem>>
      %dma_wait3A_403 = arith.constant 0 : i32
      %dma_wait3A_404 = tpu.memref_slice %arg3[%dma_wait3A_403] : memref<811008xi32, #tpu.memory_space<hbm>> -> memref<704xi32, #tpu.memory_space<hbm>>
      %dma_wait3A_405 = arith.constant 0 : i32
      %dma_wait3A_406 = tpu.memref_slice %arg9[%dma_wait3A_399, %dma_wait3A_405] : memref<3x704xi32, #tpu.memory_space<vmem>> -> memref<1x704xi32, #tpu.memory_space<vmem>>
      %dma_wait3A_407 = tpu.memref_squeeze %dma_wait3A_406 : memref<1x704xi32, #tpu.memory_space<vmem>> -> memref<704xi32, #tpu.memory_space<vmem>>
      %dma_wait3A_408 = arith.constant 0 : i32
      %dma_wait3A_409 = tpu.memref_slice %arg3[%dma_wait3A_408] : memref<811008xi32, #tpu.memory_space<hbm>> -> memref<704xi32, #tpu.memory_space<hbm>>
      tpu.wait_dma2 semaphore(%arg16 : memref<!tpu.dma_semaphore, #tpu.memory_space<semaphore_mem>>) src(%dma_wait3A_409 : memref<704xi32, #tpu.memory_space<hbm>>) dst(%dma_wait3A_407 : memref<704xi32, #tpu.memory_space<vmem>>)
      %scan3A_410 = arith.constant 0 : i32
      %scan3A_411 = arith.constant 0 : i32
      %scan3A_412 = arith.constant 8 : i32
      %scan3A_413 = arith.addi %scan3A_411, %scan3A_412 : i32
      %scan3A_414 = arith.constant 1 : i32
      %scan3A_415 = scf.for %scan3A_509 = %scan3A_411 to %scan3A_413 step %scan3A_414 iter_args(%scan3A_510 = %scan3A_410) -> (i32)  : i32 {
        %mul3A_511 = arith.constant 88 : i32
        %mul3A_512 = arith.muli %scan3A_509, %mul3A_511 : i32
        %add3A_513 = arith.constant 0 : i32
        %add3A_514 = arith.addi %mul3A_512, %add3A_513 : i32
        %get3A = arith.constant 1 : i32
        %get3A_515 = arith.index_cast %get3A : i32 to index
        %get3A_516 = arith.index_cast %add3A_514 : i32 to index
        %get3A_517 = tpu.vector_load %arg9[%get3A_515, %get3A_516] {strides = array<i32>} : memref<3x704xi32, #tpu.memory_space<vmem>>, vector<16xi32>,
        %get3A_518 = arith.constant 2 : i32
        %get3A_519 = arith.index_cast %get3A_518 : i32 to index
        %get3A_520 = arith.index_cast %add3A_514 : i32 to index
        %get3A_521 = tpu.vector_load %arg9[%get3A_519, %get3A_520] {strides = array<i32>} : memref<3x704xi32, #tpu.memory_space<vmem>>, vector<16xi32>,
        %max3A = arith.constant 0 : i32
        %max3A_522 = vector.broadcast %max3A : i32 to vector<16xi32>
        %max3A_523 = arith.maxsi %get3A_517, %max3A_522 : vector<16xi32>
        %min3A = arith.constant 127 : i32
        %min3A_524 = vector.broadcast %min3A : i32 to vector<16xi32>
        %min3A_525 = arith.minsi %max3A_523, %min3A_524 : vector<16xi32>
        %max3A_526 = arith.constant 0 : i32
        %max3A_527 = vector.broadcast %max3A_526 : i32 to vector<16xi32>
        %max3A_528 = arith.maxsi %get3A_521, %max3A_527 : vector<16xi32>
        %min3A_529 = arith.constant 127 : i32
        %min3A_530 = vector.broadcast %min3A_529 : i32 to vector<16xi32>
        %min3A_531 = arith.minsi %max3A_528, %min3A_530 : vector<16xi32>
        %mul3A_532 = arith.constant 128 : i32
        %mul3A_533 = vector.broadcast %mul3A_532 : i32 to vector<16xi32>
        %mul3A_534 = arith.muli %min3A_531, %mul3A_533 : vector<16xi32>
        %add3A_535 = arith.addi %mul3A_534, %min3A_525 : vector<16xi32>
        %swap3A = arith.index_cast %scan3A_509 : i32 to index
        %swap3A_536 = arith.constant 0 : index
        %swap3A_537 = tpu.vector_load %arg11[%swap3A, %swap3A_536] {strides = array<i32>} : memref<8x88xi32, #tpu.memory_space<vmem>>, vector<16xi32>,
        tpu.vector_store %arg11[%swap3A, %swap3A_536], %add3A_535 {strides = array<i32>} : memref<8x88xi32, #tpu.memory_space<vmem>>, vector<16xi32>,
        %mul3A_538 = arith.constant 88 : i32
        %mul3A_539 = arith.muli %scan3A_509, %mul3A_538 : i32
        %add3A_540 = arith.constant 16 : i32
        %add3A_541 = arith.addi %mul3A_539, %add3A_540 : i32
        %get3A_542 = arith.constant 1 : i32
        %get3A_543 = arith.index_cast %get3A_542 : i32 to index
        %get3A_544 = arith.index_cast %add3A_541 : i32 to index
        %get3A_545 = tpu.vector_load %arg9[%get3A_543, %get3A_544] {strides = array<i32>} : memref<3x704xi32, #tpu.memory_space<vmem>>, vector<16xi32>,
        %get3A_546 = arith.constant 2 : i32
        %get3A_547 = arith.index_cast %get3A_546 : i32 to index
        %get3A_548 = arith.index_cast %add3A_541 : i32 to index
        %get3A_549 = tpu.vector_load %arg9[%get3A_547, %get3A_548] {strides = array<i32>} : memref<3x704xi32, #tpu.memory_space<vmem>>, vector<16xi32>,
        %max3A_550 = arith.constant 0 : i32
        %max3A_551 = vector.broadcast %max3A_550 : i32 to vector<16xi32>
        %max3A_552 = arith.maxsi %get3A_545, %max3A_551 : vector<16xi32>
        %min3A_553 = arith.constant 127 : i32
        %min3A_554 = vector.broadcast %min3A_553 : i32 to vector<16xi32>
        %min3A_555 = arith.minsi %max3A_552, %min3A_554 : vector<16xi32>
        %max3A_556 = arith.constant 0 : i32
        %max3A_557 = vector.broadcast %max3A_556 : i32 to vector<16xi32>
        %max3A_558 = arith.maxsi %get3A_549, %max3A_557 : vector<16xi32>
        %min3A_559 = arith.constant 127 : i32
        %min3A_560 = vector.broadcast %min3A_559 : i32 to vector<16xi32>
        %min3A_561 = arith.minsi %max3A_558, %min3A_560 : vector<16xi32>
        %mul3A_562 = arith.constant 128 : i32
        %mul3A_563 = vector.broadcast %mul3A_562 : i32 to vector<16xi32>
        %mul3A_564 = arith.muli %min3A_561, %mul3A_563 : vector<16xi32>
        %add3A_565 = arith.addi %mul3A_564, %min3A_555 : vector<16xi32>
        %swap3A_566 = arith.index_cast %scan3A_509 : i32 to index
        %swap3A_567 = arith.constant 16 : index
        %swap3A_568 = tpu.vector_load %arg11[%swap3A_566, %swap3A_567] {strides = array<i32>} : memref<8x88xi32, #tpu.memory_space<vmem>>, vector<16xi32>,
        tpu.vector_store %arg11[%swap3A_566, %swap3A_567], %add3A_565 {strides = array<i32>} : memref<8x88xi32, #tpu.memory_space<vmem>>, vector<16xi32>,
        %mul3A_569 = arith.constant 88 : i32
        %mul3A_570 = arith.muli %scan3A_509, %mul3A_569 : i32
        %add3A_571 = arith.constant 32 : i32
        %add3A_572 = arith.addi %mul3A_570, %add3A_571 : i32
        %get3A_573 = arith.constant 1 : i32
        %get3A_574 = arith.index_cast %get3A_573 : i32 to index
        %get3A_575 = arith.index_cast %add3A_572 : i32 to index
        %get3A_576 = tpu.vector_load %arg9[%get3A_574, %get3A_575] {strides = array<i32>} : memref<3x704xi32, #tpu.memory_space<vmem>>, vector<16xi32>,
        %get3A_577 = arith.constant 2 : i32
        %get3A_578 = arith.index_cast %get3A_577 : i32 to index
        %get3A_579 = arith.index_cast %add3A_572 : i32 to index
        %get3A_580 = tpu.vector_load %arg9[%get3A_578, %get3A_579] {strides = array<i32>} : memref<3x704xi32, #tpu.memory_space<vmem>>, vector<16xi32>,
        %max3A_581 = arith.constant 0 : i32
        %max3A_582 = vector.broadcast %max3A_581 : i32 to vector<16xi32>
        %max3A_583 = arith.maxsi %get3A_576, %max3A_582 : vector<16xi32>
        %min3A_584 = arith.constant 127 : i32
        %min3A_585 = vector.broadcast %min3A_584 : i32 to vector<16xi32>
        %min3A_586 = arith.minsi %max3A_583, %min3A_585 : vector<16xi32>
        %max3A_587 = arith.constant 0 : i32
        %max3A_588 = vector.broadcast %max3A_587 : i32 to vector<16xi32>
        %max3A_589 = arith.maxsi %get3A_580, %max3A_588 : vector<16xi32>
        %min3A_590 = arith.constant 127 : i32
        %min3A_591 = vector.broadcast %min3A_590 : i32 to vector<16xi32>
        %min3A_592 = arith.minsi %max3A_589, %min3A_591 : vector<16xi32>
        %mul3A_593 = arith.constant 128 : i32
        %mul3A_594 = vector.broadcast %mul3A_593 : i32 to vector<16xi32>
        %mul3A_595 = arith.muli %min3A_592, %mul3A_594 : vector<16xi32>
        %add3A_596 = arith.addi %mul3A_595, %min3A_586 : vector<16xi32>
        %swap3A_597 = arith.index_cast %scan3A_509 : i32 to index
        %swap3A_598 = arith.constant 32 : index
        %swap3A_599 = tpu.vector_load %arg11[%swap3A_597, %swap3A_598] {strides = array<i32>} : memref<8x88xi32, #tpu.memory_space<vmem>>, vector<16xi32>,
        tpu.vector_store %arg11[%swap3A_597, %swap3A_598], %add3A_596 {strides = array<i32>} : memref<8x88xi32, #tpu.memory_space<vmem>>, vector<16xi32>,
        %mul3A_600 = arith.constant 88 : i32
        %mul3A_601 = arith.muli %scan3A_509, %mul3A_600 : i32
        %add3A_602 = arith.constant 48 : i32
        %add3A_603 = arith.addi %mul3A_601, %add3A_602 : i32
        %get3A_604 = arith.constant 1 : i32
        %get3A_605 = arith.index_cast %get3A_604 : i32 to index
        %get3A_606 = arith.index_cast %add3A_603 : i32 to index
        %get3A_607 = tpu.vector_load %arg9[%get3A_605, %get3A_606] {strides = array<i32>} : memref<3x704xi32, #tpu.memory_space<vmem>>, vector<16xi32>,
        %get3A_608 = arith.constant 2 : i32
        %get3A_609 = arith.index_cast %get3A_608 : i32 to index
        %get3A_610 = arith.index_cast %add3A_603 : i32 to index
        %get3A_611 = tpu.vector_load %arg9[%get3A_609, %get3A_610] {strides = array<i32>} : memref<3x704xi32, #tpu.memory_space<vmem>>, vector<16xi32>,
        %max3A_612 = arith.constant 0 : i32
        %max3A_613 = vector.broadcast %max3A_612 : i32 to vector<16xi32>
        %max3A_614 = arith.maxsi %get3A_607, %max3A_613 : vector<16xi32>
        %min3A_615 = arith.constant 127 : i32
        %min3A_616 = vector.broadcast %min3A_615 : i32 to vector<16xi32>
        %min3A_617 = arith.minsi %max3A_614, %min3A_616 : vector<16xi32>
        %max3A_618 = arith.constant 0 : i32
        %max3A_619 = vector.broadcast %max3A_618 : i32 to vector<16xi32>
        %max3A_620 = arith.maxsi %get3A_611, %max3A_619 : vector<16xi32>
        %min3A_621 = arith.constant 127 : i32
        %min3A_622 = vector.broadcast %min3A_621 : i32 to vector<16xi32>
        %min3A_623 = arith.minsi %max3A_620, %min3A_622 : vector<16xi32>
        %mul3A_624 = arith.constant 128 : i32
        %mul3A_625 = vector.broadcast %mul3A_624 : i32 to vector<16xi32>
        %mul3A_626 = arith.muli %min3A_623, %mul3A_625 : vector<16xi32>
        %add3A_627 = arith.addi %mul3A_626, %min3A_617 : vector<16xi32>
        %swap3A_628 = arith.index_cast %scan3A_509 : i32 to index
        %swap3A_629 = arith.constant 48 : index
        %swap3A_630 = tpu.vector_load %arg11[%swap3A_628, %swap3A_629] {strides = array<i32>} : memref<8x88xi32, #tpu.memory_space<vmem>>, vector<16xi32>,
        tpu.vector_store %arg11[%swap3A_628, %swap3A_629], %add3A_627 {strides = array<i32>} : memref<8x88xi32, #tpu.memory_space<vmem>>, vector<16xi32>,
        %mul3A_631 = arith.constant 88 : i32
        %mul3A_632 = arith.muli %scan3A_509, %mul3A_631 : i32
        %add3A_633 = arith.constant 64 : i32
        %add3A_634 = arith.addi %mul3A_632, %add3A_633 : i32
        %get3A_635 = arith.constant 1 : i32
        %get3A_636 = arith.index_cast %get3A_635 : i32 to index
        %get3A_637 = arith.index_cast %add3A_634 : i32 to index
        %get3A_638 = tpu.vector_load %arg9[%get3A_636, %get3A_637] {strides = array<i32>} : memref<3x704xi32, #tpu.memory_space<vmem>>, vector<16xi32>,
        %get3A_639 = arith.constant 2 : i32
        %get3A_640 = arith.index_cast %get3A_639 : i32 to index
        %get3A_641 = arith.index_cast %add3A_634 : i32 to index
        %get3A_642 = tpu.vector_load %arg9[%get3A_640, %get3A_641] {strides = array<i32>} : memref<3x704xi32, #tpu.memory_space<vmem>>, vector<16xi32>,
        %max3A_643 = arith.constant 0 : i32
        %max3A_644 = vector.broadcast %max3A_643 : i32 to vector<16xi32>
        %max3A_645 = arith.maxsi %get3A_638, %max3A_644 : vector<16xi32>
        %min3A_646 = arith.constant 127 : i32
        %min3A_647 = vector.broadcast %min3A_646 : i32 to vector<16xi32>
        %min3A_648 = arith.minsi %max3A_645, %min3A_647 : vector<16xi32>
        %max3A_649 = arith.constant 0 : i32
        %max3A_650 = vector.broadcast %max3A_649 : i32 to vector<16xi32>
        %max3A_651 = arith.maxsi %get3A_642, %max3A_650 : vector<16xi32>
        %min3A_652 = arith.constant 127 : i32
        %min3A_653 = vector.broadcast %min3A_652 : i32 to vector<16xi32>
        %min3A_654 = arith.minsi %max3A_651, %min3A_653 : vector<16xi32>
        %mul3A_655 = arith.constant 128 : i32
        %mul3A_656 = vector.broadcast %mul3A_655 : i32 to vector<16xi32>
        %mul3A_657 = arith.muli %min3A_654, %mul3A_656 : vector<16xi32>
        %add3A_658 = arith.addi %mul3A_657, %min3A_648 : vector<16xi32>
        %swap3A_659 = arith.index_cast %scan3A_509 : i32 to index
        %swap3A_660 = arith.constant 64 : index
        %swap3A_661 = tpu.vector_load %arg11[%swap3A_659, %swap3A_660] {strides = array<i32>} : memref<8x88xi32, #tpu.memory_space<vmem>>, vector<16xi32>,
        tpu.vector_store %arg11[%swap3A_659, %swap3A_660], %add3A_658 {strides = array<i32>} : memref<8x88xi32, #tpu.memory_space<vmem>>, vector<16xi32>,
        %mul3A_662 = arith.constant 88 : i32
        %mul3A_663 = arith.muli %scan3A_509, %mul3A_662 : i32
        %add3A_664 = arith.constant 72 : i32
        %add3A_665 = arith.addi %mul3A_663, %add3A_664 : i32
        %get3A_666 = arith.constant 1 : i32
        %get3A_667 = arith.index_cast %get3A_666 : i32 to index
        %get3A_668 = arith.index_cast %add3A_665 : i32 to index
        %get3A_669 = tpu.vector_load %arg9[%get3A_667, %get3A_668] {strides = array<i32>} : memref<3x704xi32, #tpu.memory_space<vmem>>, vector<16xi32>,
        %get3A_670 = arith.constant 2 : i32
        %get3A_671 = arith.index_cast %get3A_670 : i32 to index
        %get3A_672 = arith.index_cast %add3A_665 : i32 to index
        %get3A_673 = tpu.vector_load %arg9[%get3A_671, %get3A_672] {strides = array<i32>} : memref<3x704xi32, #tpu.memory_space<vmem>>, vector<16xi32>,
        %max3A_674 = arith.constant 0 : i32
        %max3A_675 = vector.broadcast %max3A_674 : i32 to vector<16xi32>
        %max3A_676 = arith.maxsi %get3A_669, %max3A_675 : vector<16xi32>
        %min3A_677 = arith.constant 127 : i32
        %min3A_678 = vector.broadcast %min3A_677 : i32 to vector<16xi32>
        %min3A_679 = arith.minsi %max3A_676, %min3A_678 : vector<16xi32>
        %max3A_680 = arith.constant 0 : i32
        %max3A_681 = vector.broadcast %max3A_680 : i32 to vector<16xi32>
        %max3A_682 = arith.maxsi %get3A_673, %max3A_681 : vector<16xi32>
        %min3A_683 = arith.constant 127 : i32
        %min3A_684 = vector.broadcast %min3A_683 : i32 to vector<16xi32>
        %min3A_685 = arith.minsi %max3A_682, %min3A_684 : vector<16xi32>
        %mul3A_686 = arith.constant 128 : i32
        %mul3A_687 = vector.broadcast %mul3A_686 : i32 to vector<16xi32>
        %mul3A_688 = arith.muli %min3A_685, %mul3A_687 : vector<16xi32>
        %add3A_689 = arith.addi %mul3A_688, %min3A_679 : vector<16xi32>
        %swap3A_690 = arith.index_cast %scan3A_509 : i32 to index
        %swap3A_691 = arith.constant 72 : index
        %swap3A_692 = tpu.vector_load %arg11[%swap3A_690, %swap3A_691] {strides = array<i32>} : memref<8x88xi32, #tpu.memory_space<vmem>>, vector<16xi32>,
        tpu.vector_store %arg11[%swap3A_690, %swap3A_691], %add3A_689 {strides = array<i32>} : memref<8x88xi32, #tpu.memory_space<vmem>>, vector<16xi32>,
        %scan3A_693 = arith.constant 0 : i32
        scf.yield %scan3A_693 : i32
      }
      %scan3A_416 = arith.constant 8 : i32
      %scan3A_417 = arith.constant 0 : i32
      %scan3A_418 = arith.constant 0 : i32
      %scan3A_419 = arith.constant 44 : i32
      %scan3A_420 = arith.addi %scan3A_418, %scan3A_419 : i32
      %scan3A_421 = arith.constant 1 : i32
      %scan3A_422 = scf.for %scan3A_509 = %scan3A_418 to %scan3A_420 step %scan3A_421 iter_args(%scan3A_510 = %scan3A_417) -> (i32)  : i32 {
        %mul3A_511 = arith.constant 16 : i32
        %mul3A_512 = arith.muli %scan3A_509, %mul3A_511 : i32
        %get3A = arith.constant 0 : i32
        %get3A_513 = arith.index_cast %get3A : i32 to index
        %get3A_514 = arith.index_cast %mul3A_512 : i32 to index
        %get3A_515 = tpu.vector_load %arg9[%get3A_513, %get3A_514] {strides = array<i32>} : memref<3x704xi32, #tpu.memory_space<vmem>>, vector<16xi32>,
        %bitcast3A = vector.bitcast %get3A_515 : vector<16xi32> to vector<16xf32>
        %gather3A = vector.shape_cast %broadcast_in_dim3A_10 : vector<16x1xi32> to vector<16xi32>
        %gather3A_516 = tpu.dynamic_gather %bitcast3A[%gather3A] in [0] : vector<16xf32>, vector<16xi32> -> vector<16xf32>
        %add3A_517 = arith.constant 0 : i32
        %add3A_518 = arith.addi %mul3A_512, %add3A_517 : i32
        %get3A_519 = arith.index_cast %add3A_518 : i32 to index
        %get3A_520 = arith.constant 0 : index
        %get3A_521 = tpu.vector_load %arg5[%get3A_519, %get3A_520] {strides = array<i32>} : memref<704x40xf32, #tpu.memory_space<vmem>>, vector<16xf32>,
        %mul3A_522 = arith.mulf %get3A_521, %gather3A_516 : vector<16xf32>
        %add3A_523 = arith.constant 0 : i32
        %add3A_524 = arith.addi %mul3A_512, %add3A_523 : i32
        %swap3A = arith.index_cast %add3A_524 : i32 to index
        %swap3A_525 = arith.constant 0 : index
        %swap3A_526 = tpu.vector_load %arg7[%swap3A, %swap3A_525] {strides = array<i32>} : memref<704x40xf32, #tpu.memory_space<vmem>>, vector<16xf32>,
        tpu.vector_store %arg7[%swap3A, %swap3A_525], %mul3A_522 {strides = array<i32>} : memref<704x40xf32, #tpu.memory_space<vmem>>, vector<16xf32>,
        %add3A_527 = arith.constant 0 : i32
        %add3A_528 = arith.addi %mul3A_512, %add3A_527 : i32
        %get3A_529 = arith.index_cast %add3A_528 : i32 to index
        %get3A_530 = arith.constant 16 : index
        %get3A_531 = tpu.vector_load %arg5[%get3A_529, %get3A_530] {strides = array<i32>} : memref<704x40xf32, #tpu.memory_space<vmem>>, vector<16xf32>,
        %mul3A_532 = arith.mulf %get3A_531, %gather3A_516 : vector<16xf32>
        %add3A_533 = arith.constant 0 : i32
        %add3A_534 = arith.addi %mul3A_512, %add3A_533 : i32
        %swap3A_535 = arith.index_cast %add3A_534 : i32 to index
        %swap3A_536 = arith.constant 16 : index
        %swap3A_537 = tpu.vector_load %arg7[%swap3A_535, %swap3A_536] {strides = array<i32>} : memref<704x40xf32, #tpu.memory_space<vmem>>, vector<16xf32>,
        tpu.vector_store %arg7[%swap3A_535, %swap3A_536], %mul3A_532 {strides = array<i32>} : memref<704x40xf32, #tpu.memory_space<vmem>>, vector<16xf32>,
        %add3A_538 = arith.constant 0 : i32
        %add3A_539 = arith.addi %mul3A_512, %add3A_538 : i32
        %get3A_540 = arith.index_cast %add3A_539 : i32 to index
        %get3A_541 = arith.constant 24 : index
        %get3A_542 = tpu.vector_load %arg5[%get3A_540, %get3A_541] {strides = array<i32>} : memref<704x40xf32, #tpu.memory_space<vmem>>, vector<16xf32>,
        %mul3A_543 = arith.mulf %get3A_542, %gather3A_516 : vector<16xf32>
        %add3A_544 = arith.constant 0 : i32
        %add3A_545 = arith.addi %mul3A_512, %add3A_544 : i32
        %swap3A_546 = arith.index_cast %add3A_545 : i32 to index
        %swap3A_547 = arith.constant 24 : index
        %swap3A_548 = tpu.vector_load %arg7[%swap3A_546, %swap3A_547] {strides = array<i32>} : memref<704x40xf32, #tpu.memory_space<vmem>>, vector<16xf32>,
        tpu.vector_store %arg7[%swap3A_546, %swap3A_547], %mul3A_543 {strides = array<i32>} : memref<704x40xf32, #tpu.memory_space<vmem>>, vector<16xf32>,
        %gather3A_549 = vector.shape_cast %broadcast_in_dim3A_12 : vector<16x1xi32> to vector<16xi32>
        %gather3A_550 = tpu.dynamic_gather %bitcast3A[%gather3A_549] in [0] : vector<16xf32>, vector<16xi32> -> vector<16xf32>
        %add3A_551 = arith.constant 1 : i32
        %add3A_552 = arith.addi %mul3A_512, %add3A_551 : i32
        %get3A_553 = arith.index_cast %add3A_552 : i32 to index
        %get3A_554 = arith.constant 0 : index
        %get3A_555 = tpu.vector_load %arg5[%get3A_553, %get3A_554] {strides = array<i32>} : memref<704x40xf32, #tpu.memory_space<vmem>>, vector<16xf32>,
        %mul3A_556 = arith.mulf %get3A_555, %gather3A_550 : vector<16xf32>
        %add3A_557 = arith.constant 1 : i32
        %add3A_558 = arith.addi %mul3A_512, %add3A_557 : i32
        %swap3A_559 = arith.index_cast %add3A_558 : i32 to index
        %swap3A_560 = arith.constant 0 : index
        %swap3A_561 = tpu.vector_load %arg7[%swap3A_559, %swap3A_560] {strides = array<i32>} : memref<704x40xf32, #tpu.memory_space<vmem>>, vector<16xf32>,
        tpu.vector_store %arg7[%swap3A_559, %swap3A_560], %mul3A_556 {strides = array<i32>} : memref<704x40xf32, #tpu.memory_space<vmem>>, vector<16xf32>,
        %add3A_562 = arith.constant 1 : i32
        %add3A_563 = arith.addi %mul3A_512, %add3A_562 : i32
        %get3A_564 = arith.index_cast %add3A_563 : i32 to index
        %get3A_565 = arith.constant 16 : index
        %get3A_566 = tpu.vector_load %arg5[%get3A_564, %get3A_565] {strides = array<i32>} : memref<704x40xf32, #tpu.memory_space<vmem>>, vector<16xf32>,
        %mul3A_567 = arith.mulf %get3A_566, %gather3A_550 : vector<16xf32>
        %add3A_568 = arith.constant 1 : i32
        %add3A_569 = arith.addi %mul3A_512, %add3A_568 : i32
        %swap3A_570 = arith.index_cast %add3A_569 : i32 to index
        %swap3A_571 = arith.constant 16 : index
        %swap3A_572 = tpu.vector_load %arg7[%swap3A_570, %swap3A_571] {strides = array<i32>} : memref<704x40xf32, #tpu.memory_space<vmem>>, vector<16xf32>,
        tpu.vector_store %arg7[%swap3A_570, %swap3A_571], %mul3A_567 {strides = array<i32>} : memref<704x40xf32, #tpu.memory_space<vmem>>, vector<16xf32>,
        %add3A_573 = arith.constant 1 : i32
        %add3A_574 = arith.addi %mul3A_512, %add3A_573 : i32
        %get3A_575 = arith.index_cast %add3A_574 : i32 to index
        %get3A_576 = arith.constant 24 : index
        %get3A_577 = tpu.vector_load %arg5[%get3A_575, %get3A_576] {strides = array<i32>} : memref<704x40xf32, #tpu.memory_space<vmem>>, vector<16xf32>,
        %mul3A_578 = arith.mulf %get3A_577, %gather3A_550 : vector<16xf32>
        %add3A_579 = arith.constant 1 : i32
        %add3A_580 = arith.addi %mul3A_512, %add3A_579 : i32
        %swap3A_581 = arith.index_cast %add3A_580 : i32 to index
        %swap3A_582 = arith.constant 24 : index
        %swap3A_583 = tpu.vector_load %arg7[%swap3A_581, %swap3A_582] {strides = array<i32>} : memref<704x40xf32, #tpu.memory_space<vmem>>, vector<16xf32>,
        tpu.vector_store %arg7[%swap3A_581, %swap3A_582], %mul3A_578 {strides = array<i32>} : memref<704x40xf32, #tpu.memory_space<vmem>>, vector<16xf32>,
        %gather3A_584 = vector.shape_cast %broadcast_in_dim3A_14 : vector<16x1xi32> to vector<16xi32>
        %gather3A_585 = tpu.dynamic_gather %bitcast3A[%gather3A_584] in [0] : vector<16xf32>, vector<16xi32> -> vector<16xf32>
        %add3A_586 = arith.constant 2 : i32
        %add3A_587 = arith.addi %mul3A_512, %add3A_586 : i32
        %get3A_588 = arith.index_cast %add3A_587 : i32 to index
        %get3A_589 = arith.constant 0 : index
        %get3A_590 = tpu.vector_load %arg5[%get3A_588, %get3A_589] {strides = array<i32>} : memref<704x40xf32, #tpu.memory_space<vmem>>, vector<16xf32>,
        %mul3A_591 = arith.mulf %get3A_590, %gather3A_585 : vector<16xf32>
        %add3A_592 = arith.constant 2 : i32
        %add3A_593 = arith.addi %mul3A_512, %add3A_592 : i32
        %swap3A_594 = arith.index_cast %add3A_593 : i32 to index
        %swap3A_595 = arith.constant 0 : index
        %swap3A_596 = tpu.vector_load %arg7[%swap3A_594, %swap3A_595] {strides = array<i32>} : memref<704x40xf32, #tpu.memory_space<vmem>>, vector<16xf32>,
        tpu.vector_store %arg7[%swap3A_594, %swap3A_595], %mul3A_591 {strides = array<i32>} : memref<704x40xf32, #tpu.memory_space<vmem>>, vector<16xf32>,
        %add3A_597 = arith.constant 2 : i32
        %add3A_598 = arith.addi %mul3A_512, %add3A_597 : i32
        %get3A_599 = arith.index_cast %add3A_598 : i32 to index
        %get3A_600 = arith.constant 16 : index
        %get3A_601 = tpu.vector_load %arg5[%get3A_599, %get3A_600] {strides = array<i32>} : memref<704x40xf32, #tpu.memory_space<vmem>>, vector<16xf32>,
        %mul3A_602 = arith.mulf %get3A_601, %gather3A_585 : vector<16xf32>
        %add3A_603 = arith.constant 2 : i32
        %add3A_604 = arith.addi %mul3A_512, %add3A_603 : i32
        %swap3A_605 = arith.index_cast %add3A_604 : i32 to index
        %swap3A_606 = arith.constant 16 : index
        %swap3A_607 = tpu.vector_load %arg7[%swap3A_605, %swap3A_606] {strides = array<i32>} : memref<704x40xf32, #tpu.memory_space<vmem>>, vector<16xf32>,
        tpu.vector_store %arg7[%swap3A_605, %swap3A_606], %mul3A_602 {strides = array<i32>} : memref<704x40xf32, #tpu.memory_space<vmem>>, vector<16xf32>,
        %add3A_608 = arith.constant 2 : i32
        %add3A_609 = arith.addi %mul3A_512, %add3A_608 : i32
        %get3A_610 = arith.index_cast %add3A_609 : i32 to index
        %get3A_611 = arith.constant 24 : index
        %get3A_612 = tpu.vector_load %arg5[%get3A_610, %get3A_611] {strides = array<i32>} : memref<704x40xf32, #tpu.memory_space<vmem>>, vector<16xf32>,
        %mul3A_613 = arith.mulf %get3A_612, %gather3A_585 : vector<16xf32>
        %add3A_614 = arith.constant 2 : i32
        %add3A_615 = arith.addi %mul3A_512, %add3A_614 : i32
        %swap3A_616 = arith.index_cast %add3A_615 : i32 to index
        %swap3A_617 = arith.constant 24 : index
        %swap3A_618 = tpu.vector_load %arg7[%swap3A_616, %swap3A_617] {strides = array<i32>} : memref<704x40xf32, #tpu.memory_space<vmem>>, vector<16xf32>,
        tpu.vector_store %arg7[%swap3A_616, %swap3A_617], %mul3A_613 {strides = array<i32>} : memref<704x40xf32, #tpu.memory_space<vmem>>, vector<16xf32>,
        %gather3A_619 = vector.shape_cast %broadcast_in_dim3A_16 : vector<16x1xi32> to vector<16xi32>
        %gather3A_620 = tpu.dynamic_gather %bitcast3A[%gather3A_619] in [0] : vector<16xf32>, vector<16xi32> -> vector<16xf32>
        %add3A_621 = arith.constant 3 : i32
        %add3A_622 = arith.addi %mul3A_512, %add3A_621 : i32
        %get3A_623 = arith.index_cast %add3A_622 : i32 to index
        %get3A_624 = arith.constant 0 : index
        %get3A_625 = tpu.vector_load %arg5[%get3A_623, %get3A_624] {strides = array<i32>} : memref<704x40xf32, #tpu.memory_space<vmem>>, vector<16xf32>,
        %mul3A_626 = arith.mulf %get3A_625, %gather3A_620 : vector<16xf32>
        %add3A_627 = arith.constant 3 : i32
        %add3A_628 = arith.addi %mul3A_512, %add3A_627 : i32
        %swap3A_629 = arith.index_cast %add3A_628 : i32 to index
        %swap3A_630 = arith.constant 0 : index
        %swap3A_631 = tpu.vector_load %arg7[%swap3A_629, %swap3A_630] {strides = array<i32>} : memref<704x40xf32, #tpu.memory_space<vmem>>, vector<16xf32>,
        tpu.vector_store %arg7[%swap3A_629, %swap3A_630], %mul3A_626 {strides = array<i32>} : memref<704x40xf32, #tpu.memory_space<vmem>>, vector<16xf32>,
        %add3A_632 = arith.constant 3 : i32
        %add3A_633 = arith.addi %mul3A_512, %add3A_632 : i32
        %get3A_634 = arith.index_cast %add3A_633 : i32 to index
        %get3A_635 = arith.constant 16 : index
        %get3A_636 = tpu.vector_load %arg5[%get3A_634, %get3A_635] {strides = array<i32>} : memref<704x40xf32, #tpu.memory_space<vmem>>, vector<16xf32>,
        %mul3A_637 = arith.mulf %get3A_636, %gather3A_620 : vector<16xf32>
        %add3A_638 = arith.constant 3 : i32
        %add3A_639 = arith.addi %mul3A_512, %add3A_638 : i32
        %swap3A_640 = arith.index_cast %add3A_639 : i32 to index
        %swap3A_641 = arith.constant 16 : index
        %swap3A_642 = tpu.vector_load %arg7[%swap3A_640, %swap3A_641] {strides = array<i32>} : memref<704x40xf32, #tpu.memory_space<vmem>>, vector<16xf32>,
        tpu.vector_store %arg7[%swap3A_640, %swap3A_641], %mul3A_637 {strides = array<i32>} : memref<704x40xf32, #tpu.memory_space<vmem>>, vector<16xf32>,
        %add3A_643 = arith.constant 3 : i32
        %add3A_644 = arith.addi %mul3A_512, %add3A_643 : i32
        %get3A_645 = arith.index_cast %add3A_644 : i32 to index
        %get3A_646 = arith.constant 24 : index
        %get3A_647 = tpu.vector_load %arg5[%get3A_645, %get3A_646] {strides = array<i32>} : memref<704x40xf32, #tpu.memory_space<vmem>>, vector<16xf32>,
        %mul3A_648 = arith.mulf %get3A_647, %gather3A_620 : vector<16xf32>
        %add3A_649 = arith.constant 3 : i32
        %add3A_650 = arith.addi %mul3A_512, %add3A_649 : i32
        %swap3A_651 = arith.index_cast %add3A_650 : i32 to index
        %swap3A_652 = arith.constant 24 : index
        %swap3A_653 = tpu.vector_load %arg7[%swap3A_651, %swap3A_652] {strides = array<i32>} : memref<704x40xf32, #tpu.memory_space<vmem>>, vector<16xf32>,
        tpu.vector_store %arg7[%swap3A_651, %swap3A_652], %mul3A_648 {strides = array<i32>} : memref<704x40xf32, #tpu.memory_space<vmem>>, vector<16xf32>,
        %gather3A_654 = vector.shape_cast %broadcast_in_dim3A_18 : vector<16x1xi32> to vector<16xi32>
        %gather3A_655 = tpu.dynamic_gather %bitcast3A[%gather3A_654] in [0] : vector<16xf32>, vector<16xi32> -> vector<16xf32>
        %add3A_656 = arith.constant 4 : i32
        %add3A_657 = arith.addi %mul3A_512, %add3A_656 : i32
        %get3A_658 = arith.index_cast %add3A_657 : i32 to index
        %get3A_659 = arith.constant 0 : index
        %get3A_660 = tpu.vector_load %arg5[%get3A_658, %get3A_659] {strides = array<i32>} : memref<704x40xf32, #tpu.memory_space<vmem>>, vector<16xf32>,
        %mul3A_661 = arith.mulf %get3A_660, %gather3A_655 : vector<16xf32>
        %add3A_662 = arith.constant 4 : i32
        %add3A_663 = arith.addi %mul3A_512, %add3A_662 : i32
        %swap3A_664 = arith.index_cast %add3A_663 : i32 to index
        %swap3A_665 = arith.constant 0 : index
        %swap3A_666 = tpu.vector_load %arg7[%swap3A_664, %swap3A_665] {strides = array<i32>} : memref<704x40xf32, #tpu.memory_space<vmem>>, vector<16xf32>,
        tpu.vector_store %arg7[%swap3A_664, %swap3A_665], %mul3A_661 {strides = array<i32>} : memref<704x40xf32, #tpu.memory_space<vmem>>, vector<16xf32>,
        %add3A_667 = arith.constant 4 : i32
        %add3A_668 = arith.addi %mul3A_512, %add3A_667 : i32
        %get3A_669 = arith.index_cast %add3A_668 : i32 to index
        %get3A_670 = arith.constant 16 : index
        %get3A_671 = tpu.vector_load %arg5[%get3A_669, %get3A_670] {strides = array<i32>} : memref<704x40xf32, #tpu.memory_space<vmem>>, vector<16xf32>,
        %mul3A_672 = arith.mulf %get3A_671, %gather3A_655 : vector<16xf32>
        %add3A_673 = arith.constant 4 : i32
        %add3A_674 = arith.addi %mul3A_512, %add3A_673 : i32
        %swap3A_675 = arith.index_cast %add3A_674 : i32 to index
        %swap3A_676 = arith.constant 16 : index
        %swap3A_677 = tpu.vector_load %arg7[%swap3A_675, %swap3A_676] {strides = array<i32>} : memref<704x40xf32, #tpu.memory_space<vmem>>, vector<16xf32>,
        tpu.vector_store %arg7[%swap3A_675, %swap3A_676], %mul3A_672 {strides = array<i32>} : memref<704x40xf32, #tpu.memory_space<vmem>>, vector<16xf32>,
        %add3A_678 = arith.constant 4 : i32
        %add3A_679 = arith.addi %mul3A_512, %add3A_678 : i32
        %get3A_680 = arith.index_cast %add3A_679 : i32 to index
        %get3A_681 = arith.constant 24 : index
        %get3A_682 = tpu.vector_load %arg5[%get3A_680, %get3A_681] {strides = array<i32>} : memref<704x40xf32, #tpu.memory_space<vmem>>, vector<16xf32>,
        %mul3A_683 = arith.mulf %get3A_682, %gather3A_655 : vector<16xf32>
        %add3A_684 = arith.constant 4 : i32
        %add3A_685 = arith.addi %mul3A_512, %add3A_684 : i32
        %swap3A_686 = arith.index_cast %add3A_685 : i32 to index
        %swap3A_687 = arith.constant 24 : index
        %swap3A_688 = tpu.vector_load %arg7[%swap3A_686, %swap3A_687] {strides = array<i32>} : memref<704x40xf32, #tpu.memory_space<vmem>>, vector<16xf32>,
        tpu.vector_store %arg7[%swap3A_686, %swap3A_687], %mul3A_683 {strides = array<i32>} : memref<704x40xf32, #tpu.memory_space<vmem>>, vector<16xf32>,
        %gather3A_689 = vector.shape_cast %broadcast_in_dim3A_20 : vector<16x1xi32> to vector<16xi32>
        %gather3A_690 = tpu.dynamic_gather %bitcast3A[%gather3A_689] in [0] : vector<16xf32>, vector<16xi32> -> vector<16xf32>
        %add3A_691 = arith.constant 5 : i32
        %add3A_692 = arith.addi %mul3A_512, %add3A_691 : i32
        %get3A_693 = arith.index_cast %add3A_692 : i32 to index
        %get3A_694 = arith.constant 0 : index
        %get3A_695 = tpu.vector_load %arg5[%get3A_693, %get3A_694] {strides = array<i32>} : memref<704x40xf32, #tpu.memory_space<vmem>>, vector<16xf32>,
        %mul3A_696 = arith.mulf %get3A_695, %gather3A_690 : vector<16xf32>
        %add3A_697 = arith.constant 5 : i32
        %add3A_698 = arith.addi %mul3A_512, %add3A_697 : i32
        %swap3A_699 = arith.index_cast %add3A_698 : i32 to index
        %swap3A_700 = arith.constant 0 : index
        %swap3A_701 = tpu.vector_load %arg7[%swap3A_699, %swap3A_700] {strides = array<i32>} : memref<704x40xf32, #tpu.memory_space<vmem>>, vector<16xf32>,
        tpu.vector_store %arg7[%swap3A_699, %swap3A_700], %mul3A_696 {strides = array<i32>} : memref<704x40xf32, #tpu.memory_space<vmem>>, vector<16xf32>,
        %add3A_702 = arith.constant 5 : i32
        %add3A_703 = arith.addi %mul3A_512, %add3A_702 : i32
        %get3A_704 = arith.index_cast %add3A_703 : i32 to index
        %get3A_705 = arith.constant 16 : index
        %get3A_706 = tpu.vector_load %arg5[%get3A_704, %get3A_705] {strides = array<i32>} : memref<704x40xf32, #tpu.memory_space<vmem>>, vector<16xf32>,
        %mul3A_707 = arith.mulf %get3A_706, %gather3A_690 : vector<16xf32>
        %add3A_708 = arith.constant 5 : i32
        %add3A_709 = arith.addi %mul3A_512, %add3A_708 : i32
        %swap3A_710 = arith.index_cast %add3A_709 : i32 to index
        %swap3A_711 = arith.constant 16 : index
        %swap3A_712 = tpu.vector_load %arg7[%swap3A_710, %swap3A_711] {strides = array<i32>} : memref<704x40xf32, #tpu.memory_space<vmem>>, vector<16xf32>,
        tpu.vector_store %arg7[%swap3A_710, %swap3A_711], %mul3A_707 {strides = array<i32>} : memref<704x40xf32, #tpu.memory_space<vmem>>, vector<16xf32>,
        %add3A_713 = arith.constant 5 : i32
        %add3A_714 = arith.addi %mul3A_512, %add3A_713 : i32
        %get3A_715 = arith.index_cast %add3A_714 : i32 to index
        %get3A_716 = arith.constant 24 : index
        %get3A_717 = tpu.vector_load %arg5[%get3A_715, %get3A_716] {strides = array<i32>} : memref<704x40xf32, #tpu.memory_space<vmem>>, vector<16xf32>,
        %mul3A_718 = arith.mulf %get3A_717, %gather3A_690 : vector<16xf32>
        %add3A_719 = arith.constant 5 : i32
        %add3A_720 = arith.addi %mul3A_512, %add3A_719 : i32
        %swap3A_721 = arith.index_cast %add3A_720 : i32 to index
        %swap3A_722 = arith.constant 24 : index
        %swap3A_723 = tpu.vector_load %arg7[%swap3A_721, %swap3A_722] {strides = array<i32>} : memref<704x40xf32, #tpu.memory_space<vmem>>, vector<16xf32>,
        tpu.vector_store %arg7[%swap3A_721, %swap3A_722], %mul3A_718 {strides = array<i32>} : memref<704x40xf32, #tpu.memory_space<vmem>>, vector<16xf32>,
        %gather3A_724 = vector.shape_cast %broadcast_in_dim3A_22 : vector<16x1xi32> to vector<16xi32>
        %gather3A_725 = tpu.dynamic_gather %bitcast3A[%gather3A_724] in [0] : vector<16xf32>, vector<16xi32> -> vector<16xf32>
        %add3A_726 = arith.constant 6 : i32
        %add3A_727 = arith.addi %mul3A_512, %add3A_726 : i32
        %get3A_728 = arith.index_cast %add3A_727 : i32 to index
        %get3A_729 = arith.constant 0 : index
        %get3A_730 = tpu.vector_load %arg5[%get3A_728, %get3A_729] {strides = array<i32>} : memref<704x40xf32, #tpu.memory_space<vmem>>, vector<16xf32>,
        %mul3A_731 = arith.mulf %get3A_730, %gather3A_725 : vector<16xf32>
        %add3A_732 = arith.constant 6 : i32
        %add3A_733 = arith.addi %mul3A_512, %add3A_732 : i32
        %swap3A_734 = arith.index_cast %add3A_733 : i32 to index
        %swap3A_735 = arith.constant 0 : index
        %swap3A_736 = tpu.vector_load %arg7[%swap3A_734, %swap3A_735] {strides = array<i32>} : memref<704x40xf32, #tpu.memory_space<vmem>>, vector<16xf32>,
        tpu.vector_store %arg7[%swap3A_734, %swap3A_735], %mul3A_731 {strides = array<i32>} : memref<704x40xf32, #tpu.memory_space<vmem>>, vector<16xf32>,
        %add3A_737 = arith.constant 6 : i32
        %add3A_738 = arith.addi %mul3A_512, %add3A_737 : i32
        %get3A_739 = arith.index_cast %add3A_738 : i32 to index
        %get3A_740 = arith.constant 16 : index
        %get3A_741 = tpu.vector_load %arg5[%get3A_739, %get3A_740] {strides = array<i32>} : memref<704x40xf32, #tpu.memory_space<vmem>>, vector<16xf32>,
        %mul3A_742 = arith.mulf %get3A_741, %gather3A_725 : vector<16xf32>
        %add3A_743 = arith.constant 6 : i32
        %add3A_744 = arith.addi %mul3A_512, %add3A_743 : i32
        %swap3A_745 = arith.index_cast %add3A_744 : i32 to index
        %swap3A_746 = arith.constant 16 : index
        %swap3A_747 = tpu.vector_load %arg7[%swap3A_745, %swap3A_746] {strides = array<i32>} : memref<704x40xf32, #tpu.memory_space<vmem>>, vector<16xf32>,
        tpu.vector_store %arg7[%swap3A_745, %swap3A_746], %mul3A_742 {strides = array<i32>} : memref<704x40xf32, #tpu.memory_space<vmem>>, vector<16xf32>,
        %add3A_748 = arith.constant 6 : i32
        %add3A_749 = arith.addi %mul3A_512, %add3A_748 : i32
        %get3A_750 = arith.index_cast %add3A_749 : i32 to index
        %get3A_751 = arith.constant 24 : index
        %get3A_752 = tpu.vector_load %arg5[%get3A_750, %get3A_751] {strides = array<i32>} : memref<704x40xf32, #tpu.memory_space<vmem>>, vector<16xf32>,
        %mul3A_753 = arith.mulf %get3A_752, %gather3A_725 : vector<16xf32>
        %add3A_754 = arith.constant 6 : i32
        %add3A_755 = arith.addi %mul3A_512, %add3A_754 : i32
        %swap3A_756 = arith.index_cast %add3A_755 : i32 to index
        %swap3A_757 = arith.constant 24 : index
        %swap3A_758 = tpu.vector_load %arg7[%swap3A_756, %swap3A_757] {strides = array<i32>} : memref<704x40xf32, #tpu.memory_space<vmem>>, vector<16xf32>,
        tpu.vector_store %arg7[%swap3A_756, %swap3A_757], %mul3A_753 {strides = array<i32>} : memref<704x40xf32, #tpu.memory_space<vmem>>, vector<16xf32>,
        %gather3A_759 = vector.shape_cast %broadcast_in_dim3A_24 : vector<16x1xi32> to vector<16xi32>
        %gather3A_760 = tpu.dynamic_gather %bitcast3A[%gather3A_759] in [0] : vector<16xf32>, vector<16xi32> -> vector<16xf32>
        %add3A_761 = arith.constant 7 : i32
        %add3A_762 = arith.addi %mul3A_512, %add3A_761 : i32
        %get3A_763 = arith.index_cast %add3A_762 : i32 to index
        %get3A_764 = arith.constant 0 : index
        %get3A_765 = tpu.vector_load %arg5[%get3A_763, %get3A_764] {strides = array<i32>} : memref<704x40xf32, #tpu.memory_space<vmem>>, vector<16xf32>,
        %mul3A_766 = arith.mulf %get3A_765, %gather3A_760 : vector<16xf32>
        %add3A_767 = arith.constant 7 : i32
        %add3A_768 = arith.addi %mul3A_512, %add3A_767 : i32
        %swap3A_769 = arith.index_cast %add3A_768 : i32 to index
        %swap3A_770 = arith.constant 0 : index
        %swap3A_771 = tpu.vector_load %arg7[%swap3A_769, %swap3A_770] {strides = array<i32>} : memref<704x40xf32, #tpu.memory_space<vmem>>, vector<16xf32>,
        tpu.vector_store %arg7[%swap3A_769, %swap3A_770], %mul3A_766 {strides = array<i32>} : memref<704x40xf32, #tpu.memory_space<vmem>>, vector<16xf32>,
        %add3A_772 = arith.constant 7 : i32
        %add3A_773 = arith.addi %mul3A_512, %add3A_772 : i32
        %get3A_774 = arith.index_cast %add3A_773 : i32 to index
        %get3A_775 = arith.constant 16 : index
        %get3A_776 = tpu.vector_load %arg5[%get3A_774, %get3A_775] {strides = array<i32>} : memref<704x40xf32, #tpu.memory_space<vmem>>, vector<16xf32>,
        %mul3A_777 = arith.mulf %get3A_776, %gather3A_760 : vector<16xf32>
        %add3A_778 = arith.constant 7 : i32
        %add3A_779 = arith.addi %mul3A_512, %add3A_778 : i32
        %swap3A_780 = arith.index_cast %add3A_779 : i32 to index
        %swap3A_781 = arith.constant 16 : index
        %swap3A_782 = tpu.vector_load %arg7[%swap3A_780, %swap3A_781] {strides = array<i32>} : memref<704x40xf32, #tpu.memory_space<vmem>>, vector<16xf32>,
        tpu.vector_store %arg7[%swap3A_780, %swap3A_781], %mul3A_777 {strides = array<i32>} : memref<704x40xf32, #tpu.memory_space<vmem>>, vector<16xf32>,
        %add3A_783 = arith.constant 7 : i32
        %add3A_784 = arith.addi %mul3A_512, %add3A_783 : i32
        %get3A_785 = arith.index_cast %add3A_784 : i32 to index
        %get3A_786 = arith.constant 24 : index
        %get3A_787 = tpu.vector_load %arg5[%get3A_785, %get3A_786] {strides = array<i32>} : memref<704x40xf32, #tpu.memory_space<vmem>>, vector<16xf32>,
        %mul3A_788 = arith.mulf %get3A_787, %gather3A_760 : vector<16xf32>
        %add3A_789 = arith.constant 7 : i32
        %add3A_790 = arith.addi %mul3A_512, %add3A_789 : i32
        %swap3A_791 = arith.index_cast %add3A_790 : i32 to index
        %swap3A_792 = arith.constant 24 : index
        %swap3A_793 = tpu.vector_load %arg7[%swap3A_791, %swap3A_792] {strides = array<i32>} : memref<704x40xf32, #tpu.memory_space<vmem>>, vector<16xf32>,
        tpu.vector_store %arg7[%swap3A_791, %swap3A_792], %mul3A_788 {strides = array<i32>} : memref<704x40xf32, #tpu.memory_space<vmem>>, vector<16xf32>,
        %gather3A_794 = vector.shape_cast %broadcast_in_dim3A_26 : vector<16x1xi32> to vector<16xi32>
        %gather3A_795 = tpu.dynamic_gather %bitcast3A[%gather3A_794] in [0] : vector<16xf32>, vector<16xi32> -> vector<16xf32>
        %add3A_796 = arith.constant 8 : i32
        %add3A_797 = arith.addi %mul3A_512, %add3A_796 : i32
        %get3A_798 = arith.index_cast %add3A_797 : i32 to index
        %get3A_799 = arith.constant 0 : index
        %get3A_800 = tpu.vector_load %arg5[%get3A_798, %get3A_799] {strides = array<i32>} : memref<704x40xf32, #tpu.memory_space<vmem>>, vector<16xf32>,
        %mul3A_801 = arith.mulf %get3A_800, %gather3A_795 : vector<16xf32>
        %add3A_802 = arith.constant 8 : i32
        %add3A_803 = arith.addi %mul3A_512, %add3A_802 : i32
        %swap3A_804 = arith.index_cast %add3A_803 : i32 to index
        %swap3A_805 = arith.constant 0 : index
        %swap3A_806 = tpu.vector_load %arg7[%swap3A_804, %swap3A_805] {strides = array<i32>} : memref<704x40xf32, #tpu.memory_space<vmem>>, vector<16xf32>,
        tpu.vector_store %arg7[%swap3A_804, %swap3A_805], %mul3A_801 {strides = array<i32>} : memref<704x40xf32, #tpu.memory_space<vmem>>, vector<16xf32>,
        %add3A_807 = arith.constant 8 : i32
        %add3A_808 = arith.addi %mul3A_512, %add3A_807 : i32
        %get3A_809 = arith.index_cast %add3A_808 : i32 to index
        %get3A_810 = arith.constant 16 : index
        %get3A_811 = tpu.vector_load %arg5[%get3A_809, %get3A_810] {strides = array<i32>} : memref<704x40xf32, #tpu.memory_space<vmem>>, vector<16xf32>,
        %mul3A_812 = arith.mulf %get3A_811, %gather3A_795 : vector<16xf32>
        %add3A_813 = arith.constant 8 : i32
        %add3A_814 = arith.addi %mul3A_512, %add3A_813 : i32
        %swap3A_815 = arith.index_cast %add3A_814 : i32 to index
        %swap3A_816 = arith.constant 16 : index
        %swap3A_817 = tpu.vector_load %arg7[%swap3A_815, %swap3A_816] {strides = array<i32>} : memref<704x40xf32, #tpu.memory_space<vmem>>, vector<16xf32>,
        tpu.vector_store %arg7[%swap3A_815, %swap3A_816], %mul3A_812 {strides = array<i32>} : memref<704x40xf32, #tpu.memory_space<vmem>>, vector<16xf32>,
        %add3A_818 = arith.constant 8 : i32
        %add3A_819 = arith.addi %mul3A_512, %add3A_818 : i32
        %get3A_820 = arith.index_cast %add3A_819 : i32 to index
        %get3A_821 = arith.constant 24 : index
        %get3A_822 = tpu.vector_load %arg5[%get3A_820, %get3A_821] {strides = array<i32>} : memref<704x40xf32, #tpu.memory_space<vmem>>, vector<16xf32>,
        %mul3A_823 = arith.mulf %get3A_822, %gather3A_795 : vector<16xf32>
        %add3A_824 = arith.constant 8 : i32
        %add3A_825 = arith.addi %mul3A_512, %add3A_824 : i32
        %swap3A_826 = arith.index_cast %add3A_825 : i32 to index
        %swap3A_827 = arith.constant 24 : index
        %swap3A_828 = tpu.vector_load %arg7[%swap3A_826, %swap3A_827] {strides = array<i32>} : memref<704x40xf32, #tpu.memory_space<vmem>>, vector<16xf32>,
        tpu.vector_store %arg7[%swap3A_826, %swap3A_827], %mul3A_823 {strides = array<i32>} : memref<704x40xf32, #tpu.memory_space<vmem>>, vector<16xf32>,
        %gather3A_829 = vector.shape_cast %broadcast_in_dim3A_28 : vector<16x1xi32> to vector<16xi32>
        %gather3A_830 = tpu.dynamic_gather %bitcast3A[%gather3A_829] in [0] : vector<16xf32>, vector<16xi32> -> vector<16xf32>
        %add3A_831 = arith.constant 9 : i32
        %add3A_832 = arith.addi %mul3A_512, %add3A_831 : i32
        %get3A_833 = arith.index_cast %add3A_832 : i32 to index
        %get3A_834 = arith.constant 0 : index
        %get3A_835 = tpu.vector_load %arg5[%get3A_833, %get3A_834] {strides = array<i32>} : memref<704x40xf32, #tpu.memory_space<vmem>>, vector<16xf32>,
        %mul3A_836 = arith.mulf %get3A_835, %gather3A_830 : vector<16xf32>
        %add3A_837 = arith.constant 9 : i32
        %add3A_838 = arith.addi %mul3A_512, %add3A_837 : i32
        %swap3A_839 = arith.index_cast %add3A_838 : i32 to index
        %swap3A_840 = arith.constant 0 : index
        %swap3A_841 = tpu.vector_load %arg7[%swap3A_839, %swap3A_840] {strides = array<i32>} : memref<704x40xf32, #tpu.memory_space<vmem>>, vector<16xf32>,
        tpu.vector_store %arg7[%swap3A_839, %swap3A_840], %mul3A_836 {strides = array<i32>} : memref<704x40xf32, #tpu.memory_space<vmem>>, vector<16xf32>,
        %add3A_842 = arith.constant 9 : i32
        %add3A_843 = arith.addi %mul3A_512, %add3A_842 : i32
        %get3A_844 = arith.index_cast %add3A_843 : i32 to index
        %get3A_845 = arith.constant 16 : index
        %get3A_846 = tpu.vector_load %arg5[%get3A_844, %get3A_845] {strides = array<i32>} : memref<704x40xf32, #tpu.memory_space<vmem>>, vector<16xf32>,
        %mul3A_847 = arith.mulf %get3A_846, %gather3A_830 : vector<16xf32>
        %add3A_848 = arith.constant 9 : i32
        %add3A_849 = arith.addi %mul3A_512, %add3A_848 : i32
        %swap3A_850 = arith.index_cast %add3A_849 : i32 to index
        %swap3A_851 = arith.constant 16 : index
        %swap3A_852 = tpu.vector_load %arg7[%swap3A_850, %swap3A_851] {strides = array<i32>} : memref<704x40xf32, #tpu.memory_space<vmem>>, vector<16xf32>,
        tpu.vector_store %arg7[%swap3A_850, %swap3A_851], %mul3A_847 {strides = array<i32>} : memref<704x40xf32, #tpu.memory_space<vmem>>, vector<16xf32>,
        %add3A_853 = arith.constant 9 : i32
        %add3A_854 = arith.addi %mul3A_512, %add3A_853 : i32
        %get3A_855 = arith.index_cast %add3A_854 : i32 to index
        %get3A_856 = arith.constant 24 : index
        %get3A_857 = tpu.vector_load %arg5[%get3A_855, %get3A_856] {strides = array<i32>} : memref<704x40xf32, #tpu.memory_space<vmem>>, vector<16xf32>,
        %mul3A_858 = arith.mulf %get3A_857, %gather3A_830 : vector<16xf32>
        %add3A_859 = arith.constant 9 : i32
        %add3A_860 = arith.addi %mul3A_512, %add3A_859 : i32
        %swap3A_861 = arith.index_cast %add3A_860 : i32 to index
        %swap3A_862 = arith.constant 24 : index
        %swap3A_863 = tpu.vector_load %arg7[%swap3A_861, %swap3A_862] {strides = array<i32>} : memref<704x40xf32, #tpu.memory_space<vmem>>, vector<16xf32>,
        tpu.vector_store %arg7[%swap3A_861, %swap3A_862], %mul3A_858 {strides = array<i32>} : memref<704x40xf32, #tpu.memory_space<vmem>>, vector<16xf32>,
        %gather3A_864 = vector.shape_cast %broadcast_in_dim3A_30 : vector<16x1xi32> to vector<16xi32>
        %gather3A_865 = tpu.dynamic_gather %bitcast3A[%gather3A_864] in [0] : vector<16xf32>, vector<16xi32> -> vector<16xf32>
        %add3A_866 = arith.constant 10 : i32
        %add3A_867 = arith.addi %mul3A_512, %add3A_866 : i32
        %get3A_868 = arith.index_cast %add3A_867 : i32 to index
        %get3A_869 = arith.constant 0 : index
        %get3A_870 = tpu.vector_load %arg5[%get3A_868, %get3A_869] {strides = array<i32>} : memref<704x40xf32, #tpu.memory_space<vmem>>, vector<16xf32>,
        %mul3A_871 = arith.mulf %get3A_870, %gather3A_865 : vector<16xf32>
        %add3A_872 = arith.constant 10 : i32
        %add3A_873 = arith.addi %mul3A_512, %add3A_872 : i32
        %swap3A_874 = arith.index_cast %add3A_873 : i32 to index
        %swap3A_875 = arith.constant 0 : index
        %swap3A_876 = tpu.vector_load %arg7[%swap3A_874, %swap3A_875] {strides = array<i32>} : memref<704x40xf32, #tpu.memory_space<vmem>>, vector<16xf32>,
        tpu.vector_store %arg7[%swap3A_874, %swap3A_875], %mul3A_871 {strides = array<i32>} : memref<704x40xf32, #tpu.memory_space<vmem>>, vector<16xf32>,
        %add3A_877 = arith.constant 10 : i32
        %add3A_878 = arith.addi %mul3A_512, %add3A_877 : i32
        %get3A_879 = arith.index_cast %add3A_878 : i32 to index
        %get3A_880 = arith.constant 16 : index
        %get3A_881 = tpu.vector_load %arg5[%get3A_879, %get3A_880] {strides = array<i32>} : memref<704x40xf32, #tpu.memory_space<vmem>>, vector<16xf32>,
        %mul3A_882 = arith.mulf %get3A_881, %gather3A_865 : vector<16xf32>
        %add3A_883 = arith.constant 10 : i32
        %add3A_884 = arith.addi %mul3A_512, %add3A_883 : i32
        %swap3A_885 = arith.index_cast %add3A_884 : i32 to index
        %swap3A_886 = arith.constant 16 : index
        %swap3A_887 = tpu.vector_load %arg7[%swap3A_885, %swap3A_886] {strides = array<i32>} : memref<704x40xf32, #tpu.memory_space<vmem>>, vector<16xf32>,
        tpu.vector_store %arg7[%swap3A_885, %swap3A_886], %mul3A_882 {strides = array<i32>} : memref<704x40xf32, #tpu.memory_space<vmem>>, vector<16xf32>,
        %add3A_888 = arith.constant 10 : i32
        %add3A_889 = arith.addi %mul3A_512, %add3A_888 : i32
        %get3A_890 = arith.index_cast %add3A_889 : i32 to index
        %get3A_891 = arith.constant 24 : index
        %get3A_892 = tpu.vector_load %arg5[%get3A_890, %get3A_891] {strides = array<i32>} : memref<704x40xf32, #tpu.memory_space<vmem>>, vector<16xf32>,
        %mul3A_893 = arith.mulf %get3A_892, %gather3A_865 : vector<16xf32>
        %add3A_894 = arith.constant 10 : i32
        %add3A_895 = arith.addi %mul3A_512, %add3A_894 : i32
        %swap3A_896 = arith.index_cast %add3A_895 : i32 to index
        %swap3A_897 = arith.constant 24 : index
        %swap3A_898 = tpu.vector_load %arg7[%swap3A_896, %swap3A_897] {strides = array<i32>} : memref<704x40xf32, #tpu.memory_space<vmem>>, vector<16xf32>,
        tpu.vector_store %arg7[%swap3A_896, %swap3A_897], %mul3A_893 {strides = array<i32>} : memref<704x40xf32, #tpu.memory_space<vmem>>, vector<16xf32>,
        %gather3A_899 = vector.shape_cast %broadcast_in_dim3A_32 : vector<16x1xi32> to vector<16xi32>
        %gather3A_900 = tpu.dynamic_gather %bitcast3A[%gather3A_899] in [0] : vector<16xf32>, vector<16xi32> -> vector<16xf32>
        %add3A_901 = arith.constant 11 : i32
        %add3A_902 = arith.addi %mul3A_512, %add3A_901 : i32
        %get3A_903 = arith.index_cast %add3A_902 : i32 to index
        %get3A_904 = arith.constant 0 : index
        %get3A_905 = tpu.vector_load %arg5[%get3A_903, %get3A_904] {strides = array<i32>} : memref<704x40xf32, #tpu.memory_space<vmem>>, vector<16xf32>,
        %mul3A_906 = arith.mulf %get3A_905, %gather3A_900 : vector<16xf32>
        %add3A_907 = arith.constant 11 : i32
        %add3A_908 = arith.addi %mul3A_512, %add3A_907 : i32
        %swap3A_909 = arith.index_cast %add3A_908 : i32 to index
        %swap3A_910 = arith.constant 0 : index
        %swap3A_911 = tpu.vector_load %arg7[%swap3A_909, %swap3A_910] {strides = array<i32>} : memref<704x40xf32, #tpu.memory_space<vmem>>, vector<16xf32>,
        tpu.vector_store %arg7[%swap3A_909, %swap3A_910], %mul3A_906 {strides = array<i32>} : memref<704x40xf32, #tpu.memory_space<vmem>>, vector<16xf32>,
        %add3A_912 = arith.constant 11 : i32
        %add3A_913 = arith.addi %mul3A_512, %add3A_912 : i32
        %get3A_914 = arith.index_cast %add3A_913 : i32 to index
        %get3A_915 = arith.constant 16 : index
        %get3A_916 = tpu.vector_load %arg5[%get3A_914, %get3A_915] {strides = array<i32>} : memref<704x40xf32, #tpu.memory_space<vmem>>, vector<16xf32>,
        %mul3A_917 = arith.mulf %get3A_916, %gather3A_900 : vector<16xf32>
        %add3A_918 = arith.constant 11 : i32
        %add3A_919 = arith.addi %mul3A_512, %add3A_918 : i32
        %swap3A_920 = arith.index_cast %add3A_919 : i32 to index
        %swap3A_921 = arith.constant 16 : index
        %swap3A_922 = tpu.vector_load %arg7[%swap3A_920, %swap3A_921] {strides = array<i32>} : memref<704x40xf32, #tpu.memory_space<vmem>>, vector<16xf32>,
        tpu.vector_store %arg7[%swap3A_920, %swap3A_921], %mul3A_917 {strides = array<i32>} : memref<704x40xf32, #tpu.memory_space<vmem>>, vector<16xf32>,
        %add3A_923 = arith.constant 11 : i32
        %add3A_924 = arith.addi %mul3A_512, %add3A_923 : i32
        %get3A_925 = arith.index_cast %add3A_924 : i32 to index
        %get3A_926 = arith.constant 24 : index
        %get3A_927 = tpu.vector_load %arg5[%get3A_925, %get3A_926] {strides = array<i32>} : memref<704x40xf32, #tpu.memory_space<vmem>>, vector<16xf32>,
        %mul3A_928 = arith.mulf %get3A_927, %gather3A_900 : vector<16xf32>
        %add3A_929 = arith.constant 11 : i32
        %add3A_930 = arith.addi %mul3A_512, %add3A_929 : i32
        %swap3A_931 = arith.index_cast %add3A_930 : i32 to index
        %swap3A_932 = arith.constant 24 : index
        %swap3A_933 = tpu.vector_load %arg7[%swap3A_931, %swap3A_932] {strides = array<i32>} : memref<704x40xf32, #tpu.memory_space<vmem>>, vector<16xf32>,
        tpu.vector_store %arg7[%swap3A_931, %swap3A_932], %mul3A_928 {strides = array<i32>} : memref<704x40xf32, #tpu.memory_space<vmem>>, vector<16xf32>,
        %gather3A_934 = vector.shape_cast %broadcast_in_dim3A_34 : vector<16x1xi32> to vector<16xi32>
        %gather3A_935 = tpu.dynamic_gather %bitcast3A[%gather3A_934] in [0] : vector<16xf32>, vector<16xi32> -> vector<16xf32>
        %add3A_936 = arith.constant 12 : i32
        %add3A_937 = arith.addi %mul3A_512, %add3A_936 : i32
        %get3A_938 = arith.index_cast %add3A_937 : i32 to index
        %get3A_939 = arith.constant 0 : index
        %get3A_940 = tpu.vector_load %arg5[%get3A_938, %get3A_939] {strides = array<i32>} : memref<704x40xf32, #tpu.memory_space<vmem>>, vector<16xf32>,
        %mul3A_941 = arith.mulf %get3A_940, %gather3A_935 : vector<16xf32>
        %add3A_942 = arith.constant 12 : i32
        %add3A_943 = arith.addi %mul3A_512, %add3A_942 : i32
        %swap3A_944 = arith.index_cast %add3A_943 : i32 to index
        %swap3A_945 = arith.constant 0 : index
        %swap3A_946 = tpu.vector_load %arg7[%swap3A_944, %swap3A_945] {strides = array<i32>} : memref<704x40xf32, #tpu.memory_space<vmem>>, vector<16xf32>,
        tpu.vector_store %arg7[%swap3A_944, %swap3A_945], %mul3A_941 {strides = array<i32>} : memref<704x40xf32, #tpu.memory_space<vmem>>, vector<16xf32>,
        %add3A_947 = arith.constant 12 : i32
        %add3A_948 = arith.addi %mul3A_512, %add3A_947 : i32
        %get3A_949 = arith.index_cast %add3A_948 : i32 to index
        %get3A_950 = arith.constant 16 : index
        %get3A_951 = tpu.vector_load %arg5[%get3A_949, %get3A_950] {strides = array<i32>} : memref<704x40xf32, #tpu.memory_space<vmem>>, vector<16xf32>,
        %mul3A_952 = arith.mulf %get3A_951, %gather3A_935 : vector<16xf32>
        %add3A_953 = arith.constant 12 : i32
        %add3A_954 = arith.addi %mul3A_512, %add3A_953 : i32
        %swap3A_955 = arith.index_cast %add3A_954 : i32 to index
        %swap3A_956 = arith.constant 16 : index
        %swap3A_957 = tpu.vector_load %arg7[%swap3A_955, %swap3A_956] {strides = array<i32>} : memref<704x40xf32, #tpu.memory_space<vmem>>, vector<16xf32>,
        tpu.vector_store %arg7[%swap3A_955, %swap3A_956], %mul3A_952 {strides = array<i32>} : memref<704x40xf32, #tpu.memory_space<vmem>>, vector<16xf32>,
        %add3A_958 = arith.constant 12 : i32
        %add3A_959 = arith.addi %mul3A_512, %add3A_958 : i32
        %get3A_960 = arith.index_cast %add3A_959 : i32 to index
        %get3A_961 = arith.constant 24 : index
        %get3A_962 = tpu.vector_load %arg5[%get3A_960, %get3A_961] {strides = array<i32>} : memref<704x40xf32, #tpu.memory_space<vmem>>, vector<16xf32>,
        %mul3A_963 = arith.mulf %get3A_962, %gather3A_935 : vector<16xf32>
        %add3A_964 = arith.constant 12 : i32
        %add3A_965 = arith.addi %mul3A_512, %add3A_964 : i32
        %swap3A_966 = arith.index_cast %add3A_965 : i32 to index
        %swap3A_967 = arith.constant 24 : index
        %swap3A_968 = tpu.vector_load %arg7[%swap3A_966, %swap3A_967] {strides = array<i32>} : memref<704x40xf32, #tpu.memory_space<vmem>>, vector<16xf32>,
        tpu.vector_store %arg7[%swap3A_966, %swap3A_967], %mul3A_963 {strides = array<i32>} : memref<704x40xf32, #tpu.memory_space<vmem>>, vector<16xf32>,
        %gather3A_969 = vector.shape_cast %broadcast_in_dim3A_36 : vector<16x1xi32> to vector<16xi32>
        %gather3A_970 = tpu.dynamic_gather %bitcast3A[%gather3A_969] in [0] : vector<16xf32>, vector<16xi32> -> vector<16xf32>
        %add3A_971 = arith.constant 13 : i32
        %add3A_972 = arith.addi %mul3A_512, %add3A_971 : i32
        %get3A_973 = arith.index_cast %add3A_972 : i32 to index
        %get3A_974 = arith.constant 0 : index
        %get3A_975 = tpu.vector_load %arg5[%get3A_973, %get3A_974] {strides = array<i32>} : memref<704x40xf32, #tpu.memory_space<vmem>>, vector<16xf32>,
        %mul3A_976 = arith.mulf %get3A_975, %gather3A_970 : vector<16xf32>
        %add3A_977 = arith.constant 13 : i32
        %add3A_978 = arith.addi %mul3A_512, %add3A_977 : i32
        %swap3A_979 = arith.index_cast %add3A_978 : i32 to index
        %swap3A_980 = arith.constant 0 : index
        %swap3A_981 = tpu.vector_load %arg7[%swap3A_979, %swap3A_980] {strides = array<i32>} : memref<704x40xf32, #tpu.memory_space<vmem>>, vector<16xf32>,
        tpu.vector_store %arg7[%swap3A_979, %swap3A_980], %mul3A_976 {strides = array<i32>} : memref<704x40xf32, #tpu.memory_space<vmem>>, vector<16xf32>,
        %add3A_982 = arith.constant 13 : i32
        %add3A_983 = arith.addi %mul3A_512, %add3A_982 : i32
        %get3A_984 = arith.index_cast %add3A_983 : i32 to index
        %get3A_985 = arith.constant 16 : index
        %get3A_986 = tpu.vector_load %arg5[%get3A_984, %get3A_985] {strides = array<i32>} : memref<704x40xf32, #tpu.memory_space<vmem>>, vector<16xf32>,
        %mul3A_987 = arith.mulf %get3A_986, %gather3A_970 : vector<16xf32>
        %add3A_988 = arith.constant 13 : i32
        %add3A_989 = arith.addi %mul3A_512, %add3A_988 : i32
        %swap3A_990 = arith.index_cast %add3A_989 : i32 to index
        %swap3A_991 = arith.constant 16 : index
        %swap3A_992 = tpu.vector_load %arg7[%swap3A_990, %swap3A_991] {strides = array<i32>} : memref<704x40xf32, #tpu.memory_space<vmem>>, vector<16xf32>,
        tpu.vector_store %arg7[%swap3A_990, %swap3A_991], %mul3A_987 {strides = array<i32>} : memref<704x40xf32, #tpu.memory_space<vmem>>, vector<16xf32>,
        %add3A_993 = arith.constant 13 : i32
        %add3A_994 = arith.addi %mul3A_512, %add3A_993 : i32
        %get3A_995 = arith.index_cast %add3A_994 : i32 to index
        %get3A_996 = arith.constant 24 : index
        %get3A_997 = tpu.vector_load %arg5[%get3A_995, %get3A_996] {strides = array<i32>} : memref<704x40xf32, #tpu.memory_space<vmem>>, vector<16xf32>,
        %mul3A_998 = arith.mulf %get3A_997, %gather3A_970 : vector<16xf32>
        %add3A_999 = arith.constant 13 : i32
        %add3A_1000 = arith.addi %mul3A_512, %add3A_999 : i32
        %swap3A_1001 = arith.index_cast %add3A_1000 : i32 to index
        %swap3A_1002 = arith.constant 24 : index
        %swap3A_1003 = tpu.vector_load %arg7[%swap3A_1001, %swap3A_1002] {strides = array<i32>} : memref<704x40xf32, #tpu.memory_space<vmem>>, vector<16xf32>,
        tpu.vector_store %arg7[%swap3A_1001, %swap3A_1002], %mul3A_998 {strides = array<i32>} : memref<704x40xf32, #tpu.memory_space<vmem>>, vector<16xf32>,
        %gather3A_1004 = vector.shape_cast %broadcast_in_dim3A_38 : vector<16x1xi32> to vector<16xi32>
        %gather3A_1005 = tpu.dynamic_gather %bitcast3A[%gather3A_1004] in [0] : vector<16xf32>, vector<16xi32> -> vector<16xf32>
        %add3A_1006 = arith.constant 14 : i32
        %add3A_1007 = arith.addi %mul3A_512, %add3A_1006 : i32
        %get3A_1008 = arith.index_cast %add3A_1007 : i32 to index
        %get3A_1009 = arith.constant 0 : index
        %get3A_1010 = tpu.vector_load %arg5[%get3A_1008, %get3A_1009] {strides = array<i32>} : memref<704x40xf32, #tpu.memory_space<vmem>>, vector<16xf32>,
        %mul3A_1011 = arith.mulf %get3A_1010, %gather3A_1005 : vector<16xf32>
        %add3A_1012 = arith.constant 14 : i32
        %add3A_1013 = arith.addi %mul3A_512, %add3A_1012 : i32
        %swap3A_1014 = arith.index_cast %add3A_1013 : i32 to index
        %swap3A_1015 = arith.constant 0 : index
        %swap3A_1016 = tpu.vector_load %arg7[%swap3A_1014, %swap3A_1015] {strides = array<i32>} : memref<704x40xf32, #tpu.memory_space<vmem>>, vector<16xf32>,
        tpu.vector_store %arg7[%swap3A_1014, %swap3A_1015], %mul3A_1011 {strides = array<i32>} : memref<704x40xf32, #tpu.memory_space<vmem>>, vector<16xf32>,
        %add3A_1017 = arith.constant 14 : i32
        %add3A_1018 = arith.addi %mul3A_512, %add3A_1017 : i32
        %get3A_1019 = arith.index_cast %add3A_1018 : i32 to index
        %get3A_1020 = arith.constant 16 : index
        %get3A_1021 = tpu.vector_load %arg5[%get3A_1019, %get3A_1020] {strides = array<i32>} : memref<704x40xf32, #tpu.memory_space<vmem>>, vector<16xf32>,
        %mul3A_1022 = arith.mulf %get3A_1021, %gather3A_1005 : vector<16xf32>
        %add3A_1023 = arith.constant 14 : i32
        %add3A_1024 = arith.addi %mul3A_512, %add3A_1023 : i32
        %swap3A_1025 = arith.index_cast %add3A_1024 : i32 to index
        %swap3A_1026 = arith.constant 16 : index
        %swap3A_1027 = tpu.vector_load %arg7[%swap3A_1025, %swap3A_1026] {strides = array<i32>} : memref<704x40xf32, #tpu.memory_space<vmem>>, vector<16xf32>,
        tpu.vector_store %arg7[%swap3A_1025, %swap3A_1026], %mul3A_1022 {strides = array<i32>} : memref<704x40xf32, #tpu.memory_space<vmem>>, vector<16xf32>,
        %add3A_1028 = arith.constant 14 : i32
        %add3A_1029 = arith.addi %mul3A_512, %add3A_1028 : i32
        %get3A_1030 = arith.index_cast %add3A_1029 : i32 to index
        %get3A_1031 = arith.constant 24 : index
        %get3A_1032 = tpu.vector_load %arg5[%get3A_1030, %get3A_1031] {strides = array<i32>} : memref<704x40xf32, #tpu.memory_space<vmem>>, vector<16xf32>,
        %mul3A_1033 = arith.mulf %get3A_1032, %gather3A_1005 : vector<16xf32>
        %add3A_1034 = arith.constant 14 : i32
        %add3A_1035 = arith.addi %mul3A_512, %add3A_1034 : i32
        %swap3A_1036 = arith.index_cast %add3A_1035 : i32 to index
        %swap3A_1037 = arith.constant 24 : index
        %swap3A_1038 = tpu.vector_load %arg7[%swap3A_1036, %swap3A_1037] {strides = array<i32>} : memref<704x40xf32, #tpu.memory_space<vmem>>, vector<16xf32>,
        tpu.vector_store %arg7[%swap3A_1036, %swap3A_1037], %mul3A_1033 {strides = array<i32>} : memref<704x40xf32, #tpu.memory_space<vmem>>, vector<16xf32>,
        %gather3A_1039 = vector.shape_cast %broadcast_in_dim3A_40 : vector<16x1xi32> to vector<16xi32>
        %gather3A_1040 = tpu.dynamic_gather %bitcast3A[%gather3A_1039] in [0] : vector<16xf32>, vector<16xi32> -> vector<16xf32>
        %add3A_1041 = arith.constant 15 : i32
        %add3A_1042 = arith.addi %mul3A_512, %add3A_1041 : i32
        %get3A_1043 = arith.index_cast %add3A_1042 : i32 to index
        %get3A_1044 = arith.constant 0 : index
        %get3A_1045 = tpu.vector_load %arg5[%get3A_1043, %get3A_1044] {strides = array<i32>} : memref<704x40xf32, #tpu.memory_space<vmem>>, vector<16xf32>,
        %mul3A_1046 = arith.mulf %get3A_1045, %gather3A_1040 : vector<16xf32>
        %add3A_1047 = arith.constant 15 : i32
        %add3A_1048 = arith.addi %mul3A_512, %add3A_1047 : i32
        %swap3A_1049 = arith.index_cast %add3A_1048 : i32 to index
        %swap3A_1050 = arith.constant 0 : index
        %swap3A_1051 = tpu.vector_load %arg7[%swap3A_1049, %swap3A_1050] {strides = array<i32>} : memref<704x40xf32, #tpu.memory_space<vmem>>, vector<16xf32>,
        tpu.vector_store %arg7[%swap3A_1049, %swap3A_1050], %mul3A_1046 {strides = array<i32>} : memref<704x40xf32, #tpu.memory_space<vmem>>, vector<16xf32>,
        %add3A_1052 = arith.constant 15 : i32
        %add3A_1053 = arith.addi %mul3A_512, %add3A_1052 : i32
        %get3A_1054 = arith.index_cast %add3A_1053 : i32 to index
        %get3A_1055 = arith.constant 16 : index
        %get3A_1056 = tpu.vector_load %arg5[%get3A_1054, %get3A_1055] {strides = array<i32>} : memref<704x40xf32, #tpu.memory_space<vmem>>, vector<16xf32>,
        %mul3A_1057 = arith.mulf %get3A_1056, %gather3A_1040 : vector<16xf32>
        %add3A_1058 = arith.constant 15 : i32
        %add3A_1059 = arith.addi %mul3A_512, %add3A_1058 : i32
        %swap3A_1060 = arith.index_cast %add3A_1059 : i32 to index
        %swap3A_1061 = arith.constant 16 : index
        %swap3A_1062 = tpu.vector_load %arg7[%swap3A_1060, %swap3A_1061] {strides = array<i32>} : memref<704x40xf32, #tpu.memory_space<vmem>>, vector<16xf32>,
        tpu.vector_store %arg7[%swap3A_1060, %swap3A_1061], %mul3A_1057 {strides = array<i32>} : memref<704x40xf32, #tpu.memory_space<vmem>>, vector<16xf32>,
        %add3A_1063 = arith.constant 15 : i32
        %add3A_1064 = arith.addi %mul3A_512, %add3A_1063 : i32
        %get3A_1065 = arith.index_cast %add3A_1064 : i32 to index
        %get3A_1066 = arith.constant 24 : index
        %get3A_1067 = tpu.vector_load %arg5[%get3A_1065, %get3A_1066] {strides = array<i32>} : memref<704x40xf32, #tpu.memory_space<vmem>>, vector<16xf32>,
        %mul3A_1068 = arith.mulf %get3A_1067, %gather3A_1040 : vector<16xf32>
        %add3A_1069 = arith.constant 15 : i32
        %add3A_1070 = arith.addi %mul3A_512, %add3A_1069 : i32
        %swap3A_1071 = arith.index_cast %add3A_1070 : i32 to index
        %swap3A_1072 = arith.constant 24 : index
        %swap3A_1073 = tpu.vector_load %arg7[%swap3A_1071, %swap3A_1072] {strides = array<i32>} : memref<704x40xf32, #tpu.memory_space<vmem>>, vector<16xf32>,
        tpu.vector_store %arg7[%swap3A_1071, %swap3A_1072], %mul3A_1068 {strides = array<i32>} : memref<704x40xf32, #tpu.memory_space<vmem>>, vector<16xf32>,
        %scan3A_1074 = arith.constant 0 : i32
        scf.yield %scan3A_1074 : i32
      }
      %scan3A_423 = arith.constant 44 : i32
      %dma_start3A_424 = arith.constant 0 : i32
      %dma_start3A_425 = arith.constant 0 : i32
      %dma_start3A_426 = arith.constant 0 : i32
      %dma_start3A_427 = tpu.memref_slice %arg7[%dma_start3A_425, %dma_start3A_426] : memref<704x40xf32, #tpu.memory_space<vmem>> -> memref<88x40xf32, #tpu.memory_space<vmem>>
      %dma_start3A_428 = arith.constant 0 : i32
      %dma_start3A_429 = tpu.memref_slice %arg11[%dma_start3A_424, %dma_start3A_428] : memref<8x88xi32, #tpu.memory_space<vmem>> -> memref<1x88xi32, #tpu.memory_space<vmem>>
      %dma_start3A_430 = tpu.memref_squeeze %dma_start3A_429 : memref<1x88xi32, #tpu.memory_space<vmem>> -> memref<88xi32, #tpu.memory_space<vmem>>
      %dma_start3A_431 = arith.constant 0 : i32
      %dma_start3A_432 = arith.constant 0 : i32
      %dma_start3A_433 = tpu.memref_slice %arg12[%dma_start3A_431, %dma_start3A_432] : memref<16384x40xf32, #tpu.memory_space<vmem_shared>> -> memref<16384x40xf32, #tpu.memory_space<vmem_shared>>
      tpu.enqueue_indirect_dma source(%dma_start3A_427 : memref<88x40xf32, #tpu.memory_space<vmem>>) target(%dma_start3A_433 : memref<16384x40xf32, #tpu.memory_space<vmem_shared>>) offsets(%dma_start3A_430 : memref<88xi32, #tpu.memory_space<vmem>>) semaphore(%arg14 : memref<!tpu.dma_semaphore, #tpu.memory_space<semaphore_mem>>) {add = true}
      %dma_start3A_434 = arith.constant 1 : i32
      %dma_start3A_435 = arith.constant 88 : i32
      %dma_start3A_436 = arith.constant 0 : i32
      %dma_start3A_437 = tpu.memref_slice %arg7[%dma_start3A_435, %dma_start3A_436] : memref<704x40xf32, #tpu.memory_space<vmem>> -> memref<88x40xf32, #tpu.memory_space<vmem>>
      %dma_start3A_438 = arith.constant 0 : i32
      %dma_start3A_439 = tpu.memref_slice %arg11[%dma_start3A_434, %dma_start3A_438] : memref<8x88xi32, #tpu.memory_space<vmem>> -> memref<1x88xi32, #tpu.memory_space<vmem>>
      %dma_start3A_440 = tpu.memref_squeeze %dma_start3A_439 : memref<1x88xi32, #tpu.memory_space<vmem>> -> memref<88xi32, #tpu.memory_space<vmem>>
      %dma_start3A_441 = arith.constant 0 : i32
      %dma_start3A_442 = arith.constant 0 : i32
      %dma_start3A_443 = tpu.memref_slice %arg12[%dma_start3A_441, %dma_start3A_442] : memref<16384x40xf32, #tpu.memory_space<vmem_shared>> -> memref<16384x40xf32, #tpu.memory_space<vmem_shared>>
      tpu.enqueue_indirect_dma source(%dma_start3A_437 : memref<88x40xf32, #tpu.memory_space<vmem>>) target(%dma_start3A_443 : memref<16384x40xf32, #tpu.memory_space<vmem_shared>>) offsets(%dma_start3A_440 : memref<88xi32, #tpu.memory_space<vmem>>) semaphore(%arg14 : memref<!tpu.dma_semaphore, #tpu.memory_space<semaphore_mem>>) {add = true}
      %dma_start3A_444 = arith.constant 2 : i32
      %dma_start3A_445 = arith.constant 176 : i32
      %dma_start3A_446 = arith.constant 0 : i32
      %dma_start3A_447 = tpu.memref_slice %arg7[%dma_start3A_445, %dma_start3A_446] : memref<704x40xf32, #tpu.memory_space<vmem>> -> memref<88x40xf32, #tpu.memory_space<vmem>>
      %dma_start3A_448 = arith.constant 0 : i32
      %dma_start3A_449 = tpu.memref_slice %arg11[%dma_start3A_444, %dma_start3A_448] : memref<8x88xi32, #tpu.memory_space<vmem>> -> memref<1x88xi32, #tpu.memory_space<vmem>>
      %dma_start3A_450 = tpu.memref_squeeze %dma_start3A_449 : memref<1x88xi32, #tpu.memory_space<vmem>> -> memref<88xi32, #tpu.memory_space<vmem>>
      %dma_start3A_451 = arith.constant 0 : i32
      %dma_start3A_452 = arith.constant 0 : i32
      %dma_start3A_453 = tpu.memref_slice %arg12[%dma_start3A_451, %dma_start3A_452] : memref<16384x40xf32, #tpu.memory_space<vmem_shared>> -> memref<16384x40xf32, #tpu.memory_space<vmem_shared>>
      tpu.enqueue_indirect_dma source(%dma_start3A_447 : memref<88x40xf32, #tpu.memory_space<vmem>>) target(%dma_start3A_453 : memref<16384x40xf32, #tpu.memory_space<vmem_shared>>) offsets(%dma_start3A_450 : memref<88xi32, #tpu.memory_space<vmem>>) semaphore(%arg14 : memref<!tpu.dma_semaphore, #tpu.memory_space<semaphore_mem>>) {add = true}
      %dma_start3A_454 = arith.constant 3 : i32
      %dma_start3A_455 = arith.constant 264 : i32
      %dma_start3A_456 = arith.constant 0 : i32
      %dma_start3A_457 = tpu.memref_slice %arg7[%dma_start3A_455, %dma_start3A_456] : memref<704x40xf32, #tpu.memory_space<vmem>> -> memref<88x40xf32, #tpu.memory_space<vmem>>
      %dma_start3A_458 = arith.constant 0 : i32
      %dma_start3A_459 = tpu.memref_slice %arg11[%dma_start3A_454, %dma_start3A_458] : memref<8x88xi32, #tpu.memory_space<vmem>> -> memref<1x88xi32, #tpu.memory_space<vmem>>
      %dma_start3A_460 = tpu.memref_squeeze %dma_start3A_459 : memref<1x88xi32, #tpu.memory_space<vmem>> -> memref<88xi32, #tpu.memory_space<vmem>>
      %dma_start3A_461 = arith.constant 0 : i32
      %dma_start3A_462 = arith.constant 0 : i32
      %dma_start3A_463 = tpu.memref_slice %arg12[%dma_start3A_461, %dma_start3A_462] : memref<16384x40xf32, #tpu.memory_space<vmem_shared>> -> memref<16384x40xf32, #tpu.memory_space<vmem_shared>>
      tpu.enqueue_indirect_dma source(%dma_start3A_457 : memref<88x40xf32, #tpu.memory_space<vmem>>) target(%dma_start3A_463 : memref<16384x40xf32, #tpu.memory_space<vmem_shared>>) offsets(%dma_start3A_460 : memref<88xi32, #tpu.memory_space<vmem>>) semaphore(%arg14 : memref<!tpu.dma_semaphore, #tpu.memory_space<semaphore_mem>>) {add = true}
      %dma_start3A_464 = arith.constant 4 : i32
      %dma_start3A_465 = arith.constant 352 : i32
      %dma_start3A_466 = arith.constant 0 : i32
      %dma_start3A_467 = tpu.memref_slice %arg7[%dma_start3A_465, %dma_start3A_466] : memref<704x40xf32, #tpu.memory_space<vmem>> -> memref<88x40xf32, #tpu.memory_space<vmem>>
      %dma_start3A_468 = arith.constant 0 : i32
      %dma_start3A_469 = tpu.memref_slice %arg11[%dma_start3A_464, %dma_start3A_468] : memref<8x88xi32, #tpu.memory_space<vmem>> -> memref<1x88xi32, #tpu.memory_space<vmem>>
      %dma_start3A_470 = tpu.memref_squeeze %dma_start3A_469 : memref<1x88xi32, #tpu.memory_space<vmem>> -> memref<88xi32, #tpu.memory_space<vmem>>
      %dma_start3A_471 = arith.constant 0 : i32
      %dma_start3A_472 = arith.constant 0 : i32
      %dma_start3A_473 = tpu.memref_slice %arg12[%dma_start3A_471, %dma_start3A_472] : memref<16384x40xf32, #tpu.memory_space<vmem_shared>> -> memref<16384x40xf32, #tpu.memory_space<vmem_shared>>
      tpu.enqueue_indirect_dma source(%dma_start3A_467 : memref<88x40xf32, #tpu.memory_space<vmem>>) target(%dma_start3A_473 : memref<16384x40xf32, #tpu.memory_space<vmem_shared>>) offsets(%dma_start3A_470 : memref<88xi32, #tpu.memory_space<vmem>>) semaphore(%arg14 : memref<!tpu.dma_semaphore, #tpu.memory_space<semaphore_mem>>) {add = true}
      %dma_start3A_474 = arith.constant 5 : i32
      %dma_start3A_475 = arith.constant 440 : i32
      %dma_start3A_476 = arith.constant 0 : i32
      %dma_start3A_477 = tpu.memref_slice %arg7[%dma_start3A_475, %dma_start3A_476] : memref<704x40xf32, #tpu.memory_space<vmem>> -> memref<88x40xf32, #tpu.memory_space<vmem>>
      %dma_start3A_478 = arith.constant 0 : i32
      %dma_start3A_479 = tpu.memref_slice %arg11[%dma_start3A_474, %dma_start3A_478] : memref<8x88xi32, #tpu.memory_space<vmem>> -> memref<1x88xi32, #tpu.memory_space<vmem>>
      %dma_start3A_480 = tpu.memref_squeeze %dma_start3A_479 : memref<1x88xi32, #tpu.memory_space<vmem>> -> memref<88xi32, #tpu.memory_space<vmem>>
      %dma_start3A_481 = arith.constant 0 : i32
      %dma_start3A_482 = arith.constant 0 : i32
      %dma_start3A_483 = tpu.memref_slice %arg12[%dma_start3A_481, %dma_start3A_482] : memref<16384x40xf32, #tpu.memory_space<vmem_shared>> -> memref<16384x40xf32, #tpu.memory_space<vmem_shared>>
      tpu.enqueue_indirect_dma source(%dma_start3A_477 : memref<88x40xf32, #tpu.memory_space<vmem>>) target(%dma_start3A_483 : memref<16384x40xf32, #tpu.memory_space<vmem_shared>>) offsets(%dma_start3A_480 : memref<88xi32, #tpu.memory_space<vmem>>) semaphore(%arg14 : memref<!tpu.dma_semaphore, #tpu.memory_space<semaphore_mem>>) {add = true}
      %dma_start3A_484 = arith.constant 6 : i32
      %dma_start3A_485 = arith.constant 528 : i32
      %dma_start3A_486 = arith.constant 0 : i32
      %dma_start3A_487 = tpu.memref_slice %arg7[%dma_start3A_485, %dma_start3A_486] : memref<704x40xf32, #tpu.memory_space<vmem>> -> memref<88x40xf32, #tpu.memory_space<vmem>>
      %dma_start3A_488 = arith.constant 0 : i32
      %dma_start3A_489 = tpu.memref_slice %arg11[%dma_start3A_484, %dma_start3A_488] : memref<8x88xi32, #tpu.memory_space<vmem>> -> memref<1x88xi32, #tpu.memory_space<vmem>>
      %dma_start3A_490 = tpu.memref_squeeze %dma_start3A_489 : memref<1x88xi32, #tpu.memory_space<vmem>> -> memref<88xi32, #tpu.memory_space<vmem>>
      %dma_start3A_491 = arith.constant 0 : i32
      %dma_start3A_492 = arith.constant 0 : i32
      %dma_start3A_493 = tpu.memref_slice %arg12[%dma_start3A_491, %dma_start3A_492] : memref<16384x40xf32, #tpu.memory_space<vmem_shared>> -> memref<16384x40xf32, #tpu.memory_space<vmem_shared>>
      tpu.enqueue_indirect_dma source(%dma_start3A_487 : memref<88x40xf32, #tpu.memory_space<vmem>>) target(%dma_start3A_493 : memref<16384x40xf32, #tpu.memory_space<vmem_shared>>) offsets(%dma_start3A_490 : memref<88xi32, #tpu.memory_space<vmem>>) semaphore(%arg14 : memref<!tpu.dma_semaphore, #tpu.memory_space<semaphore_mem>>) {add = true}
      %dma_start3A_494 = arith.constant 7 : i32
      %dma_start3A_495 = arith.constant 616 : i32
      %dma_start3A_496 = arith.constant 0 : i32
      %dma_start3A_497 = tpu.memref_slice %arg7[%dma_start3A_495, %dma_start3A_496] : memref<704x40xf32, #tpu.memory_space<vmem>> -> memref<88x40xf32, #tpu.memory_space<vmem>>
      %dma_start3A_498 = arith.constant 0 : i32
      %dma_start3A_499 = tpu.memref_slice %arg11[%dma_start3A_494, %dma_start3A_498] : memref<8x88xi32, #tpu.memory_space<vmem>> -> memref<1x88xi32, #tpu.memory_space<vmem>>
      %dma_start3A_500 = tpu.memref_squeeze %dma_start3A_499 : memref<1x88xi32, #tpu.memory_space<vmem>> -> memref<88xi32, #tpu.memory_space<vmem>>
      %dma_start3A_501 = arith.constant 0 : i32
      %dma_start3A_502 = arith.constant 0 : i32
      %dma_start3A_503 = tpu.memref_slice %arg12[%dma_start3A_501, %dma_start3A_502] : memref<16384x40xf32, #tpu.memory_space<vmem_shared>> -> memref<16384x40xf32, #tpu.memory_space<vmem_shared>>
      tpu.enqueue_indirect_dma source(%dma_start3A_497 : memref<88x40xf32, #tpu.memory_space<vmem>>) target(%dma_start3A_503 : memref<16384x40xf32, #tpu.memory_space<vmem_shared>>) offsets(%dma_start3A_500 : memref<88xi32, #tpu.memory_space<vmem>>) semaphore(%arg14 : memref<!tpu.dma_semaphore, #tpu.memory_space<semaphore_mem>>) {add = true}
      %lt3A_504 = arith.constant 11 : i32
      %lt3A_505 = arith.cmpi slt, %scan3A_214, %lt3A_504 : i32
      %convert_element_type3A_506 = arith.extui %lt3A_505 : i1 to i32
      %cond3A_507 = arith.constant 0 : i32
      %cond3A_508 = arith.cmpi ne, %convert_element_type3A_506, %cond3A_507 : i32
      scf.if %cond3A_508 {
        %add3A_509 = arith.constant 3 : i32
        %add3A_510 = arith.addi %add3A_218, %add3A_509 : i32
        %mul3A_511 = arith.constant 704 : i32
        %mul3A_512 = arith.muli %add3A_510, %mul3A_511 : i32
        %add3A_513 = arith.constant 0 : i32
        %add3A_514 = arith.addi %add3A_513, %mul3A_512 : i32
        %dma_start3A_515 = arith.constant 0 : i32
        %dma_start3A_516 = arith.constant 0 : i32
        %dma_start3A_517 = tpu.memref_slice %arg9[%dma_start3A_515, %dma_start3A_516] : memref<3x704xi32, #tpu.memory_space<vmem>> -> memref<1x704xi32, #tpu.memory_space<vmem>>
        %dma_start3A_518 = tpu.memref_squeeze %dma_start3A_517 : memref<1x704xi32, #tpu.memory_space<vmem>> -> memref<704xi32, #tpu.memory_space<vmem>>
        %dma_start3A_519 = tpu.memref_slice %arg3[%add3A_514] : memref<811008xi32, #tpu.memory_space<hbm>> -> memref<704xi32, #tpu.memory_space<hbm>>
        %dma_start3A_520 = arith.constant 0 : i32
        %dma_start3A_521 = tpu.memref_slice %arg9[%dma_start3A_515, %dma_start3A_520] : memref<3x704xi32, #tpu.memory_space<vmem>> -> memref<1x704xi32, #tpu.memory_space<vmem>>
        %dma_start3A_522 = tpu.memref_squeeze %dma_start3A_521 : memref<1x704xi32, #tpu.memory_space<vmem>> -> memref<704xi32, #tpu.memory_space<vmem>>
        %dma_start3A_523 = tpu.memref_slice %arg3[%add3A_514] : memref<811008xi32, #tpu.memory_space<hbm>> -> memref<704xi32, #tpu.memory_space<hbm>>
        tpu.enqueue_dma source(%dma_start3A_523 : memref<704xi32, #tpu.memory_space<hbm>>) target(%dma_start3A_522 : memref<704xi32, #tpu.memory_space<vmem>>) target_semaphore(%arg16 : memref<!tpu.dma_semaphore, #tpu.memory_space<semaphore_mem>>)
        %mul3A_524 = arith.constant 704 : i32
        %mul3A_525 = arith.muli %add3A_510, %mul3A_524 : i32
        %add3A_526 = arith.constant 270336 : i32
        %add3A_527 = arith.addi %add3A_526, %mul3A_525 : i32
        %dma_start3A_528 = arith.constant 1 : i32
        %dma_start3A_529 = arith.constant 0 : i32
        %dma_start3A_530 = tpu.memref_slice %arg9[%dma_start3A_528, %dma_start3A_529] : memref<3x704xi32, #tpu.memory_space<vmem>> -> memref<1x704xi32, #tpu.memory_space<vmem>>
        %dma_start3A_531 = tpu.memref_squeeze %dma_start3A_530 : memref<1x704xi32, #tpu.memory_space<vmem>> -> memref<704xi32, #tpu.memory_space<vmem>>
        %dma_start3A_532 = tpu.memref_slice %arg3[%add3A_527] : memref<811008xi32, #tpu.memory_space<hbm>> -> memref<704xi32, #tpu.memory_space<hbm>>
        %dma_start3A_533 = arith.constant 0 : i32
        %dma_start3A_534 = tpu.memref_slice %arg9[%dma_start3A_528, %dma_start3A_533] : memref<3x704xi32, #tpu.memory_space<vmem>> -> memref<1x704xi32, #tpu.memory_space<vmem>>
        %dma_start3A_535 = tpu.memref_squeeze %dma_start3A_534 : memref<1x704xi32, #tpu.memory_space<vmem>> -> memref<704xi32, #tpu.memory_space<vmem>>
        %dma_start3A_536 = tpu.memref_slice %arg3[%add3A_527] : memref<811008xi32, #tpu.memory_space<hbm>> -> memref<704xi32, #tpu.memory_space<hbm>>
        tpu.enqueue_dma source(%dma_start3A_536 : memref<704xi32, #tpu.memory_space<hbm>>) target(%dma_start3A_535 : memref<704xi32, #tpu.memory_space<vmem>>) target_semaphore(%arg16 : memref<!tpu.dma_semaphore, #tpu.memory_space<semaphore_mem>>)
        %mul3A_537 = arith.constant 704 : i32
        %mul3A_538 = arith.muli %add3A_510, %mul3A_537 : i32
        %add3A_539 = arith.constant 540672 : i32
        %add3A_540 = arith.addi %add3A_539, %mul3A_538 : i32
        %dma_start3A_541 = arith.constant 2 : i32
        %dma_start3A_542 = arith.constant 0 : i32
        %dma_start3A_543 = tpu.memref_slice %arg9[%dma_start3A_541, %dma_start3A_542] : memref<3x704xi32, #tpu.memory_space<vmem>> -> memref<1x704xi32, #tpu.memory_space<vmem>>
        %dma_start3A_544 = tpu.memref_squeeze %dma_start3A_543 : memref<1x704xi32, #tpu.memory_space<vmem>> -> memref<704xi32, #tpu.memory_space<vmem>>
        %dma_start3A_545 = tpu.memref_slice %arg3[%add3A_540] : memref<811008xi32, #tpu.memory_space<hbm>> -> memref<704xi32, #tpu.memory_space<hbm>>
        %dma_start3A_546 = arith.constant 0 : i32
        %dma_start3A_547 = tpu.memref_slice %arg9[%dma_start3A_541, %dma_start3A_546] : memref<3x704xi32, #tpu.memory_space<vmem>> -> memref<1x704xi32, #tpu.memory_space<vmem>>
        %dma_start3A_548 = tpu.memref_squeeze %dma_start3A_547 : memref<1x704xi32, #tpu.memory_space<vmem>> -> memref<704xi32, #tpu.memory_space<vmem>>
        %dma_start3A_549 = tpu.memref_slice %arg3[%add3A_540] : memref<811008xi32, #tpu.memory_space<hbm>> -> memref<704xi32, #tpu.memory_space<hbm>>
        tpu.enqueue_dma source(%dma_start3A_549 : memref<704xi32, #tpu.memory_space<hbm>>) target(%dma_start3A_548 : memref<704xi32, #tpu.memory_space<vmem>>) target_semaphore(%arg16 : memref<!tpu.dma_semaphore, #tpu.memory_space<semaphore_mem>>)
      } else {
      }
      scf.yield %select_n3A : i32
    }
    %scan3A_126 = arith.constant 12 : i32
    %dma_wait3A = arith.constant 0 : i32
    %dma_wait3A_127 = arith.constant 0 : i32
    %dma_wait3A_128 = tpu.memref_slice %arg2[%arg0, %dma_wait3A, %dma_wait3A_127] : memref<2x4224x40xf32, #tpu.memory_space<hbm>> -> memref<1x704x40xf32, #tpu.memory_space<hbm>>
    %dma_wait3A_129 = tpu.memref_squeeze %dma_wait3A_128 : memref<1x704x40xf32, #tpu.memory_space<hbm>> -> memref<704x40xf32, #tpu.memory_space<hbm>>
    %dma_wait3A_130 = arith.constant 0 : i32
    %dma_wait3A_131 = arith.constant 0 : i32
    %dma_wait3A_132 = tpu.memref_slice %arg2[%arg0, %dma_wait3A_130, %dma_wait3A_131] : memref<2x4224x40xf32, #tpu.memory_space<hbm>> -> memref<1x704x40xf32, #tpu.memory_space<hbm>>
    %dma_wait3A_133 = tpu.memref_squeeze %dma_wait3A_132 : memref<1x704x40xf32, #tpu.memory_space<hbm>> -> memref<704x40xf32, #tpu.memory_space<hbm>>
    tpu.wait_dma2 semaphore(%arg13 : memref<!tpu.dma_semaphore, #tpu.memory_space<semaphore_mem>>) src(%dma_wait3A_133 : memref<704x40xf32, #tpu.memory_space<hbm>>) dst(%arg6 : memref<704x40xf32, #tpu.memory_space<vmem>>)
    %dma_wait3A_134 = arith.constant 0 : i32
    %dma_wait3A_135 = arith.constant 0 : i32
    %dma_wait3A_136 = tpu.memref_slice %arg2[%arg0, %dma_wait3A_134, %dma_wait3A_135] : memref<2x4224x40xf32, #tpu.memory_space<hbm>> -> memref<1x704x40xf32, #tpu.memory_space<hbm>>
    %dma_wait3A_137 = tpu.memref_squeeze %dma_wait3A_136 : memref<1x704x40xf32, #tpu.memory_space<hbm>> -> memref<704x40xf32, #tpu.memory_space<hbm>>
    %dma_wait3A_138 = arith.constant 0 : i32
    %dma_wait3A_139 = arith.constant 0 : i32
    %dma_wait3A_140 = tpu.memref_slice %arg2[%arg0, %dma_wait3A_138, %dma_wait3A_139] : memref<2x4224x40xf32, #tpu.memory_space<hbm>> -> memref<1x704x40xf32, #tpu.memory_space<hbm>>
    %dma_wait3A_141 = tpu.memref_squeeze %dma_wait3A_140 : memref<1x704x40xf32, #tpu.memory_space<hbm>> -> memref<704x40xf32, #tpu.memory_space<hbm>>
    tpu.wait_dma2 semaphore(%arg14 : memref<!tpu.dma_semaphore, #tpu.memory_space<semaphore_mem>>) src(%dma_wait3A_141 : memref<704x40xf32, #tpu.memory_space<hbm>>) dst(%arg7 : memref<704x40xf32, #tpu.memory_space<vmem>>)
    %barrier3A_142 = arith.constant 0 : index
    tpu.barrier barrier_id(%barrier3A_142)
    %add3A_143 = arith.constant 0 : i32
    %add3A_144 = arith.addi %mul3A_6, %add3A_143 : i32
    %mul3A_145 = arith.constant 8 : i32
    %mul3A_146 = arith.muli %arg1, %mul3A_145 : i32
    %add3A_147 = arith.constant 0 : i32
    %add3A_148 = arith.addi %mul3A_146, %add3A_147 : i32
    %mul3A_149 = arith.constant 40 : i32
    %mul3A_150 = arith.muli %arg0, %mul3A_149 : i32
    %run_scoped3A = arith.constant 0 : i32
    "tpu.region"() ({
      %run_scoped3A_214 = tpu.sem_alloc : memref<!tpu.dma_semaphore, #tpu.memory_space<semaphore_mem>>
      %dma_start3A_215 = arith.constant 0 : i32
      %dma_start3A_216 = tpu.memref_slice %arg4[%run_scoped3A, %add3A_148, %dma_start3A_215, %mul3A_150] : memref<1x128x128x80xf32, #tpu.memory_space<hbm>> -> memref<1x1x128x40xf32, #tpu.memory_space<hbm>>
      %dma_start3A_217 = tpu.memref_squeeze %dma_start3A_216 : memref<1x1x128x40xf32, #tpu.memory_space<hbm>> -> memref<128x40xf32, #tpu.memory_space<hbm>>
      %dma_start3A_218 = arith.constant 0 : i32
      %dma_start3A_219 = tpu.memref_slice %arg12[%add3A_144, %dma_start3A_218] : memref<16384x40xf32, #tpu.memory_space<vmem_shared>> -> memref<128x40xf32, #tpu.memory_space<vmem_shared>>
      tpu.enqueue_dma source(%dma_start3A_219 : memref<128x40xf32, #tpu.memory_space<vmem_shared>>) target(%dma_start3A_217 : memref<128x40xf32, #tpu.memory_space<hbm>>) target_semaphore(%run_scoped3A_214 : memref<!tpu.dma_semaphore, #tpu.memory_space<semaphore_mem>>)
      %dma_wait3A_220 = arith.constant 0 : i32
      %dma_wait3A_221 = tpu.memref_slice %arg4[%run_scoped3A, %add3A_148, %dma_wait3A_220, %mul3A_150] : memref<1x128x128x80xf32, #tpu.memory_space<hbm>> -> memref<1x1x128x40xf32, #tpu.memory_space<hbm>>
      %dma_wait3A_222 = tpu.memref_squeeze %dma_wait3A_221 : memref<1x1x128x40xf32, #tpu.memory_space<hbm>> -> memref<128x40xf32, #tpu.memory_space<hbm>>
      %dma_wait3A_223 = arith.constant 0 : i32
      %dma_wait3A_224 = tpu.memref_slice %arg12[%add3A_144, %dma_wait3A_223] : memref<16384x40xf32, #tpu.memory_space<vmem_shared>> -> memref<128x40xf32, #tpu.memory_space<vmem_shared>>
      tpu.wait_dma2 semaphore(%run_scoped3A_214 : memref<!tpu.dma_semaphore, #tpu.memory_space<semaphore_mem>>) src(%dma_wait3A_224 : memref<128x40xf32, #tpu.memory_space<vmem_shared>>) dst(%dma_wait3A_222 : memref<128x40xf32, #tpu.memory_space<hbm>>)
      tpu.yield
    }) : () -> ()
    %add3A_151 = arith.constant 128 : i32
    %add3A_152 = arith.addi %mul3A_6, %add3A_151 : i32
    %mul3A_153 = arith.constant 8 : i32
    %mul3A_154 = arith.muli %arg1, %mul3A_153 : i32
    %add3A_155 = arith.constant 1 : i32
    %add3A_156 = arith.addi %mul3A_154, %add3A_155 : i32
    %mul3A_157 = arith.constant 40 : i32
    %mul3A_158 = arith.muli %arg0, %mul3A_157 : i32
    %run_scoped3A_159 = arith.constant 0 : i32
    "tpu.region"() ({
      %run_scoped3A_214 = tpu.sem_alloc : memref<!tpu.dma_semaphore, #tpu.memory_space<semaphore_mem>>
      %dma_start3A_215 = arith.constant 0 : i32
      %dma_start3A_216 = tpu.memref_slice %arg4[%run_scoped3A_159, %add3A_156, %dma_start3A_215, %mul3A_158] : memref<1x128x128x80xf32, #tpu.memory_space<hbm>> -> memref<1x1x128x40xf32, #tpu.memory_space<hbm>>
      %dma_start3A_217 = tpu.memref_squeeze %dma_start3A_216 : memref<1x1x128x40xf32, #tpu.memory_space<hbm>> -> memref<128x40xf32, #tpu.memory_space<hbm>>
      %dma_start3A_218 = arith.constant 0 : i32
      %dma_start3A_219 = tpu.memref_slice %arg12[%add3A_152, %dma_start3A_218] : memref<16384x40xf32, #tpu.memory_space<vmem_shared>> -> memref<128x40xf32, #tpu.memory_space<vmem_shared>>
      tpu.enqueue_dma source(%dma_start3A_219 : memref<128x40xf32, #tpu.memory_space<vmem_shared>>) target(%dma_start3A_217 : memref<128x40xf32, #tpu.memory_space<hbm>>) target_semaphore(%run_scoped3A_214 : memref<!tpu.dma_semaphore, #tpu.memory_space<semaphore_mem>>)
      %dma_wait3A_220 = arith.constant 0 : i32
      %dma_wait3A_221 = tpu.memref_slice %arg4[%run_scoped3A_159, %add3A_156, %dma_wait3A_220, %mul3A_158] : memref<1x128x128x80xf32, #tpu.memory_space<hbm>> -> memref<1x1x128x40xf32, #tpu.memory_space<hbm>>
      %dma_wait3A_222 = tpu.memref_squeeze %dma_wait3A_221 : memref<1x1x128x40xf32, #tpu.memory_space<hbm>> -> memref<128x40xf32, #tpu.memory_space<hbm>>
      %dma_wait3A_223 = arith.constant 0 : i32
      %dma_wait3A_224 = tpu.memref_slice %arg12[%add3A_152, %dma_wait3A_223] : memref<16384x40xf32, #tpu.memory_space<vmem_shared>> -> memref<128x40xf32, #tpu.memory_space<vmem_shared>>
      tpu.wait_dma2 semaphore(%run_scoped3A_214 : memref<!tpu.dma_semaphore, #tpu.memory_space<semaphore_mem>>) src(%dma_wait3A_224 : memref<128x40xf32, #tpu.memory_space<vmem_shared>>) dst(%dma_wait3A_222 : memref<128x40xf32, #tpu.memory_space<hbm>>)
      tpu.yield
    }) : () -> ()
    %add3A_160 = arith.constant 256 : i32
    %add3A_161 = arith.addi %mul3A_6, %add3A_160 : i32
    %mul3A_162 = arith.constant 8 : i32
    %mul3A_163 = arith.muli %arg1, %mul3A_162 : i32
    %add3A_164 = arith.constant 2 : i32
    %add3A_165 = arith.addi %mul3A_163, %add3A_164 : i32
    %mul3A_166 = arith.constant 40 : i32
    %mul3A_167 = arith.muli %arg0, %mul3A_166 : i32
    %run_scoped3A_168 = arith.constant 0 : i32
    "tpu.region"() ({
      %run_scoped3A_214 = tpu.sem_alloc : memref<!tpu.dma_semaphore, #tpu.memory_space<semaphore_mem>>
      %dma_start3A_215 = arith.constant 0 : i32
      %dma_start3A_216 = tpu.memref_slice %arg4[%run_scoped3A_168, %add3A_165, %dma_start3A_215, %mul3A_167] : memref<1x128x128x80xf32, #tpu.memory_space<hbm>> -> memref<1x1x128x40xf32, #tpu.memory_space<hbm>>
      %dma_start3A_217 = tpu.memref_squeeze %dma_start3A_216 : memref<1x1x128x40xf32, #tpu.memory_space<hbm>> -> memref<128x40xf32, #tpu.memory_space<hbm>>
      %dma_start3A_218 = arith.constant 0 : i32
      %dma_start3A_219 = tpu.memref_slice %arg12[%add3A_161, %dma_start3A_218] : memref<16384x40xf32, #tpu.memory_space<vmem_shared>> -> memref<128x40xf32, #tpu.memory_space<vmem_shared>>
      tpu.enqueue_dma source(%dma_start3A_219 : memref<128x40xf32, #tpu.memory_space<vmem_shared>>) target(%dma_start3A_217 : memref<128x40xf32, #tpu.memory_space<hbm>>) target_semaphore(%run_scoped3A_214 : memref<!tpu.dma_semaphore, #tpu.memory_space<semaphore_mem>>)
      %dma_wait3A_220 = arith.constant 0 : i32
      %dma_wait3A_221 = tpu.memref_slice %arg4[%run_scoped3A_168, %add3A_165, %dma_wait3A_220, %mul3A_167] : memref<1x128x128x80xf32, #tpu.memory_space<hbm>> -> memref<1x1x128x40xf32, #tpu.memory_space<hbm>>
      %dma_wait3A_222 = tpu.memref_squeeze %dma_wait3A_221 : memref<1x1x128x40xf32, #tpu.memory_space<hbm>> -> memref<128x40xf32, #tpu.memory_space<hbm>>
      %dma_wait3A_223 = arith.constant 0 : i32
      %dma_wait3A_224 = tpu.memref_slice %arg12[%add3A_161, %dma_wait3A_223] : memref<16384x40xf32, #tpu.memory_space<vmem_shared>> -> memref<128x40xf32, #tpu.memory_space<vmem_shared>>
      tpu.wait_dma2 semaphore(%run_scoped3A_214 : memref<!tpu.dma_semaphore, #tpu.memory_space<semaphore_mem>>) src(%dma_wait3A_224 : memref<128x40xf32, #tpu.memory_space<vmem_shared>>) dst(%dma_wait3A_222 : memref<128x40xf32, #tpu.memory_space<hbm>>)
      tpu.yield
    }) : () -> ()
    %add3A_169 = arith.constant 384 : i32
    %add3A_170 = arith.addi %mul3A_6, %add3A_169 : i32
    %mul3A_171 = arith.constant 8 : i32
    %mul3A_172 = arith.muli %arg1, %mul3A_171 : i32
    %add3A_173 = arith.constant 3 : i32
    %add3A_174 = arith.addi %mul3A_172, %add3A_173 : i32
    %mul3A_175 = arith.constant 40 : i32
    %mul3A_176 = arith.muli %arg0, %mul3A_175 : i32
    %run_scoped3A_177 = arith.constant 0 : i32
    "tpu.region"() ({
      %run_scoped3A_214 = tpu.sem_alloc : memref<!tpu.dma_semaphore, #tpu.memory_space<semaphore_mem>>
      %dma_start3A_215 = arith.constant 0 : i32
      %dma_start3A_216 = tpu.memref_slice %arg4[%run_scoped3A_177, %add3A_174, %dma_start3A_215, %mul3A_176] : memref<1x128x128x80xf32, #tpu.memory_space<hbm>> -> memref<1x1x128x40xf32, #tpu.memory_space<hbm>>
      %dma_start3A_217 = tpu.memref_squeeze %dma_start3A_216 : memref<1x1x128x40xf32, #tpu.memory_space<hbm>> -> memref<128x40xf32, #tpu.memory_space<hbm>>
      %dma_start3A_218 = arith.constant 0 : i32
      %dma_start3A_219 = tpu.memref_slice %arg12[%add3A_170, %dma_start3A_218] : memref<16384x40xf32, #tpu.memory_space<vmem_shared>> -> memref<128x40xf32, #tpu.memory_space<vmem_shared>>
      tpu.enqueue_dma source(%dma_start3A_219 : memref<128x40xf32, #tpu.memory_space<vmem_shared>>) target(%dma_start3A_217 : memref<128x40xf32, #tpu.memory_space<hbm>>) target_semaphore(%run_scoped3A_214 : memref<!tpu.dma_semaphore, #tpu.memory_space<semaphore_mem>>)
      %dma_wait3A_220 = arith.constant 0 : i32
      %dma_wait3A_221 = tpu.memref_slice %arg4[%run_scoped3A_177, %add3A_174, %dma_wait3A_220, %mul3A_176] : memref<1x128x128x80xf32, #tpu.memory_space<hbm>> -> memref<1x1x128x40xf32, #tpu.memory_space<hbm>>
      %dma_wait3A_222 = tpu.memref_squeeze %dma_wait3A_221 : memref<1x1x128x40xf32, #tpu.memory_space<hbm>> -> memref<128x40xf32, #tpu.memory_space<hbm>>
      %dma_wait3A_223 = arith.constant 0 : i32
      %dma_wait3A_224 = tpu.memref_slice %arg12[%add3A_170, %dma_wait3A_223] : memref<16384x40xf32, #tpu.memory_space<vmem_shared>> -> memref<128x40xf32, #tpu.memory_space<vmem_shared>>
      tpu.wait_dma2 semaphore(%run_scoped3A_214 : memref<!tpu.dma_semaphore, #tpu.memory_space<semaphore_mem>>) src(%dma_wait3A_224 : memref<128x40xf32, #tpu.memory_space<vmem_shared>>) dst(%dma_wait3A_222 : memref<128x40xf32, #tpu.memory_space<hbm>>)
      tpu.yield
    }) : () -> ()
    %add3A_178 = arith.constant 512 : i32
    %add3A_179 = arith.addi %mul3A_6, %add3A_178 : i32
    %mul3A_180 = arith.constant 8 : i32
    %mul3A_181 = arith.muli %arg1, %mul3A_180 : i32
    %add3A_182 = arith.constant 4 : i32
    %add3A_183 = arith.addi %mul3A_181, %add3A_182 : i32
    %mul3A_184 = arith.constant 40 : i32
    %mul3A_185 = arith.muli %arg0, %mul3A_184 : i32
    %run_scoped3A_186 = arith.constant 0 : i32
    "tpu.region"() ({
      %run_scoped3A_214 = tpu.sem_alloc : memref<!tpu.dma_semaphore, #tpu.memory_space<semaphore_mem>>
      %dma_start3A_215 = arith.constant 0 : i32
      %dma_start3A_216 = tpu.memref_slice %arg4[%run_scoped3A_186, %add3A_183, %dma_start3A_215, %mul3A_185] : memref<1x128x128x80xf32, #tpu.memory_space<hbm>> -> memref<1x1x128x40xf32, #tpu.memory_space<hbm>>
      %dma_start3A_217 = tpu.memref_squeeze %dma_start3A_216 : memref<1x1x128x40xf32, #tpu.memory_space<hbm>> -> memref<128x40xf32, #tpu.memory_space<hbm>>
      %dma_start3A_218 = arith.constant 0 : i32
      %dma_start3A_219 = tpu.memref_slice %arg12[%add3A_179, %dma_start3A_218] : memref<16384x40xf32, #tpu.memory_space<vmem_shared>> -> memref<128x40xf32, #tpu.memory_space<vmem_shared>>
      tpu.enqueue_dma source(%dma_start3A_219 : memref<128x40xf32, #tpu.memory_space<vmem_shared>>) target(%dma_start3A_217 : memref<128x40xf32, #tpu.memory_space<hbm>>) target_semaphore(%run_scoped3A_214 : memref<!tpu.dma_semaphore, #tpu.memory_space<semaphore_mem>>)
      %dma_wait3A_220 = arith.constant 0 : i32
      %dma_wait3A_221 = tpu.memref_slice %arg4[%run_scoped3A_186, %add3A_183, %dma_wait3A_220, %mul3A_185] : memref<1x128x128x80xf32, #tpu.memory_space<hbm>> -> memref<1x1x128x40xf32, #tpu.memory_space<hbm>>
      %dma_wait3A_222 = tpu.memref_squeeze %dma_wait3A_221 : memref<1x1x128x40xf32, #tpu.memory_space<hbm>> -> memref<128x40xf32, #tpu.memory_space<hbm>>
      %dma_wait3A_223 = arith.constant 0 : i32
      %dma_wait3A_224 = tpu.memref_slice %arg12[%add3A_179, %dma_wait3A_223] : memref<16384x40xf32, #tpu.memory_space<vmem_shared>> -> memref<128x40xf32, #tpu.memory_space<vmem_shared>>
      tpu.wait_dma2 semaphore(%run_scoped3A_214 : memref<!tpu.dma_semaphore, #tpu.memory_space<semaphore_mem>>) src(%dma_wait3A_224 : memref<128x40xf32, #tpu.memory_space<vmem_shared>>) dst(%dma_wait3A_222 : memref<128x40xf32, #tpu.memory_space<hbm>>)
      tpu.yield
    }) : () -> ()
    %add3A_187 = arith.constant 640 : i32
    %add3A_188 = arith.addi %mul3A_6, %add3A_187 : i32
    %mul3A_189 = arith.constant 8 : i32
    %mul3A_190 = arith.muli %arg1, %mul3A_189 : i32
    %add3A_191 = arith.constant 5 : i32
    %add3A_192 = arith.addi %mul3A_190, %add3A_191 : i32
    %mul3A_193 = arith.constant 40 : i32
    %mul3A_194 = arith.muli %arg0, %mul3A_193 : i32
    %run_scoped3A_195 = arith.constant 0 : i32
    "tpu.region"() ({
      %run_scoped3A_214 = tpu.sem_alloc : memref<!tpu.dma_semaphore, #tpu.memory_space<semaphore_mem>>
      %dma_start3A_215 = arith.constant 0 : i32
      %dma_start3A_216 = tpu.memref_slice %arg4[%run_scoped3A_195, %add3A_192, %dma_start3A_215, %mul3A_194] : memref<1x128x128x80xf32, #tpu.memory_space<hbm>> -> memref<1x1x128x40xf32, #tpu.memory_space<hbm>>
      %dma_start3A_217 = tpu.memref_squeeze %dma_start3A_216 : memref<1x1x128x40xf32, #tpu.memory_space<hbm>> -> memref<128x40xf32, #tpu.memory_space<hbm>>
      %dma_start3A_218 = arith.constant 0 : i32
      %dma_start3A_219 = tpu.memref_slice %arg12[%add3A_188, %dma_start3A_218] : memref<16384x40xf32, #tpu.memory_space<vmem_shared>> -> memref<128x40xf32, #tpu.memory_space<vmem_shared>>
      tpu.enqueue_dma source(%dma_start3A_219 : memref<128x40xf32, #tpu.memory_space<vmem_shared>>) target(%dma_start3A_217 : memref<128x40xf32, #tpu.memory_space<hbm>>) target_semaphore(%run_scoped3A_214 : memref<!tpu.dma_semaphore, #tpu.memory_space<semaphore_mem>>)
      %dma_wait3A_220 = arith.constant 0 : i32
      %dma_wait3A_221 = tpu.memref_slice %arg4[%run_scoped3A_195, %add3A_192, %dma_wait3A_220, %mul3A_194] : memref<1x128x128x80xf32, #tpu.memory_space<hbm>> -> memref<1x1x128x40xf32, #tpu.memory_space<hbm>>
      %dma_wait3A_222 = tpu.memref_squeeze %dma_wait3A_221 : memref<1x1x128x40xf32, #tpu.memory_space<hbm>> -> memref<128x40xf32, #tpu.memory_space<hbm>>
      %dma_wait3A_223 = arith.constant 0 : i32
      %dma_wait3A_224 = tpu.memref_slice %arg12[%add3A_188, %dma_wait3A_223] : memref<16384x40xf32, #tpu.memory_space<vmem_shared>> -> memref<128x40xf32, #tpu.memory_space<vmem_shared>>
      tpu.wait_dma2 semaphore(%run_scoped3A_214 : memref<!tpu.dma_semaphore, #tpu.memory_space<semaphore_mem>>) src(%dma_wait3A_224 : memref<128x40xf32, #tpu.memory_space<vmem_shared>>) dst(%dma_wait3A_222 : memref<128x40xf32, #tpu.memory_space<hbm>>)
      tpu.yield
    }) : () -> ()
    %add3A_196 = arith.constant 768 : i32
    %add3A_197 = arith.addi %mul3A_6, %add3A_196 : i32
    %mul3A_198 = arith.constant 8 : i32
    %mul3A_199 = arith.muli %arg1, %mul3A_198 : i32
    %add3A_200 = arith.constant 6 : i32
    %add3A_201 = arith.addi %mul3A_199, %add3A_200 : i32
    %mul3A_202 = arith.constant 40 : i32
    %mul3A_203 = arith.muli %arg0, %mul3A_202 : i32
    %run_scoped3A_204 = arith.constant 0 : i32
    "tpu.region"() ({
      %run_scoped3A_214 = tpu.sem_alloc : memref<!tpu.dma_semaphore, #tpu.memory_space<semaphore_mem>>
      %dma_start3A_215 = arith.constant 0 : i32
      %dma_start3A_216 = tpu.memref_slice %arg4[%run_scoped3A_204, %add3A_201, %dma_start3A_215, %mul3A_203] : memref<1x128x128x80xf32, #tpu.memory_space<hbm>> -> memref<1x1x128x40xf32, #tpu.memory_space<hbm>>
      %dma_start3A_217 = tpu.memref_squeeze %dma_start3A_216 : memref<1x1x128x40xf32, #tpu.memory_space<hbm>> -> memref<128x40xf32, #tpu.memory_space<hbm>>
      %dma_start3A_218 = arith.constant 0 : i32
      %dma_start3A_219 = tpu.memref_slice %arg12[%add3A_197, %dma_start3A_218] : memref<16384x40xf32, #tpu.memory_space<vmem_shared>> -> memref<128x40xf32, #tpu.memory_space<vmem_shared>>
      tpu.enqueue_dma source(%dma_start3A_219 : memref<128x40xf32, #tpu.memory_space<vmem_shared>>) target(%dma_start3A_217 : memref<128x40xf32, #tpu.memory_space<hbm>>) target_semaphore(%run_scoped3A_214 : memref<!tpu.dma_semaphore, #tpu.memory_space<semaphore_mem>>)
      %dma_wait3A_220 = arith.constant 0 : i32
      %dma_wait3A_221 = tpu.memref_slice %arg4[%run_scoped3A_204, %add3A_201, %dma_wait3A_220, %mul3A_203] : memref<1x128x128x80xf32, #tpu.memory_space<hbm>> -> memref<1x1x128x40xf32, #tpu.memory_space<hbm>>
      %dma_wait3A_222 = tpu.memref_squeeze %dma_wait3A_221 : memref<1x1x128x40xf32, #tpu.memory_space<hbm>> -> memref<128x40xf32, #tpu.memory_space<hbm>>
      %dma_wait3A_223 = arith.constant 0 : i32
      %dma_wait3A_224 = tpu.memref_slice %arg12[%add3A_197, %dma_wait3A_223] : memref<16384x40xf32, #tpu.memory_space<vmem_shared>> -> memref<128x40xf32, #tpu.memory_space<vmem_shared>>
      tpu.wait_dma2 semaphore(%run_scoped3A_214 : memref<!tpu.dma_semaphore, #tpu.memory_space<semaphore_mem>>) src(%dma_wait3A_224 : memref<128x40xf32, #tpu.memory_space<vmem_shared>>) dst(%dma_wait3A_222 : memref<128x40xf32, #tpu.memory_space<hbm>>)
      tpu.yield
    }) : () -> ()
    %add3A_205 = arith.constant 896 : i32
    %add3A_206 = arith.addi %mul3A_6, %add3A_205 : i32
    %mul3A_207 = arith.constant 8 : i32
    %mul3A_208 = arith.muli %arg1, %mul3A_207 : i32
    %add3A_209 = arith.constant 7 : i32
    %add3A_210 = arith.addi %mul3A_208, %add3A_209 : i32
    %mul3A_211 = arith.constant 40 : i32
    %mul3A_212 = arith.muli %arg0, %mul3A_211 : i32
    %run_scoped3A_213 = arith.constant 0 : i32
    "tpu.region"() ({
      %run_scoped3A_214 = tpu.sem_alloc : memref<!tpu.dma_semaphore, #tpu.memory_space<semaphore_mem>>
      %dma_start3A_215 = arith.constant 0 : i32
      %dma_start3A_216 = tpu.memref_slice %arg4[%run_scoped3A_213, %add3A_210, %dma_start3A_215, %mul3A_212] : memref<1x128x128x80xf32, #tpu.memory_space<hbm>> -> memref<1x1x128x40xf32, #tpu.memory_space<hbm>>
      %dma_start3A_217 = tpu.memref_squeeze %dma_start3A_216 : memref<1x1x128x40xf32, #tpu.memory_space<hbm>> -> memref<128x40xf32, #tpu.memory_space<hbm>>
      %dma_start3A_218 = arith.constant 0 : i32
      %dma_start3A_219 = tpu.memref_slice %arg12[%add3A_206, %dma_start3A_218] : memref<16384x40xf32, #tpu.memory_space<vmem_shared>> -> memref<128x40xf32, #tpu.memory_space<vmem_shared>>
      tpu.enqueue_dma source(%dma_start3A_219 : memref<128x40xf32, #tpu.memory_space<vmem_shared>>) target(%dma_start3A_217 : memref<128x40xf32, #tpu.memory_space<hbm>>) target_semaphore(%run_scoped3A_214 : memref<!tpu.dma_semaphore, #tpu.memory_space<semaphore_mem>>)
      %dma_wait3A_220 = arith.constant 0 : i32
      %dma_wait3A_221 = tpu.memref_slice %arg4[%run_scoped3A_213, %add3A_210, %dma_wait3A_220, %mul3A_212] : memref<1x128x128x80xf32, #tpu.memory_space<hbm>> -> memref<1x1x128x40xf32, #tpu.memory_space<hbm>>
      %dma_wait3A_222 = tpu.memref_squeeze %dma_wait3A_221 : memref<1x1x128x40xf32, #tpu.memory_space<hbm>> -> memref<128x40xf32, #tpu.memory_space<hbm>>
      %dma_wait3A_223 = arith.constant 0 : i32
      %dma_wait3A_224 = tpu.memref_slice %arg12[%add3A_206, %dma_wait3A_223] : memref<16384x40xf32, #tpu.memory_space<vmem_shared>> -> memref<128x40xf32, #tpu.memory_space<vmem_shared>>
      tpu.wait_dma2 semaphore(%run_scoped3A_214 : memref<!tpu.dma_semaphore, #tpu.memory_space<semaphore_mem>>) src(%dma_wait3A_224 : memref<128x40xf32, #tpu.memory_space<vmem_shared>>) dst(%dma_wait3A_222 : memref<128x40xf32, #tpu.memory_space<hbm>>)
      tpu.yield
    }) : () -> ()
    return
  }
}

</mosaic_0001>

<sc_bundles>
// kernel: kernel.3.cloned.1.call-start
scs
__scs_entry_jumppad:
0x0: {  	(pc) =	sbr.rel $0x88, $3  }
0x1: {  	(tag) =	ssettag $0x0;
	lr =	simm.s32 $0x1  }
0x2: {  	[smem:$0x3F9E] =	sst lr;
	_ =	strace $0xD0000000  }
0x3: {  	_ = 	snop  }
0x4: {  	_ = 	snop  }
0x5: {  	_ = 	snop  }
0x6: {  	_ = 	snop  }
0x7: {  	_ = 	snop  }
__scs_overlays_trampoline_lowered:
0x8: {  	[smem:$0x3FAD] =	sst s0  }
0x9: {  	[smem:$0x3FAE] =	sst s1  }
0xa: {  	[smem:$0x3FAF] =	sst s2  }
0xb: {  	[smem:$0x3FB0] =	sst s3  }
0xc: {  	[smem:$0x3FB1] =	sst s4  }
0xd: {  	[smem:$0x3FB2] =	sst s5  }
0xe: {  	[smem:$0x3FB3] =	sst s6  }
0xf: {  	[smem:$0x3FB4] =	sst s7  }
0x10: {  	[smem:$0x3FB5] =	sst s8  }
0x11: {  	[smem:$0x3FB6] =	sst s9;
	s0 =	simm.s32 @!p0 $0x0  }
0x12: {  	s1 =	sld [smem:$0x3F9C];
	s0 =	simm.s32 @p0 $0x1  }
0x13: {  	[smem:$0x3FB7] =	sst s0;
	s0 =	simm.s32 @!p1 $0x0  }
0x14: {  	s2 =	sld [smem:$0x3F9B];
	s0 =	simm.s32 @p1 $0x1  }
0x15: {  	[smem:$0x3FB8] =	sst s0;
	s0 =	simm.s32 @!p2 $0x0  }
0x16: {  	s3 =	sld [smem:$0x3FDB];
	s0 =	simm.s32 @p2 $0x1  }
0x17: {  	s4 =	simm.s32 $0x1BF5;
	[smem:$0x3FBA] =	sst s0  }
0x18: {  	s0 =	sld [smem:$0x3F9D];
	_ =	swait.ge [sflag:s4], $0x0  }
0x19: {  	s7 =	sld [smem:$0x3F9E]  }
0x1a: {  	s8 =	sadd.s32 $0xFFFFE003, lr  }
0x1b: {  	s9 =	sadd.s32 $0xFFFFFEF7, lr;
	s5 =	simm.s32 $0xFFFFFFFF;
	p2 =	slt.u32 s8, $0xFFFFF086  }
0x1c: {  	p1 =	slt.u32 s9, $0xF7A;
	s5 =	simm.s32 @!p2 $0x0  }
0x1d: {  	s5 =	simm.s32 @p1 $0x1;
	p0 =	seq.s32 s7, s2  }
0x1e: {  	s7 =	smul.u32 @!p0 $0xF7A, s2;
	p2 =	seq.s32 @!p0 s5, $0x0  }
0x1f: {  	s9 =	smul.u32 $0xF7A, s1;
	s8 =	simm.s32 @!p0 $0x1BF5;
	p2 =	por !p2, p0  }
0x20: {  	[sflag:s8] =	ssyncset.s32 @!p0 $0xFFFFF086;
	s6 =	sadd.s32 @!p0 s3, s7;
	s7 =	simm.s32 @!p0 $0x108  }
0x21: {  	s3 =	sadd.s32 s3, s9;
	s6 =	sadd.s32 @!p0 $0x88, s6;
	s7 =	simm.s32 @p2 $0x1082  }
0x22: {  	[simem:s7], [sflag:s8] =	dma.local @!p0 [hbm:s6], $0xF7A  }
0x23: {  	s9 =	sor.u32 $0xD0000000, s2;
	s6 =	simm.s32 $0x108;
	_ =	swait.ge @!p0 [sflag:s8], $0x0  }
0x24: {  	s3 =	sadd.s32 $0x88, s3;
	s6 =	simm.s32 @!p1 $0x1082;
	[sflag:s4] =	ssyncset.s32 $0xFFFFF086  }
0x25: {  	[simem:s6], [sflag:s4] =	dma.local [hbm:s3], $0xF7A  }
0x26: {  	[smem:$0x3F9E] =	sst s1;
	(tag) =	ssettag s2;
	_ =	strace s9  }
0x27: {  	s1 =	sld [smem:$0x3FAE]  }
0x28: {  	s2 =	sld [smem:$0x3FAF]  }
0x29: {  	s4 =	sld [smem:$0x3FB1]  }
0x2a: {  	p0 =	seq.s32 s5, $0x0;
	s5 =	sld [smem:$0x3FB2]  }
0x2b: {  	s6 =	sld [smem:$0x3FB3]  }
0x2c: {  	s7 =	sld [smem:$0x3FB4]  }
0x2d: {  	s3 =	simm.s32 $0x108;
	s8 =	sld [smem:$0x3FB5]  }
0x2e: {  	s3 =	simm.s32 @!p0 $0x1082;
	s9 =	sld [smem:$0x3FB6]  }
0x2f: {  	lr =	sadd.s32 s0, s3;
	s0 =	sld [smem:$0x3FAD]  }
0x30: {  	s3 =	sld [smem:$0x3FB0]  }
0x31: {  	[smem:$0x3FB9] =	sst s10  }
0x32: {  	s10 =	sld [smem:$0x3FB7];
	_ =	sdelay $0x3  }
0x33: {  	p0 =	seq.s32 s10, $0x1;
	s10 =	sld [smem:$0x3FB9];
	_ =	sdelay $0x3  }
0x34: {  	[smem:$0x3FB9] =	sst s10  }
0x35: {  	s10 =	sld [smem:$0x3FB8];
	_ =	sdelay $0x3  }
0x36: {  	p1 =	seq.s32 s10, $0x1;
	s10 =	sld [smem:$0x3FB9];
	_ =	sdelay $0x3  }
0x37: {  	[smem:$0x3FB9] =	sst s10  }
0x38: {  	s10 =	sld [smem:$0x3FBA]  }
0x39: {  	_ = 	snop;
	(pc) =	sbr.ind lr, $3  }
0x3a: {  	_ = 	snop  }
0x3b: {  	_ = 	snop  }
0x3c: {  	p2 =	seq.s32 s10, $0x1;
	s10 =	sld [smem:$0x3FB9]  }
0x3d: {  	_ =	shalt  }
0x3e: {  	_ =	shalt  }
0x3f: {  	_ =	shalt  }
0x40: {  	_ =	shalt  }
0x41: {  	_ =	shalt  }
0x42: {  	_ =	shalt  }
0x43: {  	_ =	shalt  }
0x44: {  	_ =	shalt  }
0x45: {  	_ =	shalt  }
0x46: {  	_ =	shalt  }
0x47: {  	_ =	shalt  }
0x48: {  	_ =	shalt  }
0x49: {  	_ =	shalt  }
0x4a: {  	_ =	shalt  }
0x4b: {  	_ =	shalt  }
0x4c: {  	_ =	shalt  }
0x4d: {  	_ =	shalt  }
0x4e: {  	_ =	shalt  }
0x4f: {  	_ =	shalt  }
0x50: {  	_ =	shalt  }
0x51: {  	_ =	shalt  }
0x52: {  	_ =	shalt  }
0x53: {  	_ =	shalt  }
0x54: {  	_ =	shalt  }
0x55: {  	_ =	shalt  }
0x56: {  	_ =	shalt  }
0x57: {  	_ =	shalt  }
0x58: {  	_ =	shalt  }
0x59: {  	_ =	shalt  }
0x5a: {  	_ =	shalt  }
0x5b: {  	_ =	shalt  }
0x5c: {  	_ =	shalt  }
0x5d: {  	_ =	shalt  }
0x5e: {  	_ =	shalt  }
0x5f: {  	_ =	shalt  }
0x60: {  	_ =	shalt  }
0x61: {  	_ =	shalt  }
0x62: {  	_ =	shalt  }
0x63: {  	_ =	shalt  }
0x64: {  	_ =	shalt  }
0x65: {  	_ =	shalt  }
0x66: {  	_ =	shalt  }
0x67: {  	_ =	shalt  }
0x68: {  	_ =	shalt  }
0x69: {  	_ =	shalt  }
0x6a: {  	_ =	shalt  }
0x6b: {  	_ =	shalt  }
0x6c: {  	_ =	shalt  }
0x6d: {  	_ =	shalt  }
0x6e: {  	_ =	shalt  }
0x6f: {  	_ =	shalt  }
0x70: {  	_ =	shalt  }
0x71: {  	_ =	shalt  }
0x72: {  	_ =	shalt  }
0x73: {  	_ =	shalt  }
0x74: {  	_ =	shalt  }
0x75: {  	_ =	shalt  }
0x76: {  	_ =	shalt  }
0x77: {  	_ =	shalt  }
0x78: {  	_ =	shalt  }
0x79: {  	_ =	shalt  }
0x7a: {  	_ =	shalt  }
0x7b: {  	_ =	shalt  }
0x7c: {  	_ =	shalt  }
0x7d: {  	_ =	shalt  }
0x7e: {  	_ =	shalt  }
0x7f: {  	_ =	shalt  }
0x80: {  	_ =	shalt  }
0x81: {  	_ =	shalt  }
0x82: {  	_ =	shalt  }
0x83: {  	_ =	shalt  }
0x84: {  	_ =	shalt  }
0x85: {  	_ =	shalt  }
0x86: {  	_ =	shalt  }
0x87: {  	_ =	shalt  }
.Lfunc_end0:
.L_simem_size_0:
called_computation_lowered:
.L_overlay_start_0:
0x88: {  	s2 =	sld [smem:$0x3FD9]  }
0x89: {  	s3 =	sld [smem:$0x3FFE];
	_ =	sdelay $0x1  }
0x8a: {  	s1 =	srdreg.scid  }
0x8b: {  	s0 =	sand.u32 $0x1, s1  }
0x8c: {  	s17 =	sshll.u32 s0, $0xA;
	s2 =	sadd.s32 s3, s2  }
0x8d: {  	s2 =	sadd.s32 s2, s17  }
0x8e: {  	[smem:$0x3FC5] =	sst s2  }
0x8f: {  	_ = 	snop  }
0x90: {  	s2 =	sld [smem:$0x3FD0];
	(tm) =	ssettm $0x1  }
0x91: {  	s18 =	sld [smem:$0x3FFB];
	_ =	sdelay $0x3  }
0x92: {  	_ =	strace s18  }
0x93: {  	s3 =	sld [smem:$0x3FFC];
	_ =	sdelay $0x3  }
0x94: {  	_ =	strace s3  }
0x95: {  	s3 =	sld [smem:$0x3FFD];
	_ =	sdelay $0x3  }
0x96: {  	_ =	strace s3  }
0x97: {  	_ =	strace $0x8FFFFFFF  }
0x98: {  	s19 =	sld [smem:$0x3FDB];
	_ =	sdelay $0x1  }
0x99: {  	s4 =	simm.s32 $_scs_section_size  }
0x9a: {  	s5 =	simm.s32 $_size__tile_overlayer_lowered;
	s6 =	simm.s32 $_tile_overlayer_lowered  }
0x9b: {  	s22 =	simm.s32 $0x1BFF;
	s21 =	sshll.u32 s6, $0x1;
	s3 =	sadd.s32 s4, s19  }
0x9c: {  	s7 =	simm.s32 $0x0;
	s20 =	sshll.u32 s5, $0x1;
	s5 =	sadd.s32 s21, s3  }
0x9d: {  	[timem:s7], [sflag:s22] =	dma.local [hbm:s5], s20  }
0x9e: {  	_ =	swait.ge [sflag:s22], s20  }
0x9f: {  	s4 =	ssub.s32 $0x0, s20;
	[sflag:s22] =	ssyncset.done $0x0  }
0xa0: {  	[sflag:s22] =	ssyncadd.s32 s4;
	_ =	sdelay $0x1  }
0xa1: {  	s23 =	simm.s32 $0x1B8B  }
0xa2: {  	_ =	swait.ge [sflag:s23], $0x1  }
0xa3: {  	[sflag:s23] =	ssyncset.done $0x0  }
0xa4: {  	s25 =	simm.s32 $0x1B8E;
	s24 =	sld [smem:$0x3FFE];
	[sflag:s23] =	ssyncadd.s32 $0xFFFFFFFF  }
0xa5: {  	s26 =	simm.s32 $execute0_lowered;
	[smem:$0x3FD2] =	sst s25  }
0xa6: {  	s5 =	sshll.u32 s26, $0x1;
	_ =	strace $0x80000046;
	[dreg:$0x1] =	wrdreg $0xFFFFFFFF  }
0xa7: {  	s28 =	simm.s32 $_size_execute0_lowered;
	s3 =	sadd.s32 s3, s5;
	[dreg:$0x0] =	wrdreg $0x0  }
0xa8: {  	s5 =	sshll.u32 s28, $0x1;
	[dreg:$0x2] =	wrdreg s3  }
0xa9: {  	[dreg:$0x3] =	wrdreg s5  }
0xaa: {  	[dreg:$0x4] =	wrdreg $0xC0  }
0xab: {  	_ =	task [dreg:s7], $0x5FFFF  }
0xac: {  	[dreg:$0x1] =	wrdreg $0xFFFFFFFF  }
0xad: {  	[dreg:$0x0] =	wrdreg $0x60  }
0xae: {  	[dreg:$0x2] =	wrdreg s24  }
0xaf: {  	[dreg:$0x3] =	wrdreg s2  }
0xb0: {  	[dreg:$0x4] =	wrdreg $0x160000  }
0xb1: {  	[dreg:$0x5] =	wrdreg $0x9  }
0xb2: {  	_ =	task.clear_ibuf [dreg:s7], $0x6FFFF;
	_ =	strace $0x90000046  }
0xb3: {  	s29 =	simm.s32 $0x9;
	_ =	strace $0x80000048  }
0xb4: {  	_ =	swait.ge [sflag:s29], $0x1  }
0xb5: {  	[sflag:s29] =	ssyncadd.s32 $0xFFFFFFFF  }
0xb6: {  	_ =	strace $0x90000048  }
0xb7: {  	_ =	sfence  }
0xb8: {  	s30 =	sld [smem:$0x0];
	_ =	sdelay $0x2  }
0xb9: {  	s31 =	sshll.u32 s1, $0xD;
	s1 =	sshrl.u32 s1, $0x2  }
0xba: {  	s3 =	sand.u32 $0x4000, s31;
	s1 =	sadd.s32 s1, s30  }
0xbb: {  	s0 =	sor.u32 s3, s0;
	s1 =	sshll.u32 s1, $0x11  }
0xbc: {  	s0 =	sor.u32 s1, s0  }
0xbd: {  	s0 =	sadd.s32 $0x8F2B, s0  }
0xbe: {  	[sflag:s0] =	ssyncadd.remote.s32 $0x1  }
0xbf: {  	_ =	sfence.sel $0xFFFF  }
0xc0: {  	[dreg:$0x0] =	wrdreg $0xFFFFFFFF;
	(pc) =	sbr.abs _section_cstart, $3  }
0xc1: {  	[dreg:$0x1] =	wrdreg $0xFFFFFFFF  }
0xc2: {  	_ =	task.clear_ibuf [dreg:s7], $0x2FFFF;
	_ =	strace $0x9FFFFFFF  }
0xc3: {  	(tm) =	ssettm $0x7FFFFFFF  }
tec
execute0_lowered:
.L_overlay_start_1:
0x0: {  	(tag) =	ssettag $0x1  }
0x1: {  	s0 =	rddreg [dreg:$0x0]  }
0x2: {  	s1 =	rddreg [dreg:$0x1]  }
0x3: {  	s2 =	rddreg [dreg:$0x2];
	s13 =	stileid.u32  }
0x4: {  	s3 =	simm.s32 $0x0;
	s4 =	srdreg.scid;
	s5 =	smul.u32 $0x28000, s13  }
0x5: {  	[smem:$0x7FF] =	sst s3;
	s7 =	smul.u32 $0x4200, s13  }
0x6: {  	s6 =	sand.u32 $0x1, s4;
	s4 =	sadd.s32 $0xA00, s0;
	s12 =	smul.u32 $0x14000, s13  }
0x7: {  	_ =	strace $0x80000047;
	s8 =	ssub.s32 $0x2, s6;
	s9 =	smul.u32 $0x28, s6  }
0x8: {  	s10 =	sshrl.u32 s8, $0x1;
	s11 =	sshrl.u32 s5, $0x2;
	s5 =	sadd.s32 $0xB000, s0  }
0x9: {  	s7 =	sshrl.u32 s7, $0x3;
	s0 =	ssub.s32 s8, s10;
	s29 =	sadd.s32 s11, s2  }
0xa: {  	s9 =	sor.u32 s9, s12;
	s8 =	smul.u32 $0x18, s13;
	s15 =	sadd.s32 s5, s7  }
0xb: {  	s10 =	smul.u32 $0x29400, s6;
	s12 =	simm.s32 $0xE9C0;
	s7 =	simm.s32 $0x0  }
0xc: {  	s11 =	sadd.s32 $0x6E00, s29;
	s13 =	sshrl.u32 s9, $0x3;
	s14 =	sadd.s32 $0x5000, s9  }
0xd: {  	s17 =	sadd.s32 $0x1400, s29;
	s18 =	sadd.s32 $0x7800, s9;
	s20 =	sadd.s32 $0xA000, s9  }
0xe: {  	s21 =	sadd.s32 $0x2800, s29;
	s23 =	sadd.s32 $0x3C00, s29;
	s24 =	sadd.s32 $0xC800, s9  }
0xf: {  	s25 =	sadd.s32 $0x5000, s29;
	s28 =	sadd.s32 $0x6400, s29;
	[dreg:$0x6] =	wrdreg s15  }
0x10: {  	s31 =	sadd.s32 $0x7800, s29;
	s0 =	smax.u32 s0, $0x1;
	[dreg:$0x4] =	wrdreg s29  }
0x11: {  	[dreg:$0x5] =	wrdreg s11;
	s16 =	sadd.s32 s1, s13;
	s6 =	sshrl.u32 s14, $0x3  }
0x12: {  	s19 =	sshrl.u32 s18, $0x3;
	[dreg:$0xe] =	wrdreg s0;
	s17 =	sshrl.u32 s17, $0x3  }
0x13: {  	s22 =	sshrl.u32 s20, $0x3;
	s18 =	sshrl.u32 s21, $0x3;
	[dreg:$0xf] =	wrdreg s17  }
0x14: {  	s14 =	sadd.s32 $0xF000, s9;
	s20 =	sshrl.u32 s25, $0x3;
	[dreg:$0x10] =	wrdreg s18  }
0x15: {  	s9 =	sadd.s32 $0x11800, s9;
	s21 =	sshrl.u32 s28, $0x3;
	[dreg:$0x12] =	wrdreg s20  }
0x16: {  	s25 =	sadd.s32 $0x10800, s15;
	s28 =	sadd.s32 $0x8458, s15;
	[dreg:$0x13] =	wrdreg s21  }
0x17: {  	s0 =	simm.s32 $0x4;
	s13 =	simm.s32 $0x15DF0;
	[dreg:$0x17] =	wrdreg s25  }
0x18: {  	s11 =	simm.s32 $0x15FA8;
	s6 =	sadd.s32 s1, s6;
	[dreg:$0x19] =	wrdreg s28  }
0x19: {  	s26 =	sshrl.u32 s14, $0x3;
	s30 =	sshrl.u32 s9, $0x3;
	[dreg:$0x7] =	wrdreg s16  }
0x1a: {  	s14 =	simm.s32 $0x3;
	s17 =	simm.s32 $0x15E48;
	s18 =	simm.s32 $0x10540  }
0x1b: {  	s20 =	simm.s32 $0x11300;
	[dreg:$0x8] =	wrdreg s6;
	s6 =	sadd.s32 s1, s19  }
0x1c: {  	s21 =	simm.s32 $0x15EF8;
	s19 =	sshrl.u32 s23, $0x3;
	[dreg:$0x9] =	wrdreg s6  }
0x1d: {  	s25 =	simm.s32 $0x13C40;
	s6 =	sadd.s32 s1, s22;
	[dreg:$0x11] =	wrdreg s19  }
0x1e: {  	s22 =	sshrl.u32 s31, $0x3;
	s31 =	sadd.s32 $0x500, s16;
	[dreg:$0xa] =	wrdreg s6  }
0x1f: {  	s16 =	simm.s32 $0xF780;
	s19 =	simm.s32 $0x15EA0;
	[dreg:$0x14] =	wrdreg s22  }
0x20: {  	s6 =	sshrl.u32 s24, $0x3;
	s24 =	sadd.s32 $0x8400, s15;
	[dreg:$0x1b] =	wrdreg s31  }
0x21: {  	s22 =	simm.s32 $0x120C0;
	s6 =	sadd.s32 s1, s6;
	[dreg:$0x16] =	wrdreg s24  }
0x22: {  	v0 =	vimm.f32 $0.0e+00;
	v1 =	vimm.s32 $0x0;
	s24 =	simm.s32 $0x12E80;
	[dreg:$0xb] =	wrdreg s6;
	s6 =	sadd.s32 s1, s26  }
.Ltmp0:
0x23: {  	v2 =	vimm.s32 $0x1;
	v3 =	vimm.s32 $0x2;
	v4 =	vimm.s32 $0x3;
	s1 =	sadd.s32 s1, s30;
	[dreg:$0xc] =	wrdreg s6;
	(pc) =	sbr.rel .LBB2_1-.Ltmp0, $4  }
0x24: {  	v5 =	vimm.s32 $0x4;
	v6 =	vimm.s32 $0x5;
	v7 =	vimm.s32 $0x6;
	s26 =	sadd.s32 $0x58, s15;
	s30 =	sadd.s32 $0x10858, s15;
	[dreg:$0xd] =	wrdreg s1  }
0x25: {  	v8 =	vimm.s32 $0x7;
	v9 =	vimm.s32 $0x8;
	v10 =	vimm.s32 $0x9;
	s15 =	simm.s32 $0x58;
	s6 =	sadd.s32 $0x8C00, s29;
	[dreg:$0x18] =	wrdreg s26  }
0x26: {  	v11 =	vimm.s32 $0xA;
	v12 =	vimm.s32 $0xB;
	v13 =	vimm.s32 $0xC;
	[dreg:$0x1a] =	wrdreg s30;
	s1 =	simm.s32 $0x5;
	s23 =	sshrl.u32 s6, $0x3  }
0x27: {  	v14 =	vimm.s32 $0xD;
	v15 =	vimm.s32 $0xE;
	v16 =	vimm.s32 $0xF;
	s26 =	simm.s32 $0x2;
	[dreg:$0x15] =	wrdreg s23;
	s23 =	simm.s32 $0x15F50  }
.LBB2_14:
0x28: {  	s28 =	simm.s32 $0x1  }
0x29: {  	_ =	swait.ge [sflag:s28], $0x6E00  }
0x2a: {  	[sflag:s28] =	ssyncset.done $0x0  }
0x2b: {  	[sflag:s28] =	ssyncadd.s32 $0xFFFF9200  }
0x2c: {  	_ =	swait.ge [sflag:s26], $0x6E00  }
0x2d: {  	[sflag:s26] =	ssyncset.done $0x0  }
0x2e: {  	[sflag:s26] =	ssyncadd.s32 $0xFFFF9200  }
0x2f: {  	s6 =	stileid.u32;
	[bflag:$0x0] =	sbarrier.arrive $0xFFFF  }
0x30: {  	s30 =	simm.s32 $0xA;
	s6 =	sshll.u32 s6, $0x6;
	s29 =	rddreg [dreg:$0x4]  }
0x31: {  	s6 =	sor.u32 $0x1C05, s6;
	s9 =	rddreg [dreg:$0x7];
	s7 =	sshrl.u32 s29, $0x3  }
0x32: {  	[hbm:s9@s30], [sflag:s6] =	dma.strided [spmem:s7@s1], $0x280, s28, $0x5   }
0x33: {  	_ =	swait.ge [sflag:s1], $0x280  }
0x34: {  	[sflag:s1] =	ssyncset.done $0x0;
	s9 =	rddreg [dreg:$0xf]  }
0x35: {  	s31 =	rddreg [dreg:$0x1b];
	[sflag:s1] =	ssyncadd.s32 $0xFFFFFD80  }
0x36: {  	[hbm:s31@s30], [sflag:s6] =	dma.strided [spmem:s9@s1], $0x280, s28, $0x5   }
0x37: {  	_ =	swait.ge [sflag:s1], $0x280  }
0x38: {  	[sflag:s1] =	ssyncset.done $0x0;
	s9 =	rddreg [dreg:$0x8]  }
0x39: {  	s31 =	rddreg [dreg:$0x10];
	[sflag:s1] =	ssyncadd.s32 $0xFFFFFD80  }
0x3a: {  	[hbm:s9@s30], [sflag:s6] =	dma.strided [spmem:s31@s1], $0x280, s28, $0x5   }
0x3b: {  	_ =	swait.ge [sflag:s1], $0x280  }
0x3c: {  	[sflag:s1] =	ssyncset.done $0x0;
	s9 =	rddreg [dreg:$0x9]  }
0x3d: {  	s31 =	rddreg [dreg:$0x11];
	[sflag:s1] =	ssyncadd.s32 $0xFFFFFD80  }
0x3e: {  	[hbm:s9@s30], [sflag:s6] =	dma.strided [spmem:s31@s1], $0x280, s28, $0x5   }
0x3f: {  	_ =	swait.ge [sflag:s1], $0x280  }
0x40: {  	[sflag:s1] =	ssyncset.done $0x0;
	s9 =	rddreg [dreg:$0xa]  }
0x41: {  	s31 =	rddreg [dreg:$0x12];
	[sflag:s1] =	ssyncadd.s32 $0xFFFFFD80  }
0x42: {  	[hbm:s9@s30], [sflag:s6] =	dma.strided [spmem:s31@s1], $0x280, s28, $0x5   }
0x43: {  	_ =	swait.ge [sflag:s1], $0x280  }
0x44: {  	[sflag:s1] =	ssyncset.done $0x0;
	s9 =	rddreg [dreg:$0xb]  }
0x45: {  	s31 =	rddreg [dreg:$0x13];
	[sflag:s1] =	ssyncadd.s32 $0xFFFFFD80  }
0x46: {  	[hbm:s9@s30], [sflag:s6] =	dma.strided [spmem:s31@s1], $0x280, s28, $0x5   }
0x47: {  	_ =	swait.ge [sflag:s1], $0x280  }
0x48: {  	[sflag:s1] =	ssyncset.done $0x0;
	s9 =	rddreg [dreg:$0xc]  }
0x49: {  	s31 =	rddreg [dreg:$0x14];
	[sflag:s1] =	ssyncadd.s32 $0xFFFFFD80  }
0x4a: {  	[hbm:s9@s30], [sflag:s6] =	dma.strided [spmem:s31@s1], $0x280, s28, $0x5   }
0x4b: {  	_ =	swait.ge [sflag:s1], $0x280  }
0x4c: {  	[sflag:s1] =	ssyncset.done $0x0;
	s9 =	rddreg [dreg:$0xd]  }
0x4d: {  	s31 =	rddreg [dreg:$0x15];
	[sflag:s1] =	ssyncadd.s32 $0xFFFFFD80  }
0x4e: {  	[hbm:s9@s30], [sflag:s6] =	dma.strided [spmem:s31@s1], $0x280, s28, $0x5   }
0x4f: {  	_ =	swait.ge [sflag:s1], $0x280  }
0x50: {  	s30 =	rddreg [dreg:$0x1c]  }
0x51: {  	s31 =	rddreg [dreg:$0xe];
	s7 =	sadd.s32 $0x1, s30  }
0x52: {  	p0 =	sne.s32 s7, s31  }
.Ltmp1:
0x53: {  	_ = 	snop;
	(pc) =	sbr.rel @!p0 .LBB2_15-.Ltmp1, $3  }
0x54: {  	_ =	sdelay $0x1  }
0x55: {  	[sflag:s1] =	ssyncset.done $0x0  }
0x56: {  	[sflag:s1] =	ssyncadd.s32 $0xFFFFFD80  }
.LBB2_1:
0x57: {  	s9 =	simm.s32 $0x0  }
0x58: {  	[dreg:$0x1c] =	wrdreg s7;
	s6 =	simm.s32 $0xA0;
	[tilespmem:s9+$0x10] =	vst v0  }
.LBB2_2:
0x59: {  	p0 =	sne.s32 s6, $0x1B760;
	[tilespmem:s9+$0x18] =	vst v0;
	s28 =	smov.u32 s6;
	s6 =	sadd.s32 $0xA0, s6  }
.Ltmp2:
0x5a: {  	[tilespmem:s9+$0x0] =	vst v0;
	(pc) =	sbr.rel @p0 .LBB2_2-.Ltmp2, $3  }
0x5b: {  	_ =	sdelay $0x1  }
0x5c: {  	s9 =	sshra.s32 s28, $0x2  }
0x5d: {  	[tilespmem:s9+$0x10] =	vst v0  }
0x5e: {  	[tilespmem:s9+$0x18] =	vst v0  }
0x5f: {  	[tilespmem:s9+$0x0] =	vst v0;
	s28 =	simm.s32 $0x0  }
0x60: {  	[spmem:s29] =	stream.linear.scatter [tilespmem:s28], [sflag:$0x5], $0x6E00, $0x38;
	v63 =	vld [tilespmem:$0x0]  }
0x61: {  	_ =	swait.ge [sflag:s1], $0x6E00  }
0x62: {  	[sflag:s1] =	ssyncset.done $0x0  }
0x63: {  	s6 =	rddreg [dreg:$0x5];
	[sflag:s1] =	ssyncadd.s32 $0xFFFF9200  }
0x64: {  	[spmem:s6] =	stream.linear.scatter [tilespmem:s28], [sflag:$0x5], $0x3200, $0x38;
	v63 =	vld [tilespmem:$0x0]  }
0x65: {  	_ =	swait.ge [sflag:s1], $0x3200  }
0x66: {  	[sflag:s1] =	ssyncset.done $0x0  }
0x67: {  	[sflag:s1] =	ssyncadd.s32 $0xFFFFCE00  }
0x68: {  	[bflag:$0x0] =	sbarrier.arrive $0xFFFF  }
0x69: {  	s7 =	simm.s32 $0x14A00;
	s9 =	rddreg [dreg:$0x6]  }
0x6a: {  	[tilespmem:s7], [sflag:$0x3] =	stream.linear.gather [hbm4b:s9+s28], $0x2C0, $0x38;
	v63 =	vld [tilespmem:$0x0]  }
0x6b: {  	s31 =	simm.s32 $0x14CC0;
	s30 =	rddreg [dreg:$0x16]  }
0x6c: {  	[tilespmem:s31], [sflag:$0x3] =	stream.linear.gather [hbm4b:s30+s28], $0x2C0, $0x38;
	v63 =	vld [tilespmem:$0x0]  }
0x6d: {  	s7 =	rddreg [dreg:$0x17];
	s9 =	simm.s32 $0x14F80  }
0x6e: {  	[tilespmem:s9], [sflag:$0x3] =	stream.linear.gather [hbm4b:s7+s28], $0x2C0, $0x38;
	v63 =	vld [tilespmem:$0x0]  }
0x6f: {  	s30 =	rddreg [dreg:$0x18];
	s31 =	simm.s32 $0x15240  }
0x70: {  	[tilespmem:s31], [sflag:$0x4] =	stream.linear.gather [hbm4b:s30+s28], $0x2C0, $0x38;
	v63 =	vld [tilespmem:$0x0]  }
0x71: {  	s7 =	rddreg [dreg:$0x19];
	s9 =	simm.s32 $0x15500  }
0x72: {  	[tilespmem:s9], [sflag:$0x4] =	stream.linear.gather [hbm4b:s7+s28], $0x2C0, $0x38;
	v63 =	vld [tilespmem:$0x0]  }
0x73: {  	s29 =	simm.s32 $0xFFFFFFFF;
	s30 =	rddreg [dreg:$0x1a];
	s31 =	simm.s32 $0x157C0  }
0x74: {  	[tilespmem:s31], [sflag:$0x4] =	stream.linear.gather [hbm4b:s30+s28], $0x2C0, $0x38;
	v63 =	vld [tilespmem:$0x0]  }
.LBB2_4:
0x75: {  	s6 =	sshll.u32 s28, $0x1  }
0x76: {  	s30 =	sadd.s32 s8, s6  }
0x77: {  	s9 =	smov.u32 s29;
	s29 =	sshrl.u32 s30, $0x6  }
0x78: {  	p0 =	seq.s32 s29, s9  }
0x79: {  	s6 =	smul.u32 @!p0 $0x6E00, s29;
	_ =	sdelay $0x1  }
0x7a: {  	s6 =	sadd.s32 @!p0 s10, s6  }
0x7b: {  	s6 =	sshrl.u32 @!p0 s6, $0x3  }
0x7c: {  	s9 =	simm.s32 @!p0 $0x0;
	s6 =	sadd.s32 @!p0 s4, s6  }
0x7d: {  	[tilespmem:s9], [sflag:$0x5] =	stream.linear.gather @!p0 [hbm4b:s6+s9], $0x6E00, $0x38;
	v63 =	vld [tilespmem:$0x0]  }
0x7e: {  	s6 =	simm.s32 @!p0 $0x5  }
0x7f: {  	_ =	swait.ge @!p0 [sflag:s6], $0x6E00  }
0x80: {  	p1 =	seq.s32 s28, $0x0;
	[sflag:s6] =	ssyncset.done @!p0 $0x0  }
0x81: {  	[sflag:s6] =	ssyncadd.s32 @!p0 $0xFFFF9200;
	s6 =	simm.s32 @!p1 $0x1  }
0x82: {  	_ =	swait.ge @!p1 [sflag:s6], $0x6E00  }
0x83: {  	[sflag:s6] =	ssyncset.done @!p1 $0x0  }
0x84: {  	[sflag:s6] =	ssyncadd.s32 @!p1 $0xFFFF9200  }
0x85: {  	_ =	swait.ge [sflag:s14], $0x2C0  }
0x86: {  	[sflag:s14] =	ssyncset.done $0x0  }
0x87: {  	[sflag:s14] =	ssyncadd.s32 $0xFFFFFD40  }
0x88: {  	_ =	swait.ge [sflag:s14], $0x2C0  }
0x89: {  	[sflag:s14] =	ssyncset.done $0x0  }
0x8a: {  	[sflag:s14] =	ssyncadd.s32 $0xFFFFFD40  }
0x8b: {  	_ =	swait.ge [sflag:s14], $0x2C0  }
0x8c: {  	[sflag:s14] =	ssyncset.done $0x0  }
0x8d: {  	s31 =	simm.s32 $0x0;
	[sflag:s14] =	ssyncadd.s32 $0xFFFFFD40  }
0x8e: {  	v17 =	vld [tilespmem:s31+$0x14D00]  }
0x8f: {  	v18 =	vld [tilespmem:s31+$0x14D08]  }
0x90: {  	v19 =	vld [tilespmem:s31+$0x14FC0]  }
0x91: {  	v20 =	vld [tilespmem:s31+$0x14FC8]  }
0x92: {  	v21 =	vld [tilespmem:s31+$0x14F80]  }
0x93: {  	v22 =	vld [tilespmem:s31+$0x14F90]  }
0x94: {  	v23 =	vld [tilespmem:s31+$0x14FA0]  }
0x95: {  	v24 =	vld [tilespmem:s31+$0x14FB0]  }
0x96: {  	v25 =	vld [tilespmem:s31+$0x14CC0]  }
0x97: {  	v27 =	vld [tilespmem:s31+$0x14CD0];
	_ =	sdelay $0x1  }
0x98: {  	vm0 =	vgt.s32 v17, $0x0;
	vm1 =	vgt.s32 v19, $0x0;
	vm2 =	vgt.s32 v18, $0x0  }
0x99: {  	v28 =	vld [tilespmem:s31+$0x14CE0];
	vm8 =	vgt.s32 v20, $0x0;
	vm9 =	vgt.s32 v21, $0x0;
	vm10 =	vgt.s32 v22, $0x0  }
0x9a: {  	v29 =	vld [tilespmem:s31+$0x14CF0];
	vm11 =	vgt.s32 v23, $0x0;
	vm12 =	vgt.s32 v24, $0x0;
	vm13 =	vgt.s32 v25, $0x0  }
0x9b: {  	vm14 =	vgt.s32 v27, $0x0;
	v17 =	vnsel vm0, $0x0, v17;
	v19 =	vnsel vm1, $0x0, v19  }
0x9c: {  	v18 =	vnsel vm2, $0x0, v18;
	v20 =	vnsel vm8, $0x0, v20;
	v19 =	vmin.u32 v19, $0x7F  }
0x9d: {  	v17 =	vmin.u32 v17, $0x7F;
	v20 =	vmin.u32 v20, $0x7F;
	v19 =	vshll.u32 v19, $0x7  }
0x9e: {  	v18 =	vmin.u32 v18, $0x7F;
	v17 =	vor.u32 v17, v19;
	v19 =	vshll.u32 v20, $0x7  }
0x9f: {  	vm15 =	vgt.s32 v28, $0x0;
	vm3 =	vgt.s32 v29, $0x0;
	v18 =	vor.u32 v18, v19;
	[tilespmem:s31+$0x15AC0] =	vst v17  }
0xa0: {  	s6 =	simm.s32 $0x58;
	v26 =	vnsel vm13, $0x0, v25;
	v27 =	vnsel vm14, $0x0, v27;
	v25 =	vnsel vm15, $0x0, v28;
	[tilespmem:s31+$0x15AC8] =	vst v18  }
0xa1: {  	v20 =	vnsel vm11, $0x0, v23;
	v19 =	vnsel vm9, $0x0, v21;
	v17 =	vnsel vm10, $0x0, v22;
	v18 =	vld [tilespmem:s6+$0x14D00]  }
0xa2: {  	v22 =	vnsel vm12, $0x0, v24;
	v24 =	vmin.u32 v20, $0x7F;
	v21 =	vmin.u32 v17, $0x7F;
	v17 =	vld [tilespmem:s6+$0x14D08]  }
0xa3: {  	s9 =	simm.s32 $0x2C0;
	v23 =	vmin.u32 v19, $0x7F;
	v20 =	vmin.u32 v22, $0x7F;
	v22 =	vnsel vm3, $0x0, v29;
	v19 =	vld [tilespmem:s6+$0x14FC0]  }
.LBB2_5:
0xa4: {  	p0 =	sne.s32 s9, $0x9A0;
	v28 =	vld [tilespmem:s6+$0x14FC8];
	v23 =	vshll.u32 v23, $0x7;
	v21 =	vshll.u32 v21, $0x7;
	v24 =	vshll.u32 v24, $0x7  }
0xa5: {  	v26 =	vmin.u32 v26, $0x7F;
	v27 =	vmin.u32 v27, $0x7F;
	v20 =	vshll.u32 v20, $0x7;
	v29 =	vld [tilespmem:s6+$0x14F80]  }
0xa6: {  	v25 =	vmin.u32 v25, $0x7F;
	v22 =	vmin.u32 v22, $0x7F;
	v23 =	vor.u32 v26, v23;
	v30 =	vld [tilespmem:s6+$0x14F90]  }
0xa7: {  	v21 =	vor.u32 v27, v21;
	v20 =	vor.u32 v22, v20;
	v26 =	vld [tilespmem:s6+$0x14FA0];
	[tilespmem:s31+$0x15A80] =	vst v23;
	v23 =	vor.u32 v25, v24  }
0xa8: {  	vm0 =	vgt.s32 v18, $0x0;
	vm2 =	vgt.s32 v17, $0x0;
	v22 =	vld [tilespmem:s6+$0x14FB0];
	vm1 =	vgt.s32 v19, $0x0;
	[tilespmem:s31+$0x15A90] =	vst v21  }
0xa9: {  	v18 =	vnsel vm0, $0x0, v18;
	v24 =	vld [tilespmem:s6+$0x14CC0];
	v19 =	vnsel vm1, $0x0, v19;
	vm0 =	vgt.s32 v28, $0x0;
	[tilespmem:s31+$0x15AA0] =	vst v23  }
0xaa: {  	v17 =	vnsel vm2, $0x0, v17;
	v25 =	vld [tilespmem:s6+$0x14CD0];
	v19 =	vmin.u32 v19, $0x7F;
	v21 =	vnsel vm0, $0x0, v28;
	[tilespmem:s31+$0x15AB0] =	vst v20;
	s31 =	smov.u32 s6  }
0xab: {  	v18 =	vmin.u32 v18, $0x7F;
	v28 =	vld [tilespmem:s31+$0x14CE0];
	v19 =	vshll.u32 v19, $0x7;
	v20 =	vmin.u32 v21, $0x7F  }
0xac: {  	v17 =	vmin.u32 v17, $0x7F;
	v31 =	vld [tilespmem:s31+$0x14CF0];
	v18 =	vor.u32 v18, v19;
	v19 =	vshll.u32 v20, $0x7  }
0xad: {  	vm0 =	vgt.s32 v29, $0x0;
	vm1 =	vgt.s32 v30, $0x0;
	[tilespmem:s31+$0x15AC0] =	vst v18;
	v17 =	vor.u32 v17, v19  }
0xae: {  	v19 =	vnsel vm0, $0x0, v29;
	vm0 =	vgt.s32 v26, $0x0;
	vm2 =	vgt.s32 v22, $0x0;
	[tilespmem:s31+$0x15AC8] =	vst v17  }
.Ltmp3:
0xaf: {  	v17 =	vnsel vm1, $0x0, v30;
	v20 =	vnsel vm0, $0x0, v26;
	v22 =	vnsel vm2, $0x0, v22;
	(pc) =	sbr.rel @p0 .LBB2_5-.Ltmp3, $4  }
0xb0: {  	s6 =	sshra.s32 s9, $0x2;
	vm0 =	vgt.s32 v24, $0x0;
	vm1 =	vgt.s32 v25, $0x0;
	vm2 =	vgt.s32 v28, $0x0  }
0xb1: {  	v23 =	vmin.u32 v19, $0x7F;
	v21 =	vmin.u32 v17, $0x7F;
	v18 =	vld [tilespmem:s6+$0x14D00];
	vm3 =	vgt.s32 v31, $0x0  }
0xb2: {  	v26 =	vnsel vm0, $0x0, v24;
	v24 =	vmin.u32 v20, $0x7F;
	v20 =	vmin.u32 v22, $0x7F;
	v17 =	vld [tilespmem:s6+$0x14D08]  }
0xb3: {  	s9 =	sadd.s32 $0x160, s9;
	v27 =	vnsel vm1, $0x0, v25;
	v25 =	vnsel vm2, $0x0, v28;
	v22 =	vnsel vm3, $0x0, v31;
	v19 =	vld [tilespmem:s6+$0x14FC0]  }
0xb4: {  	v28 =	vld [tilespmem:s6+$0x14FC8];
	v23 =	vshll.u32 v23, $0x7;
	v26 =	vmin.u32 v26, $0x7F  }
0xb5: {  	v29 =	vld [tilespmem:s6+$0x14F80];
	v21 =	vshll.u32 v21, $0x7;
	v27 =	vmin.u32 v27, $0x7F;
	v55 =	vshll.u32 v24, $0x7  }
0xb6: {  	v30 =	vld [tilespmem:s6+$0x14F90];
	v56 =	vmin.u32 v25, $0x7F;
	v20 =	vshll.u32 v20, $0x7;
	v22 =	vmin.u32 v22, $0x7F  }
0xb7: {  	v54 =	vld [tilespmem:s6+$0x14FA0];
	v23 =	vor.u32 v26, v23;
	v21 =	vor.u32 v27, v21;
	v20 =	vor.u32 v22, v20  }
0xb8: {  	[tilespmem:s31+$0x15A80] =	vst v23;
	v23 =	vor.u32 v56, v55;
	vm0 =	vgt.s32 v18, $0x0;
	vm2 =	vgt.s32 v17, $0x0  }
0xb9: {  	v18 =	vnsel vm0, $0x0, v18;
	vm1 =	vgt.s32 v19, $0x0;
	v17 =	vnsel vm2, $0x0, v17  }
0xba: {  	v18 =	vmin.u32 v18, $0x7F;
	v19 =	vnsel vm1, $0x0, v19;
	vm8 =	vgt.s32 v28, $0x0  }
0xbb: {  	v57 =	vld [tilespmem:s6+$0x14FB0];
	[tilespmem:s31+$0x15A90] =	vst v21;
	v17 =	vmin.u32 v17, $0x7F;
	vm9 =	vgt.s32 v29, $0x0;
	vm10 =	vgt.s32 v30, $0x0  }
0xbc: {  	v21 =	vld [tilespmem:s6+$0x14CC0];
	[tilespmem:s31+$0x15AA0] =	vst v23;
	vm11 =	vgt.s32 v54, $0x0;
	v19 =	vmin.u32 v19, $0x7F;
	v59 =	vnsel vm8, $0x0, v28  }
0xbd: {  	v58 =	vld [tilespmem:s6+$0x14CD0];
	[tilespmem:s31+$0x15AB0] =	vst v20;
	v60 =	vnsel vm9, $0x0, v29;
	v61 =	vnsel vm10, $0x0, v30;
	v26 =	vnsel vm11, $0x0, v54  }
0xbe: {  	v20 =	vld [tilespmem:s6+$0x14CE0];
	v19 =	vshll.u32 v19, $0x7;
	v23 =	vmin.u32 v59, $0x7F;
	v24 =	vmin.u32 v61, $0x7F  }
0xbf: {  	v26 =	vmin.u32 v26, $0x7F;
	v18 =	vor.u32 v18, v19;
	v19 =	vld [tilespmem:s6+$0x14CF0];
	v23 =	vshll.u32 v23, $0x7  }
0xc0: {  	vm12 =	vgt.s32 v57, $0x0;
	v62 =	vshll.u32 v26, $0x7;
	v17 =	vor.u32 v17, v23  }
0xc1: {  	v25 =	vnsel vm12, $0x0, v57;
	vm13 =	vgt.s32 v21, $0x0;
	v23 =	vmin.u32 v60, $0x7F;
	[tilespmem:s6+$0x15AC0] =	vst v18  }
0xc2: {  	vm14 =	vgt.s32 v58, $0x0;
	v21 =	vnsel vm13, $0x0, v21;
	[tilespmem:s6+$0x15AC8] =	vst v17;
	v17 =	vshll.u32 v24, $0x7  }
0xc3: {  	vm15 =	vgt.s32 v20, $0x0;
	v22 =	vnsel vm14, $0x0, v58;
	v21 =	vmin.u32 v21, $0x7F  }
0xc4: {  	v20 =	vnsel vm15, $0x0, v20;
	v22 =	vmin.u32 v22, $0x7F;
	vm3 =	vgt.s32 v19, $0x0  }
0xc5: {  	v17 =	vor.u32 v22, v17;
	v18 =	vnsel vm3, $0x0, v19;
	v19 =	vshll.u32 v23, $0x7  }
0xc6: {  	v25 =	vmin.u32 v25, $0x7F;
	v20 =	vmin.u32 v20, $0x7F;
	[tilespmem:s6+$0x15A90] =	vst v17;
	v19 =	vor.u32 v21, v19  }
0xc7: {  	v20 =	vor.u32 v20, v62;
	v18 =	vmin.u32 v18, $0x7F;
	[tilespmem:s6+$0x15A80] =	vst v19;
	v19 =	vshll.u32 v25, $0x7  }
0xc8: {  	[tilespmem:s6+$0x15AA0] =	vst v20;
	v17 =	vor.u32 v18, v19  }
0xc9: {  	s9 =	simm.s32 $0x14A00;
	s31 =	simm.s32 $0x9C0;
	[tilespmem:s6+$0x15AB0] =	vst v17  }
.LBB2_7:
0xca: {  	v17 =	vld [tilespmem:s9+$0x0]  }
0xcb: {  	s6 =	sshra.s32 s31, $0x2  }
0xcc: {  	v18 =	vld [tilespmem:s6+$0xFFFFFD90]  }
0xcd: {  	v19 =	vld [tilespmem:s6+$0xFFFFFDA0]  }
0xce: {  	v20 =	vld [tilespmem:s6+$0xFFFFFDA8]  }
0xcf: {  	v22 =	vld [tilespmem:s6+$0xFFFFFDB8];
	v21 =	vperm.xlane v17, v1  }
0xd0: {  	v23 =	vld [tilespmem:s6+$0xFFFFFDC8]  }
0xd1: {  	v24 =	vld [tilespmem:s6+$0xFFFFFDD0];
	v18 =	vmul.f32 v18, v21  }
0xd2: {  	v26 =	vld [tilespmem:s6+$0xFFFFFDE0];
	v25 =	vperm.xlane v17, v2;
	v19 =	vmul.f32 v19, v21  }
0xd3: {  	v44 =	vld [tilespmem:s6+$0xFFFFFDF0];
	[tilespmem:s6+$0x6B90] =	vst v18;
	v18 =	vmul.f32 v20, v21  }
0xd4: {  	v45 =	vld [tilespmem:s6+$0xFFFFFDF8];
	[tilespmem:s6+$0x6BA0] =	vst v19;
	v19 =	vmul.f32 v22, v25  }
0xd5: {  	v47 =	vld [tilespmem:s6+$0xFFFFFE08];
	v46 =	vperm.xlane v17, v3;
	[tilespmem:s6+$0x6BA8] =	vst v18;
	v18 =	vmul.f32 v23, v25  }
0xd6: {  	v48 =	vld [tilespmem:s6+$0xFFFFFE18];
	[tilespmem:s6+$0x6BB8] =	vst v19;
	v19 =	vmul.f32 v24, v25  }
0xd7: {  	v49 =	vld [tilespmem:s6+$0xFFFFFE20];
	[tilespmem:s6+$0x6BC8] =	vst v18;
	v18 =	vmul.f32 v26, v46  }
0xd8: {  	v51 =	vld [tilespmem:s6+$0xFFFFFE30];
	v50 =	vperm.xlane v17, v4;
	[tilespmem:s6+$0x6BD0] =	vst v19;
	v19 =	vmul.f32 v44, v46  }
0xd9: {  	v52 =	vld [tilespmem:s6+$0xFFFFFE40];
	[tilespmem:s6+$0x6BE0] =	vst v18;
	v18 =	vmul.f32 v45, v46  }
0xda: {  	v53 =	vld [tilespmem:s6+$0xFFFFFE48];
	[tilespmem:s6+$0x6BF0] =	vst v19;
	v19 =	vmul.f32 v47, v50  }
0xdb: {  	v55 =	vld [tilespmem:s6+$0xFFFFFE58];
	v54 =	vperm.xlane v17, v5;
	[tilespmem:s6+$0x6BF8] =	vst v18;
	v18 =	vmul.f32 v48, v50  }
0xdc: {  	v56 =	vld [tilespmem:s6+$0xFFFFFE68];
	[tilespmem:s6+$0x6C08] =	vst v19;
	v19 =	vmul.f32 v49, v50  }
0xdd: {  	v57 =	vld [tilespmem:s6+$0xFFFFFE70];
	[tilespmem:s6+$0x6C18] =	vst v18;
	v18 =	vmul.f32 v51, v54  }
0xde: {  	v59 =	vld [tilespmem:s6+$0xFFFFFE80];
	v58 =	vperm.xlane v17, v6;
	[tilespmem:s6+$0x6C20] =	vst v19;
	v19 =	vmul.f32 v52, v54  }
0xdf: {  	v60 =	vld [tilespmem:s6+$0xFFFFFE90];
	[tilespmem:s6+$0x6C30] =	vst v18;
	v18 =	vmul.f32 v53, v54  }
0xe0: {  	v61 =	vld [tilespmem:s6+$0xFFFFFE98];
	[tilespmem:s6+$0x6C40] =	vst v19;
	v19 =	vmul.f32 v55, v58  }
0xe1: {  	v28 =	vld [tilespmem:s6+$0xFFFFFEA8];
	v62 =	vperm.xlane v17, v7;
	[tilespmem:s6+$0x6C48] =	vst v18;
	v18 =	vmul.f32 v56, v58  }
0xe2: {  	v29 =	vld [tilespmem:s6+$0xFFFFFEB8];
	[tilespmem:s6+$0x6C58] =	vst v19;
	v19 =	vmul.f32 v57, v58  }
0xe3: {  	v30 =	vld [tilespmem:s6+$0xFFFFFEC0];
	[tilespmem:s6+$0x6C68] =	vst v18;
	v18 =	vmul.f32 v59, v62  }
0xe4: {  	v32 =	vld [tilespmem:s6+$0xFFFFFED0];
	v31 =	vperm.xlane v17, v8;
	[tilespmem:s6+$0x6C70] =	vst v19;
	v19 =	vmul.f32 v60, v62  }
0xe5: {  	v33 =	vld [tilespmem:s6+$0xFFFFFEE0];
	[tilespmem:s6+$0x6C80] =	vst v18;
	v18 =	vmul.f32 v61, v62  }
0xe6: {  	v34 =	vld [tilespmem:s6+$0xFFFFFEE8];
	[tilespmem:s6+$0x6C90] =	vst v19;
	v19 =	vmul.f32 v28, v31  }
0xe7: {  	v36 =	vld [tilespmem:s6+$0xFFFFFEF8];
	v35 =	vperm.xlane v17, v9;
	[tilespmem:s6+$0x6C98] =	vst v18;
	v18 =	vmul.f32 v29, v31  }
0xe8: {  	v37 =	vld [tilespmem:s6+$0xFFFFFF08];
	[tilespmem:s6+$0x6CA8] =	vst v19;
	v19 =	vmul.f32 v30, v31  }
0xe9: {  	v38 =	vld [tilespmem:s6+$0xFFFFFF10];
	[tilespmem:s6+$0x6CB8] =	vst v18;
	v18 =	vmul.f32 v32, v35  }
0xea: {  	v40 =	vld [tilespmem:s6+$0xFFFFFF20];
	v39 =	vperm.xlane v17, v10;
	[tilespmem:s6+$0x6CC0] =	vst v19;
	v19 =	vmul.f32 v33, v35  }
0xeb: {  	v41 =	vld [tilespmem:s6+$0xFFFFFF30];
	[tilespmem:s6+$0x6CD0] =	vst v18;
	v18 =	vmul.f32 v34, v35  }
0xec: {  	v42 =	vld [tilespmem:s6+$0xFFFFFF38];
	[tilespmem:s6+$0x6CE0] =	vst v19;
	v19 =	vmul.f32 v36, v39  }
0xed: {  	v43 =	vperm.xlane v17, v11;
	v44 =	vld [tilespmem:s6+$0xFFFFFF48];
	[tilespmem:s6+$0x6CE8] =	vst v18;
	v18 =	vmul.f32 v37, v39  }
0xee: {  	v45 =	vld [tilespmem:s6+$0xFFFFFF58];
	[tilespmem:s6+$0x6CF8] =	vst v19;
	v19 =	vmul.f32 v38, v39  }
0xef: {  	v46 =	vld [tilespmem:s6+$0xFFFFFF60];
	[tilespmem:s6+$0x6D08] =	vst v18;
	v18 =	vmul.f32 v40, v43  }
0xf0: {  	v47 =	vperm.xlane v17, v12;
	v48 =	vld [tilespmem:s6+$0xFFFFFF70];
	[tilespmem:s6+$0x6D10] =	vst v19;
	v19 =	vmul.f32 v41, v43  }
0xf1: {  	v49 =	vld [tilespmem:s6+$0xFFFFFF80];
	[tilespmem:s6+$0x6D20] =	vst v18;
	v18 =	vmul.f32 v42, v43  }
0xf2: {  	v50 =	vld [tilespmem:s6+$0xFFFFFF88];
	[tilespmem:s6+$0x6D30] =	vst v19;
	v19 =	vmul.f32 v44, v47  }
0xf3: {  	v51 =	vperm.xlane v17, v13;
	v52 =	vld [tilespmem:s6+$0xFFFFFF98];
	[tilespmem:s6+$0x6D38] =	vst v18;
	v18 =	vmul.f32 v45, v47  }
0xf4: {  	v53 =	vld [tilespmem:s6+$0xFFFFFFA8];
	[tilespmem:s6+$0x6D48] =	vst v19;
	v19 =	vmul.f32 v46, v47  }
0xf5: {  	v54 =	vld [tilespmem:s6+$0xFFFFFFB0];
	[tilespmem:s6+$0x6D58] =	vst v18;
	v18 =	vmul.f32 v48, v51  }
0xf6: {  	v55 =	vperm.xlane v17, v14;
	v56 =	vld [tilespmem:s6+$0xFFFFFFC0];
	[tilespmem:s6+$0x6D60] =	vst v19;
	v19 =	vmul.f32 v49, v51  }
0xf7: {  	v57 =	vld [tilespmem:s6+$0xFFFFFFD0];
	[tilespmem:s6+$0x6D70] =	vst v18;
	v18 =	vmul.f32 v50, v51  }
0xf8: {  	v58 =	vld [tilespmem:s6+$0xFFFFFFD8];
	[tilespmem:s6+$0x6D80] =	vst v19;
	v19 =	vmul.f32 v52, v55  }
0xf9: {  	v59 =	vperm.xlane v17, v15;
	v60 =	vld [tilespmem:s6+$0xFFFFFFE8];
	[tilespmem:s6+$0x6D88] =	vst v18;
	v18 =	vmul.f32 v53, v55  }
0xfa: {  	v61 =	vld [tilespmem:s6+$0xFFFFFFF8];
	[tilespmem:s6+$0x6D98] =	vst v19;
	v19 =	vmul.f32 v54, v55  }
0xfb: {  	v62 =	vld [tilespmem:s6+$0x0];
	[tilespmem:s6+$0x6DA8] =	vst v18;
	v18 =	vmul.f32 v56, v59  }
0xfc: {  	v17 =	vperm.xlane v17, v16;
	[tilespmem:s6+$0x6DB0] =	vst v19;
	v19 =	vmul.f32 v57, v59  }
0xfd: {  	p0 =	sne.s32 s31, $0x1B7C0;
	[tilespmem:s6+$0x6DC0] =	vst v18;
	v18 =	vmul.f32 v58, v59  }
.Ltmp4:
0xfe: {  	[tilespmem:s6+$0x6DD0] =	vst v19;
	v19 =	vmul.f32 v60, v17;
	(pc) =	sbr.rel @p0 .LBB2_7-.Ltmp4, $4  }
0xff: {  	[tilespmem:s6+$0x6DD8] =	vst v18;
	v18 =	vmul.f32 v61, v17  }
0x100: {  	v17 =	vmul.f32 v62, v17;
	[tilespmem:s6+$0x6DE8] =	vst v19  }
0x101: {  	[tilespmem:s6+$0x6DF8] =	vst v18  }
0x102: {  	s9 =	sadd.s32 $0x10, s9;
	s31 =	sadd.s32 $0xA00, s31;
	[tilespmem:s6+$0x6E00] =	vst v17  }
0x103: {  	s6 =	simm.s32 $0x15A80;
	s7 =	simm.s32 $0x6E00  }
0x104: {  	[spmem:s2] =	stream.indirect.scatter.add.f32 [tilespmem:s7], [sflag:$0x1], $0x28, s6, s15, $0xb8;
	v63 =	vld [tilespmem:$0x0]  }
0x105: {  	s9 =	simm.s32 $0x7BC0;
	s7 =	simm.s32 $0x15AD8  }
0x106: {  	[spmem:s2] =	stream.indirect.scatter.add.f32 [tilespmem:s9], [sflag:$0x1], $0x28, s7, s15, $0xb8;
	v63 =	vld [tilespmem:$0x0]  }
0x107: {  	s7 =	simm.s32 $0x15B30;
	s9 =	simm.s32 $0x8980  }
0x108: {  	[spmem:s2] =	stream.indirect.scatter.add.f32 [tilespmem:s9], [sflag:$0x1], $0x28, s7, s15, $0xb8;
	v63 =	vld [tilespmem:$0x0]  }
0x109: {  	s7 =	simm.s32 $0x15B88;
	s9 =	simm.s32 $0x9740  }
0x10a: {  	[spmem:s2] =	stream.indirect.scatter.add.f32 [tilespmem:s9], [sflag:$0x1], $0x28, s7, s15, $0xb8;
	v63 =	vld [tilespmem:$0x0]  }
0x10b: {  	p0 =	seq.s32 s28, $0xB;
	s7 =	simm.s32 $0x15BE0;
	s9 =	simm.s32 $0xA500  }
0x10c: {  	[spmem:s2] =	stream.indirect.scatter.add.f32 [tilespmem:s9], [sflag:$0x1], $0x28, s7, s15, $0xb8;
	v63 =	vld [tilespmem:$0x0]  }
0x10d: {  	s6 =	smul.u32 @!p0 $0x2C0, s30;
	s7 =	simm.s32 $0x15C38;
	s9 =	simm.s32 $0xB2C0  }
0x10e: {  	[spmem:s2] =	stream.indirect.scatter.add.f32 [tilespmem:s9], [sflag:$0x1], $0x28, s7, s15, $0xb8;
	v63 =	vld [tilespmem:$0x0]  }
0x10f: {  	s6 =	sshrl.u32 @!p0 s6, $0x3;
	s7 =	simm.s32 $0x15C90;
	s9 =	simm.s32 $0xC080  }
0x110: {  	[spmem:s2] =	stream.indirect.scatter.add.f32 [tilespmem:s9], [sflag:$0x1], $0x28, s7, s15, $0xb8;
	v63 =	vld [tilespmem:$0x0]  }
0x111: {  	s6 =	sadd.s32 @!p0 s5, s6;
	s7 =	simm.s32 $0x15CE8;
	s9 =	simm.s32 $0xCE40  }
0x112: {  	[spmem:s2] =	stream.indirect.scatter.add.f32 [tilespmem:s9], [sflag:$0x1], $0x28, s7, s15, $0xb8;
	v63 =	vld [tilespmem:$0x0]  }
0x113: {  	s31 =	simm.s32 @!p0 $0x0;
	s9 =	sadd.s32 @!p0 $0xB0, s6;
	s7 =	simm.s32 @!p0 $0x14A00  }
0x114: {  	[tilespmem:s7], [sflag:$0x3] =	stream.linear.gather @!p0 [hbm4b:s9+s31], $0x2C0, $0x38;
	v63 =	vld [tilespmem:$0x0]  }
0x115: {  	p1 =	seq.s32 @!p0 s28, $0x0;
	s7 =	sadd.s32 @!p0 $0x84B0, s6;
	s9 =	simm.s32 @!p0 $0x14CC0  }
0x116: {  	[tilespmem:s9], [sflag:$0x3] =	stream.linear.gather @!p0 [hbm4b:s7+s31], $0x2C0, $0x38;
	v63 =	vld [tilespmem:$0x0]  }
0x117: {  	p1 =	por p0, !p1;
	s6 =	sadd.s32 @!p0 $0x108B0, s6;
	s7 =	simm.s32 @!p0 $0x14F80  }
0x118: {  	[tilespmem:s7], [sflag:$0x3] =	stream.linear.gather @!p0 [hbm4b:s6+s31], $0x2C0, $0x38;
	v63 =	vld [tilespmem:$0x0]  }
0x119: {  	_ =	swait.ge @p1 [sflag:s26], $0x6E00  }
0x11a: {  	[sflag:s26] =	ssyncset.done @p1 $0x0  }
0x11b: {  	[sflag:s26] =	ssyncadd.s32 @p1 $0xFFFF9200  }
0x11c: {  	_ =	swait.ge [sflag:s0], $0x2C0  }
0x11d: {  	[sflag:s0] =	ssyncset.done $0x0  }
0x11e: {  	[sflag:s0] =	ssyncadd.s32 $0xFFFFFD40  }
0x11f: {  	_ =	swait.ge [sflag:s0], $0x2C0  }
0x120: {  	[sflag:s0] =	ssyncset.done $0x0  }
0x121: {  	[sflag:s0] =	ssyncadd.s32 $0xFFFFFD40  }
0x122: {  	_ =	swait.ge [sflag:s0], $0x2C0  }
0x123: {  	[sflag:s0] =	ssyncset.done $0x0  }
0x124: {  	s31 =	simm.s32 $0x0;
	[sflag:s0] =	ssyncadd.s32 $0xFFFFFD40  }
0x125: {  	v17 =	vld [tilespmem:s31+$0x15540]  }
0x126: {  	v18 =	vld [tilespmem:s31+$0x15548]  }
0x127: {  	v19 =	vld [tilespmem:s31+$0x15800]  }
0x128: {  	v20 =	vld [tilespmem:s31+$0x15808]  }
0x129: {  	v21 =	vld [tilespmem:s31+$0x157C0]  }
0x12a: {  	v22 =	vld [tilespmem:s31+$0x157D0]  }
0x12b: {  	v23 =	vld [tilespmem:s31+$0x157E0]  }
0x12c: {  	v24 =	vld [tilespmem:s31+$0x157F0]  }
0x12d: {  	v25 =	vld [tilespmem:s31+$0x15500]  }
0x12e: {  	v27 =	vld [tilespmem:s31+$0x15510];
	_ =	sdelay $0x1  }
0x12f: {  	vm0 =	vgt.s32 v17, $0x0;
	vm1 =	vgt.s32 v19, $0x0;
	vm2 =	vgt.s32 v18, $0x0  }
0x130: {  	v28 =	vld [tilespmem:s31+$0x15520];
	vm8 =	vgt.s32 v20, $0x0;
	vm9 =	vgt.s32 v21, $0x0;
	vm10 =	vgt.s32 v22, $0x0  }
0x131: {  	v29 =	vld [tilespmem:s31+$0x15530];
	vm11 =	vgt.s32 v23, $0x0;
	vm12 =	vgt.s32 v24, $0x0;
	vm13 =	vgt.s32 v25, $0x0  }
0x132: {  	vm14 =	vgt.s32 v27, $0x0;
	v17 =	vnsel vm0, $0x0, v17;
	v19 =	vnsel vm1, $0x0, v19  }
0x133: {  	v18 =	vnsel vm2, $0x0, v18;
	v20 =	vnsel vm8, $0x0, v20;
	v19 =	vmin.u32 v19, $0x7F  }
0x134: {  	v17 =	vmin.u32 v17, $0x7F;
	v20 =	vmin.u32 v20, $0x7F;
	v19 =	vshll.u32 v19, $0x7  }
0x135: {  	v18 =	vmin.u32 v18, $0x7F;
	v17 =	vor.u32 v17, v19;
	v19 =	vshll.u32 v20, $0x7  }
0x136: {  	vm15 =	vgt.s32 v28, $0x0;
	vm3 =	vgt.s32 v29, $0x0;
	v18 =	vor.u32 v18, v19;
	[tilespmem:s31+$0x15D80] =	vst v17  }
0x137: {  	s6 =	simm.s32 $0x58;
	v26 =	vnsel vm13, $0x0, v25;
	v27 =	vnsel vm14, $0x0, v27;
	v25 =	vnsel vm15, $0x0, v28;
	[tilespmem:s31+$0x15D88] =	vst v18  }
0x138: {  	v20 =	vnsel vm11, $0x0, v23;
	v19 =	vnsel vm9, $0x0, v21;
	v17 =	vnsel vm10, $0x0, v22;
	v18 =	vld [tilespmem:s6+$0x15540]  }
0x139: {  	v22 =	vnsel vm12, $0x0, v24;
	v24 =	vmin.u32 v20, $0x7F;
	v21 =	vmin.u32 v17, $0x7F;
	v17 =	vld [tilespmem:s6+$0x15548]  }
0x13a: {  	s9 =	simm.s32 $0x2C0;
	v23 =	vmin.u32 v19, $0x7F;
	v20 =	vmin.u32 v22, $0x7F;
	v22 =	vnsel vm3, $0x0, v29;
	v19 =	vld [tilespmem:s6+$0x15800]  }
.LBB2_9:
0x13b: {  	p1 =	sne.s32 s9, $0x9A0;
	v28 =	vld [tilespmem:s6+$0x15808];
	v23 =	vshll.u32 v23, $0x7;
	v21 =	vshll.u32 v21, $0x7;
	v24 =	vshll.u32 v24, $0x7  }
0x13c: {  	v26 =	vmin.u32 v26, $0x7F;
	v27 =	vmin.u32 v27, $0x7F;
	v20 =	vshll.u32 v20, $0x7;
	v29 =	vld [tilespmem:s6+$0x157C0]  }
0x13d: {  	v25 =	vmin.u32 v25, $0x7F;
	v22 =	vmin.u32 v22, $0x7F;
	v23 =	vor.u32 v26, v23;
	v30 =	vld [tilespmem:s6+$0x157D0]  }
0x13e: {  	v21 =	vor.u32 v27, v21;
	v20 =	vor.u32 v22, v20;
	v26 =	vld [tilespmem:s6+$0x157E0];
	[tilespmem:s31+$0x15D40] =	vst v23;
	v23 =	vor.u32 v25, v24  }
0x13f: {  	vm0 =	vgt.s32 v18, $0x0;
	vm2 =	vgt.s32 v17, $0x0;
	v22 =	vld [tilespmem:s6+$0x157F0];
	vm1 =	vgt.s32 v19, $0x0;
	[tilespmem:s31+$0x15D50] =	vst v21  }
0x140: {  	v18 =	vnsel vm0, $0x0, v18;
	v24 =	vld [tilespmem:s6+$0x15500];
	v19 =	vnsel vm1, $0x0, v19;
	vm0 =	vgt.s32 v28, $0x0;
	[tilespmem:s31+$0x15D60] =	vst v23  }
0x141: {  	v17 =	vnsel vm2, $0x0, v17;
	v25 =	vld [tilespmem:s6+$0x15510];
	v19 =	vmin.u32 v19, $0x7F;
	v21 =	vnsel vm0, $0x0, v28;
	[tilespmem:s31+$0x15D70] =	vst v20;
	s31 =	smov.u32 s6  }
0x142: {  	v18 =	vmin.u32 v18, $0x7F;
	v28 =	vld [tilespmem:s31+$0x15520];
	v19 =	vshll.u32 v19, $0x7;
	v20 =	vmin.u32 v21, $0x7F  }
0x143: {  	v17 =	vmin.u32 v17, $0x7F;
	v31 =	vld [tilespmem:s31+$0x15530];
	v18 =	vor.u32 v18, v19;
	v19 =	vshll.u32 v20, $0x7  }
0x144: {  	vm0 =	vgt.s32 v29, $0x0;
	vm1 =	vgt.s32 v30, $0x0;
	[tilespmem:s31+$0x15D80] =	vst v18;
	v17 =	vor.u32 v17, v19  }
0x145: {  	v19 =	vnsel vm0, $0x0, v29;
	vm0 =	vgt.s32 v26, $0x0;
	vm2 =	vgt.s32 v22, $0x0;
	[tilespmem:s31+$0x15D88] =	vst v17  }
.Ltmp5:
0x146: {  	v17 =	vnsel vm1, $0x0, v30;
	v20 =	vnsel vm0, $0x0, v26;
	v22 =	vnsel vm2, $0x0, v22;
	(pc) =	sbr.rel @p1 .LBB2_9-.Ltmp5, $4  }
0x147: {  	s6 =	sshra.s32 s9, $0x2;
	vm0 =	vgt.s32 v24, $0x0;
	vm1 =	vgt.s32 v25, $0x0;
	vm2 =	vgt.s32 v28, $0x0  }
0x148: {  	v23 =	vmin.u32 v19, $0x7F;
	v21 =	vmin.u32 v17, $0x7F;
	v18 =	vld [tilespmem:s6+$0x15540];
	vm3 =	vgt.s32 v31, $0x0  }
0x149: {  	v26 =	vnsel vm0, $0x0, v24;
	v24 =	vmin.u32 v20, $0x7F;
	v20 =	vmin.u32 v22, $0x7F;
	v17 =	vld [tilespmem:s6+$0x15548]  }
0x14a: {  	s9 =	sadd.s32 $0x160, s9;
	v27 =	vnsel vm1, $0x0, v25;
	v25 =	vnsel vm2, $0x0, v28;
	v22 =	vnsel vm3, $0x0, v31;
	v19 =	vld [tilespmem:s6+$0x15800]  }
0x14b: {  	v28 =	vld [tilespmem:s6+$0x15808];
	v23 =	vshll.u32 v23, $0x7;
	v26 =	vmin.u32 v26, $0x7F  }
0x14c: {  	v29 =	vld [tilespmem:s6+$0x157C0];
	v21 =	vshll.u32 v21, $0x7;
	v27 =	vmin.u32 v27, $0x7F;
	v55 =	vshll.u32 v24, $0x7  }
0x14d: {  	v30 =	vld [tilespmem:s6+$0x157D0];
	v56 =	vmin.u32 v25, $0x7F;
	v20 =	vshll.u32 v20, $0x7;
	v22 =	vmin.u32 v22, $0x7F  }
0x14e: {  	v54 =	vld [tilespmem:s6+$0x157E0];
	v23 =	vor.u32 v26, v23;
	v21 =	vor.u32 v27, v21;
	v20 =	vor.u32 v22, v20  }
0x14f: {  	[tilespmem:s31+$0x15D40] =	vst v23;
	v23 =	vor.u32 v56, v55;
	vm0 =	vgt.s32 v18, $0x0;
	vm2 =	vgt.s32 v17, $0x0  }
0x150: {  	v18 =	vnsel vm0, $0x0, v18;
	vm1 =	vgt.s32 v19, $0x0;
	v17 =	vnsel vm2, $0x0, v17  }
0x151: {  	v18 =	vmin.u32 v18, $0x7F;
	v19 =	vnsel vm1, $0x0, v19;
	vm8 =	vgt.s32 v28, $0x0  }
0x152: {  	v57 =	vld [tilespmem:s6+$0x157F0];
	[tilespmem:s31+$0x15D50] =	vst v21;
	v17 =	vmin.u32 v17, $0x7F;
	vm9 =	vgt.s32 v29, $0x0;
	vm10 =	vgt.s32 v30, $0x0  }
0x153: {  	v21 =	vld [tilespmem:s6+$0x15500];
	[tilespmem:s31+$0x15D60] =	vst v23;
	vm11 =	vgt.s32 v54, $0x0;
	v19 =	vmin.u32 v19, $0x7F;
	v59 =	vnsel vm8, $0x0, v28  }
0x154: {  	v58 =	vld [tilespmem:s6+$0x15510];
	[tilespmem:s31+$0x15D70] =	vst v20;
	v60 =	vnsel vm9, $0x0, v29;
	v61 =	vnsel vm10, $0x0, v30;
	v26 =	vnsel vm11, $0x0, v54  }
0x155: {  	v20 =	vld [tilespmem:s6+$0x15520];
	v19 =	vshll.u32 v19, $0x7;
	v23 =	vmin.u32 v59, $0x7F;
	v24 =	vmin.u32 v61, $0x7F  }
0x156: {  	v26 =	vmin.u32 v26, $0x7F;
	v18 =	vor.u32 v18, v19;
	v19 =	vld [tilespmem:s6+$0x15530];
	v23 =	vshll.u32 v23, $0x7  }
0x157: {  	vm12 =	vgt.s32 v57, $0x0;
	v62 =	vshll.u32 v26, $0x7;
	v17 =	vor.u32 v17, v23  }
0x158: {  	v25 =	vnsel vm12, $0x0, v57;
	vm13 =	vgt.s32 v21, $0x0;
	v23 =	vmin.u32 v60, $0x7F;
	[tilespmem:s6+$0x15D80] =	vst v18  }
0x159: {  	vm14 =	vgt.s32 v58, $0x0;
	v21 =	vnsel vm13, $0x0, v21;
	[tilespmem:s6+$0x15D88] =	vst v17;
	v17 =	vshll.u32 v24, $0x7  }
0x15a: {  	vm15 =	vgt.s32 v20, $0x0;
	v22 =	vnsel vm14, $0x0, v58;
	v21 =	vmin.u32 v21, $0x7F  }
0x15b: {  	v20 =	vnsel vm15, $0x0, v20;
	v22 =	vmin.u32 v22, $0x7F;
	vm3 =	vgt.s32 v19, $0x0  }
0x15c: {  	v17 =	vor.u32 v22, v17;
	v18 =	vnsel vm3, $0x0, v19;
	v19 =	vshll.u32 v23, $0x7  }
0x15d: {  	v25 =	vmin.u32 v25, $0x7F;
	v20 =	vmin.u32 v20, $0x7F;
	[tilespmem:s6+$0x15D50] =	vst v17;
	v19 =	vor.u32 v21, v19  }
0x15e: {  	v20 =	vor.u32 v20, v62;
	v18 =	vmin.u32 v18, $0x7F;
	[tilespmem:s6+$0x15D40] =	vst v19;
	v19 =	vshll.u32 v25, $0x7  }
0x15f: {  	[tilespmem:s6+$0x15D60] =	vst v20;
	v17 =	vor.u32 v18, v19  }
0x160: {  	s9 =	simm.s32 $0x15240;
	s31 =	simm.s32 $0x9C0;
	[tilespmem:s6+$0x15D70] =	vst v17  }
.LBB2_11:
0x161: {  	v17 =	vld [tilespmem:s9+$0x0]  }
0x162: {  	s6 =	sshra.s32 s31, $0x2  }
0x163: {  	v18 =	vld [tilespmem:s6+$0xFFFFFD90]  }
0x164: {  	v19 =	vld [tilespmem:s6+$0xFFFFFDA0]  }
0x165: {  	v20 =	vld [tilespmem:s6+$0xFFFFFDA8]  }
0x166: {  	v22 =	vld [tilespmem:s6+$0xFFFFFDB8];
	v21 =	vperm.xlane v17, v1  }
0x167: {  	v23 =	vld [tilespmem:s6+$0xFFFFFDC8]  }
0x168: {  	v24 =	vld [tilespmem:s6+$0xFFFFFDD0];
	v18 =	vmul.f32 v18, v21  }
0x169: {  	v26 =	vld [tilespmem:s6+$0xFFFFFDE0];
	v25 =	vperm.xlane v17, v2;
	v19 =	vmul.f32 v19, v21  }
0x16a: {  	v44 =	vld [tilespmem:s6+$0xFFFFFDF0];
	[tilespmem:s6+$0xD990] =	vst v18;
	v18 =	vmul.f32 v20, v21  }
0x16b: {  	v45 =	vld [tilespmem:s6+$0xFFFFFDF8];
	[tilespmem:s6+$0xD9A0] =	vst v19;
	v19 =	vmul.f32 v22, v25  }
0x16c: {  	v47 =	vld [tilespmem:s6+$0xFFFFFE08];
	v46 =	vperm.xlane v17, v3;
	[tilespmem:s6+$0xD9A8] =	vst v18;
	v18 =	vmul.f32 v23, v25  }
0x16d: {  	v48 =	vld [tilespmem:s6+$0xFFFFFE18];
	[tilespmem:s6+$0xD9B8] =	vst v19;
	v19 =	vmul.f32 v24, v25  }
0x16e: {  	v49 =	vld [tilespmem:s6+$0xFFFFFE20];
	[tilespmem:s6+$0xD9C8] =	vst v18;
	v18 =	vmul.f32 v26, v46  }
0x16f: {  	v51 =	vld [tilespmem:s6+$0xFFFFFE30];
	v50 =	vperm.xlane v17, v4;
	[tilespmem:s6+$0xD9D0] =	vst v19;
	v19 =	vmul.f32 v44, v46  }
0x170: {  	v52 =	vld [tilespmem:s6+$0xFFFFFE40];
	[tilespmem:s6+$0xD9E0] =	vst v18;
	v18 =	vmul.f32 v45, v46  }
0x171: {  	v53 =	vld [tilespmem:s6+$0xFFFFFE48];
	[tilespmem:s6+$0xD9F0] =	vst v19;
	v19 =	vmul.f32 v47, v50  }
0x172: {  	v55 =	vld [tilespmem:s6+$0xFFFFFE58];
	v54 =	vperm.xlane v17, v5;
	[tilespmem:s6+$0xD9F8] =	vst v18;
	v18 =	vmul.f32 v48, v50  }
0x173: {  	v56 =	vld [tilespmem:s6+$0xFFFFFE68];
	[tilespmem:s6+$0xDA08] =	vst v19;
	v19 =	vmul.f32 v49, v50  }
0x174: {  	v57 =	vld [tilespmem:s6+$0xFFFFFE70];
	[tilespmem:s6+$0xDA18] =	vst v18;
	v18 =	vmul.f32 v51, v54  }
0x175: {  	v59 =	vld [tilespmem:s6+$0xFFFFFE80];
	v58 =	vperm.xlane v17, v6;
	[tilespmem:s6+$0xDA20] =	vst v19;
	v19 =	vmul.f32 v52, v54  }
0x176: {  	v60 =	vld [tilespmem:s6+$0xFFFFFE90];
	[tilespmem:s6+$0xDA30] =	vst v18;
	v18 =	vmul.f32 v53, v54  }
0x177: {  	v61 =	vld [tilespmem:s6+$0xFFFFFE98];
	[tilespmem:s6+$0xDA40] =	vst v19;
	v19 =	vmul.f32 v55, v58  }
0x178: {  	v28 =	vld [tilespmem:s6+$0xFFFFFEA8];
	v62 =	vperm.xlane v17, v7;
	[tilespmem:s6+$0xDA48] =	vst v18;
	v18 =	vmul.f32 v56, v58  }
0x179: {  	v29 =	vld [tilespmem:s6+$0xFFFFFEB8];
	[tilespmem:s6+$0xDA58] =	vst v19;
	v19 =	vmul.f32 v57, v58  }
0x17a: {  	v30 =	vld [tilespmem:s6+$0xFFFFFEC0];
	[tilespmem:s6+$0xDA68] =	vst v18;
	v18 =	vmul.f32 v59, v62  }
0x17b: {  	v32 =	vld [tilespmem:s6+$0xFFFFFED0];
	v31 =	vperm.xlane v17, v8;
	[tilespmem:s6+$0xDA70] =	vst v19;
	v19 =	vmul.f32 v60, v62  }
0x17c: {  	v33 =	vld [tilespmem:s6+$0xFFFFFEE0];
	[tilespmem:s6+$0xDA80] =	vst v18;
	v18 =	vmul.f32 v61, v62  }
0x17d: {  	v34 =	vld [tilespmem:s6+$0xFFFFFEE8];
	[tilespmem:s6+$0xDA90] =	vst v19;
	v19 =	vmul.f32 v28, v31  }
0x17e: {  	v36 =	vld [tilespmem:s6+$0xFFFFFEF8];
	v35 =	vperm.xlane v17, v9;
	[tilespmem:s6+$0xDA98] =	vst v18;
	v18 =	vmul.f32 v29, v31  }
0x17f: {  	v37 =	vld [tilespmem:s6+$0xFFFFFF08];
	[tilespmem:s6+$0xDAA8] =	vst v19;
	v19 =	vmul.f32 v30, v31  }
0x180: {  	v38 =	vld [tilespmem:s6+$0xFFFFFF10];
	[tilespmem:s6+$0xDAB8] =	vst v18;
	v18 =	vmul.f32 v32, v35  }
0x181: {  	v40 =	vld [tilespmem:s6+$0xFFFFFF20];
	v39 =	vperm.xlane v17, v10;
	[tilespmem:s6+$0xDAC0] =	vst v19;
	v19 =	vmul.f32 v33, v35  }
0x182: {  	v41 =	vld [tilespmem:s6+$0xFFFFFF30];
	[tilespmem:s6+$0xDAD0] =	vst v18;
	v18 =	vmul.f32 v34, v35  }
0x183: {  	v42 =	vld [tilespmem:s6+$0xFFFFFF38];
	[tilespmem:s6+$0xDAE0] =	vst v19;
	v19 =	vmul.f32 v36, v39  }
0x184: {  	v43 =	vperm.xlane v17, v11;
	v44 =	vld [tilespmem:s6+$0xFFFFFF48];
	[tilespmem:s6+$0xDAE8] =	vst v18;
	v18 =	vmul.f32 v37, v39  }
0x185: {  	v45 =	vld [tilespmem:s6+$0xFFFFFF58];
	[tilespmem:s6+$0xDAF8] =	vst v19;
	v19 =	vmul.f32 v38, v39  }
0x186: {  	v46 =	vld [tilespmem:s6+$0xFFFFFF60];
	[tilespmem:s6+$0xDB08] =	vst v18;
	v18 =	vmul.f32 v40, v43  }
0x187: {  	v47 =	vperm.xlane v17, v12;
	v48 =	vld [tilespmem:s6+$0xFFFFFF70];
	[tilespmem:s6+$0xDB10] =	vst v19;
	v19 =	vmul.f32 v41, v43  }
0x188: {  	v49 =	vld [tilespmem:s6+$0xFFFFFF80];
	[tilespmem:s6+$0xDB20] =	vst v18;
	v18 =	vmul.f32 v42, v43  }
0x189: {  	v50 =	vld [tilespmem:s6+$0xFFFFFF88];
	[tilespmem:s6+$0xDB30] =	vst v19;
	v19 =	vmul.f32 v44, v47  }
0x18a: {  	v51 =	vperm.xlane v17, v13;
	v52 =	vld [tilespmem:s6+$0xFFFFFF98];
	[tilespmem:s6+$0xDB38] =	vst v18;
	v18 =	vmul.f32 v45, v47  }
0x18b: {  	v53 =	vld [tilespmem:s6+$0xFFFFFFA8];
	[tilespmem:s6+$0xDB48] =	vst v19;
	v19 =	vmul.f32 v46, v47  }
0x18c: {  	v54 =	vld [tilespmem:s6+$0xFFFFFFB0];
	[tilespmem:s6+$0xDB58] =	vst v18;
	v18 =	vmul.f32 v48, v51  }
0x18d: {  	v55 =	vperm.xlane v17, v14;
	v56 =	vld [tilespmem:s6+$0xFFFFFFC0];
	[tilespmem:s6+$0xDB60] =	vst v19;
	v19 =	vmul.f32 v49, v51  }
0x18e: {  	v57 =	vld [tilespmem:s6+$0xFFFFFFD0];
	[tilespmem:s6+$0xDB70] =	vst v18;
	v18 =	vmul.f32 v50, v51  }
0x18f: {  	v58 =	vld [tilespmem:s6+$0xFFFFFFD8];
	[tilespmem:s6+$0xDB80] =	vst v19;
	v19 =	vmul.f32 v52, v55  }
0x190: {  	v59 =	vperm.xlane v17, v15;
	v60 =	vld [tilespmem:s6+$0xFFFFFFE8];
	[tilespmem:s6+$0xDB88] =	vst v18;
	v18 =	vmul.f32 v53, v55  }
0x191: {  	v61 =	vld [tilespmem:s6+$0xFFFFFFF8];
	[tilespmem:s6+$0xDB98] =	vst v19;
	v19 =	vmul.f32 v54, v55  }
0x192: {  	v62 =	vld [tilespmem:s6+$0x0];
	[tilespmem:s6+$0xDBA8] =	vst v18;
	v18 =	vmul.f32 v56, v59  }
0x193: {  	v17 =	vperm.xlane v17, v16;
	[tilespmem:s6+$0xDBB0] =	vst v19;
	v19 =	vmul.f32 v57, v59  }
0x194: {  	p1 =	sne.s32 s31, $0x1B7C0;
	[tilespmem:s6+$0xDBC0] =	vst v18;
	v18 =	vmul.f32 v58, v59  }
.Ltmp6:
0x195: {  	[tilespmem:s6+$0xDBD0] =	vst v19;
	v19 =	vmul.f32 v60, v17;
	(pc) =	sbr.rel @p1 .LBB2_11-.Ltmp6, $4  }
0x196: {  	[tilespmem:s6+$0xDBD8] =	vst v18;
	v18 =	vmul.f32 v61, v17  }
0x197: {  	v17 =	vmul.f32 v62, v17;
	[tilespmem:s6+$0xDBE8] =	vst v19  }
0x198: {  	[tilespmem:s6+$0xDBF8] =	vst v18  }
0x199: {  	s9 =	sadd.s32 $0x10, s9;
	s31 =	sadd.s32 $0xA00, s31;
	[tilespmem:s6+$0xDC00] =	vst v17  }
0x19a: {  	s6 =	simm.s32 $0x15D40;
	s7 =	simm.s32 $0xDC00  }
0x19b: {  	[spmem:s2] =	stream.indirect.scatter.add.f32 [tilespmem:s7], [sflag:$0x2], $0x28, s6, s15, $0xb8;
	v63 =	vld [tilespmem:$0x0]  }
0x19c: {  	s31 =	simm.s32 $0x15D98  }
0x19d: {  	[spmem:s2] =	stream.indirect.scatter.add.f32 [tilespmem:s12], [sflag:$0x2], $0x28, s31, s15, $0xb8;
	v63 =	vld [tilespmem:$0x0]  }
0x19e: {  	_ = 	snop  }
0x19f: {  	[spmem:s2] =	stream.indirect.scatter.add.f32 [tilespmem:s16], [sflag:$0x2], $0x28, s13, s15, $0xb8;
	v63 =	vld [tilespmem:$0x0]  }
0x1a0: {  	_ = 	snop  }
0x1a1: {  	[spmem:s2] =	stream.indirect.scatter.add.f32 [tilespmem:s18], [sflag:$0x2], $0x28, s17, s15, $0xb8;
	v63 =	vld [tilespmem:$0x0]  }
0x1a2: {  	_ = 	snop  }
0x1a3: {  	[spmem:s2] =	stream.indirect.scatter.add.f32 [tilespmem:s20], [sflag:$0x2], $0x28, s19, s15, $0xb8;
	v63 =	vld [tilespmem:$0x0]  }
0x1a4: {  	_ = 	snop  }
0x1a5: {  	[spmem:s2] =	stream.indirect.scatter.add.f32 [tilespmem:s22], [sflag:$0x2], $0x28, s21, s15, $0xb8;
	v63 =	vld [tilespmem:$0x0]  }
.Ltmp7:
0x1a6: {  	_ = 	snop;
	(pc) =	sbr.rel @p0 .LBB2_14-.Ltmp7, $4  }
0x1a7: {  	_ = 	snop  }
0x1a8: {  	[spmem:s2] =	stream.indirect.scatter.add.f32 [tilespmem:s24], [sflag:$0x2], $0x28, s23, s15, $0xb8;
	v63 =	vld [tilespmem:$0x0]  }
0x1a9: {  	_ = 	snop  }
0x1aa: {  	[spmem:s2] =	stream.indirect.scatter.add.f32 [tilespmem:s25], [sflag:$0x2], $0x28, s11, s15, $0xb8;
	v63 =	vld [tilespmem:$0x0]  }
0x1ab: {  	s6 =	smul.u32 $0x2C0, s30;
	_ =	sdelay $0x1  }
0x1ac: {  	s6 =	sshrl.u32 s6, $0x3  }
0x1ad: {  	s6 =	sadd.s32 s5, s6  }
0x1ae: {  	s9 =	simm.s32 $0x15240;
	s7 =	sadd.s32 $0x108, s6  }
0x1af: {  	[tilespmem:s9], [sflag:$0x4] =	stream.linear.gather [hbm4b:s7+s3], $0x2C0, $0x38;
	v63 =	vld [tilespmem:$0x0]  }
.Ltmp8:
0x1b0: {  	_ = 	snop;
	(pc) =	sbr.rel .LBB2_4-.Ltmp8, $4  }
0x1b1: {  	s30 =	simm.s32 $0x15500;
	s9 =	sadd.s32 $0x8508, s6  }
0x1b2: {  	[tilespmem:s30], [sflag:$0x4] =	stream.linear.gather [hbm4b:s9+s3], $0x2C0, $0x38;
	v63 =	vld [tilespmem:$0x0]  }
0x1b3: {  	s31 =	simm.s32 $0x157C0;
	s28 =	sadd.s32 $0x1, s28;
	s6 =	sadd.s32 $0x10908, s6  }
0x1b4: {  	[tilespmem:s31], [sflag:$0x4] =	stream.linear.gather [hbm4b:s6+s3], $0x2C0, $0x38;
	v63 =	vld [tilespmem:$0x0]  }
.LBB2_15:
0x1b5: {  	_ =	sfence.sel $0x180000  }
0x1b6: {  	[bflag:$0x0] =	sbarrier.arrive $0xFFFF  }
0x1b7: {  	_ =	strace $0x90000047  }
0x1b8: {  	s0 =	stileid.u32;
	[bflag:$0x2] =	sbarrier.arrive $0xFFFF  }
0x1b9: {  	p0 =	sne.s32 s0, $0x0;
	s0 =	rddreg [dreg:$0x3]  }
0x1ba: {  	s0 =	sadd.s32 @!p0 $0x100000, s0  }
0x1bb: {  	[sflag:s0] =	ssyncadd.tile.s32 @!p0 $0x1;
	_ =	shalt  }
.Lfunc_end2:
_tile_overlayer_lowered:
.L_overlay_start_2:
0x1bc: {  	(tag) =	ssettag $0x2  }
0x1bd: {  	s0 =	rddreg [dreg:$0x0];
	s2 =	stileid.u32  }
0x1be: {  	s1 =	rddreg [dreg:$0x1];
	p0 =	sne.s32 s2, $0x0  }
0x1bf: {  	s3 =	rddreg [dreg:$0x2];
	[bflag:$0x3] =	sbarrier.arrive $0xFFFF;
	s2 =	simm.s32 @!p0 $0x1C05  }
0x1c0: {  	[timem:s3], [sflag:s2] =	dma.local @!p0 [hbm:s0], s1  }
0x1c1: {  	s0 =	simm.s32 @!p0 $0x5  }
0x1c2: {  	_ =	swait.ge @!p0 [sflag:s0], s1  }
0x1c3: {  	s1 =	ssub.s32 @!p0 $0x0, s1;
	[sflag:s0] =	ssyncset.done @!p0 $0x0  }
0x1c4: {  	[sflag:s0] =	ssyncadd.s32 @!p0 s1  }
0x1c5: {  	[bflag:$0x3] =	sbarrier.arrive $0xFFFF  }
0x1c6: {  	_ =	shalt  }

</sc_bundles>
